<compile_context>
chip_gen: v7x
topology: tpu7x:2x2x1
jax: 0.10.2.dev20260603
libtpu: 0.0.44.dev20260713+nightly
codegen_flags: <defaults>
</compile_context>

<pallas_src>
import functools

import jax
import jax.numpy as jnp
from jax import lax
from jax.experimental import pallas as pl
from jax.experimental.pallas import tpu as pltpu
from jax.experimental.pallas import tpu_sc as plsc

_N = 10000
_D = 128
_E = 320000
_NC = 2
_NS = 16
_NW = _NC * _NS
_G = 84
_NB = 14
_EPW = _G * 128
_EPAD = _NW * _EPW
_NPAD = 10040
_RPT = 632
_NG = 64
_NCLS = 10


def _sc_segsum(x, idx4):
    mesh = plsc.VectorSubcoreMesh(core_axis_name="c", subcore_axis_name="s")

    @functools.partial(
        pl.kernel,
        out_type=jax.ShapeDtypeStruct((_NC, _NPAD, _D), jnp.float32),
        mesh=mesh,
        scratch_types=[
            pltpu.VMEM((4, 128), jnp.int32),
            pltpu.VMEM((4, 128), jnp.int32),
            pltpu.VMEM((4, 128), jnp.int32),
            pltpu.VMEM((128, _D), jnp.float32),
            pltpu.VMEM((128, _D), jnp.float32),
            pltpu.VMEM((128, _D), jnp.float32),
            pltpu.VMEM_SHARED((_NPAD, _D), jnp.float32),
            pltpu.SemaphoreType.DMA,
            pltpu.SemaphoreType.DMA,
            pltpu.SemaphoreType.DMA,
            pltpu.SemaphoreType.DMA,
        ],
    )
    def seg(x_hbm, idx_hbm, out_hbm, ib0, ib1, ib2, b0, b1, b2, agg_sh,
            gsem, isem0, isem1, isem2):
        c = lax.axis_index("c")
        s = lax.axis_index("s")
        wid = c * _NS + s

        zero = jnp.zeros((16,), jnp.float32)

        def zbody(i, carry):
            for jj in range(8):
                b0[i, pl.ds(jj * 16, 16)] = zero
            return carry

        lax.fori_loop(0, 128, zbody, 0)
        base = s * _RPT
        for k in range(4):
            pltpu.sync_copy(b0, agg_sh.at[pl.ds(base + k * 128, 128)])

        @pl.when(s < _NS - 1)
        def _():
            pltpu.sync_copy(b0.at[pl.ds(0, 120)],
                            agg_sh.at[pl.ds(base + 512, 120)])

        @pl.when(s == _NS - 1)
        def _():
            pltpu.sync_copy(b0.at[pl.ds(0, 48)],
                            agg_sh.at[pl.ds(base + 512, 48)])

        plsc.subcore_barrier()

        bufs = (b0, b1, b2)
        ibs = (ib0, ib1, ib2)

        def gissue(ib, row, b):
            pltpu.async_copy(x_hbm.at[ib.at[row]], bufs[b], gsem)

        isems = (isem0, isem1, isem2)

        def gdrain(b):
            pltpu.make_async_copy(x_hbm.at[ib0.at[0]], bufs[b], gsem).wait()

        def idrain(q):
            pltpu.make_async_copy(idx_hbm.at[wid, 0], ibs[q],
                                  isems[q]).wait()

        pltpu.sync_copy(idx_hbm.at[wid, 0], ib0)
        pltpu.async_copy(idx_hbm.at[wid, 1], ib1, isem1)
        pltpu.async_copy(idx_hbm.at[wid, 2], ib2, isem2)
        gissue(ib0, 0, 0)
        gissue(ib0, 1, 1)

        def body(m, carry):
            for i in range(6):
                if i == 0 or i == 2:
                    idrain(i // 2 + 1)
                if i == 4:
                    @pl.when(m < _NB - 1)
                    def _():
                        idrain(0)
                gdrain(i % 3)
                if i < 4:
                    gissue(ibs[(i + 2) // 2], i % 2, (i + 2) % 3)
                else:
                    @pl.when(m < _NB - 1)
                    def _():
                        gissue(ib0, i % 2, (i + 2) % 3)
                pltpu.sync_copy(bufs[i % 3], agg_sh.at[ibs[i // 2].at[2 + i % 2]],
                                add=True)
                if i % 2 == 1:
                    @pl.when(m < _NB - 1)
                    def _():
                        pltpu.async_copy(idx_hbm.at[wid, 3 * m + 3 + i // 2],
                                         ibs[i // 2], isems[i // 2])
            return carry

        lax.fori_loop(0, _NB, body, 0)
        plsc.subcore_barrier()

        @pl.when(s < _NS - 1)
        def _():
            pltpu.sync_copy(agg_sh.at[pl.ds(base, _RPT)],
                            out_hbm.at[c, pl.ds(base, _RPT)])

        @pl.when(s == _NS - 1)
        def _():
            pltpu.sync_copy(agg_sh.at[pl.ds(base, 560)],
                            out_hbm.at[c, pl.ds(base, 560)])

    return seg(x, idx4)


def _tc_layer_body(h_ref, agg_ref, w1_ref, b1_ref, g1_ref, bt1_ref,
                   w2_ref, b2_ref, g_ref, b_ref, out_ref, *, relu_out):
    z = h_ref[...] + agg_ref[0, :_N, :] + agg_ref[1, :_N, :]
    a = jnp.dot(z, w1_ref[...], preferred_element_type=jnp.float32) + b1_ref[...]
    m = jnp.mean(a, axis=0, keepdims=True)
    v = jnp.mean((a - m) * (a - m), axis=0, keepdims=True)
    a = (a - m) * lax.rsqrt(v + 1e-5) * g1_ref[...] + bt1_ref[...]
    a = jnp.maximum(a, 0.0)
    o = jnp.dot(a, w2_ref[...], preferred_element_type=jnp.float32) + b2_ref[...]
    m2 = jnp.mean(o, axis=0, keepdims=True)
    v2 = jnp.mean((o - m2) * (o - m2), axis=0, keepdims=True)
    o = (o - m2) * lax.rsqrt(v2 + 1e-5) * g_ref[...] + b_ref[...]
    if relu_out:
        o = jnp.maximum(o, 0.0)
    out_ref[...] = o


def _tc_layer(h, agg, conv, bn, relu_out):
    body = functools.partial(_tc_layer_body, relu_out=relu_out)
    return pl.pallas_call(
        body,
        out_shape=jax.ShapeDtypeStruct((_N, _D), jnp.float32),
    )(h, agg,
      conv['W1'], conv['b1'].reshape(1, -1), conv['g1'].reshape(1, -1),
      conv['bt1'].reshape(1, -1), conv['W2'], conv['b2'].reshape(1, -1),
      bn['g'].reshape(1, -1), bn['b'].reshape(1, -1))


def _tc_final_body(h_ref, agg_ref, w1_ref, b1_ref, g1_ref, bt1_ref,
                   w2_ref, b2_ref, g_ref, b_ref, batch_ref, wc_ref, bc_ref,
                   out_ref):
    z = h_ref[...] + agg_ref[0, :_N, :] + agg_ref[1, :_N, :]
    a = jnp.dot(z, w1_ref[...], preferred_element_type=jnp.float32) + b1_ref[...]
    m = jnp.mean(a, axis=0, keepdims=True)
    v = jnp.mean((a - m) * (a - m), axis=0, keepdims=True)
    a = (a - m) * lax.rsqrt(v + 1e-5) * g1_ref[...] + bt1_ref[...]
    a = jnp.maximum(a, 0.0)
    o = jnp.dot(a, w2_ref[...], preferred_element_type=jnp.float32) + b2_ref[...]
    m2 = jnp.mean(o, axis=0, keepdims=True)
    v2 = jnp.mean((o - m2) * (o - m2), axis=0, keepdims=True)
    o = (o - m2) * lax.rsqrt(v2 + 1e-5) * g_ref[...] + b_ref[...]
    gid = lax.broadcasted_iota(jnp.int32, (_N, _NG), 1)
    mask = (batch_ref[...] == gid).astype(jnp.float32)
    sums = lax.dot_general(mask, o, (((0,), (0,)), ((), ())),
                           preferred_element_type=jnp.float32)
    cnt = jnp.sum(mask, axis=0, keepdims=True)
    hg = sums / jnp.maximum(cnt, 1.0).reshape(_NG, 1)
    out_ref[...] = jnp.dot(hg, wc_ref[...],
                           preferred_element_type=jnp.float32) + bc_ref[...]


def _tc_final(h, agg, conv, bn, batch, cls):
    return pl.pallas_call(
        _tc_final_body,
        out_shape=jax.ShapeDtypeStruct((_NG, _NCLS), jnp.float32),
    )(h, agg,
      conv['W1'], conv['b1'].reshape(1, -1), conv['g1'].reshape(1, -1),
      conv['bt1'].reshape(1, -1), conv['W2'], conv['b2'].reshape(1, -1),
      bn['g'].reshape(1, -1), bn['b'].reshape(1, -1),
      batch.reshape(_N, 1), cls['W'], cls['b'].reshape(1, -1))


def kernel(x, edge_index, batch, params):
    pad = _EPAD - _E
    r = jnp.arange(pad, dtype=jnp.int32)
    src3 = jnp.concatenate(
        [edge_index[0], r % _N]).reshape(_NW, _G // 2, 2, 128)
    dst3 = jnp.concatenate(
        [edge_index[1], _N + r % (_NPAD - _N)]).reshape(_NW, _G // 2, 2, 128)
    idx4 = jnp.concatenate([src3, dst3], axis=2)

    agg = _sc_segsum(x, idx4)
    h = _tc_layer(x, agg, params['conv1'], params['bn1'], relu_out=True)
    agg = _sc_segsum(h, idx4)
    h = _tc_layer(h, agg, params['convs'][0], params['bns'][0], relu_out=True)
    agg = _sc_segsum(h, idx4)
    return _tc_final(h, agg, params['convs'][1], params['bns'][1],
                     batch, params['cls'])

# --- scband reference (transcript-rebuilt; emitter-appended) ---
"""Pipeline reference for scband-ginnet-9251359555639 (READ-ONLY COPY).

The authoritative reference and input builder live on the scoring server;
editing this copy changes nothing except your own understanding.
"""

import jax, jax.numpy as jnp
import numpy as np

N = 10000
E = 320000
IN_DIM = 128
EMB = 128
NUM_GRAPHS = 64
NUM_CLASS = 10
NUM_LAYER = 3


def _make_conv_params(key, din, demb):
    k1, k2 = jax.random.split(key)
    h = 2 * demb
    return {
        'W1': jax.random.normal(k1, (din, h), dtype=jnp.float32) * 0.05,
        'b1': jnp.zeros((h,), jnp.float32),
        'g1': jnp.ones((h,), jnp.float32),
        'bt1': jnp.zeros((h,), jnp.float32),
        'W2': jax.random.normal(k2, (h, demb), dtype=jnp.float32) * 0.05,
        'b2': jnp.zeros((demb,), jnp.float32),
    }


def setup_inputs(seed: int = 0):
    key = jax.random.key(seed)
    ks = jax.random.split(key, 10)
    x = jax.random.normal(ks[0], (N, IN_DIM), dtype=jnp.float32)
    edge_index = jax.random.randint(ks[1], (2, E), 0, N, dtype=jnp.int32)
    batch = jnp.sort(jax.random.randint(ks[2], (N,), 0, NUM_GRAPHS, dtype=jnp.int32))
    params = {
        'conv1': _make_conv_params(ks[3], IN_DIM, EMB),
        'bn1': {'g': jnp.ones((EMB,), jnp.float32), 'b': jnp.zeros((EMB,), jnp.float32)},
        'convs': [_make_conv_params(ks[4 + i], EMB, EMB) for i in range(NUM_LAYER - 1)],
        'bns': [{'g': jnp.ones((EMB,), jnp.float32), 'b': jnp.zeros((EMB,), jnp.float32)} for _ in range(NUM_LAYER - 1)],
        'cls': {'W': jax.random.normal(ks[8], (EMB, NUM_CLASS), dtype=jnp.float32) * 0.05,
                'b': jnp.zeros((NUM_CLASS,), jnp.float32)},
    }
    return {'x': x, 'edge_index': edge_index, 'batch': batch, 'params': params}


def _batch_norm(h, g, b):
    # training-mode BatchNorm1d: biased batch statistics, eps=1e-5
    m = jnp.mean(h, axis=0)
    v = jnp.var(h, axis=0)
    return (h - m) / jnp.sqrt(v + 1e-5) * g + b


def _gin_conv(x, edge_index, p):
    # GINConv with eps=0: mlp((1+eps)*x + sum_{j in N(i)} x_j)
    src = edge_index[0]
    dst = edge_index[1]
    agg = jax.ops.segment_sum(x[src], dst, num_segments=x.shape[0])
    h = x + agg
    h = h @ p['W1'] + p['b1']
    h = _batch_norm(h, p['g1'], p['bt1'])
    h = jax.nn.relu(h)
    h = h @ p['W2'] + p['b2']
    return h


def _forward(x, params, edge_index, batch):
    h = _gin_conv(x, edge_index, params['conv1'])
    h = _batch_norm(h, params['bn1']['g'], params['bn1']['b'])
    h = jax.nn.relu(h)
    # dropout is identity in eval mode
    n_conv = len(params['convs'])
    for i in range(n_conv):
        h = _gin_conv(h, edge_index, params['convs'][i])
        h = _batch_norm(h, params['bns'][i]['g'], params['bns'][i]['b'])
        if i != n_conv - 1:
            h = jax.nn.relu(h)
    # global_mean_pool
    sums = jax.ops.segment_sum(h, batch, num_segments=NUM_GRAPHS)
    cnt = jax.ops.segment_sum(jnp.ones((h.shape[0],), jnp.float32), batch, num_segments=NUM_GRAPHS)
    h_graph = sums / jnp.clip(cnt, 1.0)[:, None]
    return h_graph @ params['cls']['W'] + params['cls']['b']


def reference(x, edge_index, batch, params):
    return _forward(x, params, edge_index, batch)

if __name__ == "__main__":
    import jax
    _d = setup_inputs()
    print(jax.jit(kernel)(*tuple(_d.values())))

</pallas_src>

<mosaic_0001>
#map = affine_map<(d0, d1) -> (0, 0)>
#map1 = affine_map<(d0, d1) -> (0, 0, 0, 0)>
#map2 = affine_map<(d0, d1) -> (0, 0, 0)>
module attributes {stable_mosaic.version = 14 : i64} {
  func.func @seg(%arg0: i32, %arg1: i32, %arg2: memref<10000x128xf32, #tpu.memory_space<hbm>>, %arg3: memref<32x42x4x128xi32, #tpu.memory_space<hbm>>, %arg4: memref<2x10040x128xf32, #tpu.memory_space<hbm>>, %arg5: memref<4x128xi32, #tpu.memory_space<vmem>>, %arg6: memref<4x128xi32, #tpu.memory_space<vmem>>, %arg7: memref<4x128xi32, #tpu.memory_space<vmem>>, %arg8: memref<128x128xf32, #tpu.memory_space<vmem>>, %arg9: memref<128x128xf32, #tpu.memory_space<vmem>>, %arg10: memref<128x128xf32, #tpu.memory_space<vmem>>, %arg11: memref<10040x128xf32, #tpu.memory_space<vmem_shared>>, %arg12: memref<!tpu.dma_semaphore, #tpu.memory_space<semaphore_mem>>, %arg13: memref<!tpu.dma_semaphore, #tpu.memory_space<semaphore_mem>>, %arg14: memref<!tpu.dma_semaphore, #tpu.memory_space<semaphore_mem>>, %arg15: memref<!tpu.dma_semaphore, #tpu.memory_space<semaphore_mem>>) attributes {dimension_semantics = [#tpu.dimension_semantics<core_parallel>, #tpu.dimension_semantics<subcore_parallel>], iteration_bounds = array<i64: 2, 16>, scalar_prefetch = 0 : i64, scratch_operands = 11 : i64, tpu.core_type = #tpu.core_type<sc_vector_subcore>, window_params = [{transform_indices = #map}, {transform_indices = #map1}, {transform_indices = #map2}]} {
    %mul3A = arith.constant 16 : i32
    %mul3A_0 = arith.muli %arg0, %mul3A : i32
    %add3A = arith.addi %mul3A_0, %arg1 : i32
    %broadcast_in_dim3A = arith.constant 0.000000e+00 : f32
    %broadcast_in_dim3A_1 = vector.broadcast %broadcast_in_dim3A : f32 to vector<16xf32>
    %scan3A = arith.constant 0 : i32
    %scan3A_2 = arith.constant 0 : i32
    %scan3A_3 = arith.constant 128 : i32
    %scan3A_4 = arith.addi %scan3A_2, %scan3A_3 : i32
    %scan3A_5 = arith.constant 1 : i32
    scf.for %scan3A_71 = %scan3A_2 to %scan3A_4 step %scan3A_5  : i32 {
      %swap3A = arith.index_cast %scan3A_71 : i32 to index
      %swap3A_72 = arith.constant 0 : index
      %swap3A_73 = tpu.vector_load %arg8[%swap3A, %swap3A_72] {strides = array<i32>} : memref<128x128xf32, #tpu.memory_space<vmem>>, vector<1x16xf32>,
      %swap3A_74 = vector.shape_cast %swap3A_73 : vector<1x16xf32> to vector<16xf32>
      %swap3A_75 = vector.shape_cast %broadcast_in_dim3A_1 : vector<16xf32> to vector<1x16xf32>
      tpu.vector_store %arg8[%swap3A, %swap3A_72], %swap3A_75 {strides = array<i32>} : memref<128x128xf32, #tpu.memory_space<vmem>>, vector<1x16xf32>,
      %swap3A_76 = arith.index_cast %scan3A_71 : i32 to index
      %swap3A_77 = arith.constant 16 : index
      %swap3A_78 = tpu.vector_load %arg8[%swap3A_76, %swap3A_77] {strides = array<i32>} : memref<128x128xf32, #tpu.memory_space<vmem>>, vector<1x16xf32>,
      %swap3A_79 = vector.shape_cast %swap3A_78 : vector<1x16xf32> to vector<16xf32>
      %swap3A_80 = vector.shape_cast %broadcast_in_dim3A_1 : vector<16xf32> to vector<1x16xf32>
      tpu.vector_store %arg8[%swap3A_76, %swap3A_77], %swap3A_80 {strides = array<i32>} : memref<128x128xf32, #tpu.memory_space<vmem>>, vector<1x16xf32>,
      %swap3A_81 = arith.index_cast %scan3A_71 : i32 to index
      %swap3A_82 = arith.constant 32 : index
      %swap3A_83 = tpu.vector_load %arg8[%swap3A_81, %swap3A_82] {strides = array<i32>} : memref<128x128xf32, #tpu.memory_space<vmem>>, vector<1x16xf32>,
      %swap3A_84 = vector.shape_cast %swap3A_83 : vector<1x16xf32> to vector<16xf32>
      %swap3A_85 = vector.shape_cast %broadcast_in_dim3A_1 : vector<16xf32> to vector<1x16xf32>
      tpu.vector_store %arg8[%swap3A_81, %swap3A_82], %swap3A_85 {strides = array<i32>} : memref<128x128xf32, #tpu.memory_space<vmem>>, vector<1x16xf32>,
      %swap3A_86 = arith.index_cast %scan3A_71 : i32 to index
      %swap3A_87 = arith.constant 48 : index
      %swap3A_88 = tpu.vector_load %arg8[%swap3A_86, %swap3A_87] {strides = array<i32>} : memref<128x128xf32, #tpu.memory_space<vmem>>, vector<1x16xf32>,
      %swap3A_89 = vector.shape_cast %swap3A_88 : vector<1x16xf32> to vector<16xf32>
      %swap3A_90 = vector.shape_cast %broadcast_in_dim3A_1 : vector<16xf32> to vector<1x16xf32>
      tpu.vector_store %arg8[%swap3A_86, %swap3A_87], %swap3A_90 {strides = array<i32>} : memref<128x128xf32, #tpu.memory_space<vmem>>, vector<1x16xf32>,
      %swap3A_91 = arith.index_cast %scan3A_71 : i32 to index
      %swap3A_92 = arith.constant 64 : index
      %swap3A_93 = tpu.vector_load %arg8[%swap3A_91, %swap3A_92] {strides = array<i32>} : memref<128x128xf32, #tpu.memory_space<vmem>>, vector<1x16xf32>,
      %swap3A_94 = vector.shape_cast %swap3A_93 : vector<1x16xf32> to vector<16xf32>
      %swap3A_95 = vector.shape_cast %broadcast_in_dim3A_1 : vector<16xf32> to vector<1x16xf32>
      tpu.vector_store %arg8[%swap3A_91, %swap3A_92], %swap3A_95 {strides = array<i32>} : memref<128x128xf32, #tpu.memory_space<vmem>>, vector<1x16xf32>,
      %swap3A_96 = arith.index_cast %scan3A_71 : i32 to index
      %swap3A_97 = arith.constant 80 : index
      %swap3A_98 = tpu.vector_load %arg8[%swap3A_96, %swap3A_97] {strides = array<i32>} : memref<128x128xf32, #tpu.memory_space<vmem>>, vector<1x16xf32>,
      %swap3A_99 = vector.shape_cast %swap3A_98 : vector<1x16xf32> to vector<16xf32>
      %swap3A_100 = vector.shape_cast %broadcast_in_dim3A_1 : vector<16xf32> to vector<1x16xf32>
      tpu.vector_store %arg8[%swap3A_96, %swap3A_97], %swap3A_100 {strides = array<i32>} : memref<128x128xf32, #tpu.memory_space<vmem>>, vector<1x16xf32>,
      %swap3A_101 = arith.index_cast %scan3A_71 : i32 to index
      %swap3A_102 = arith.constant 96 : index
      %swap3A_103 = tpu.vector_load %arg8[%swap3A_101, %swap3A_102] {strides = array<i32>} : memref<128x128xf32, #tpu.memory_space<vmem>>, vector<1x16xf32>,
      %swap3A_104 = vector.shape_cast %swap3A_103 : vector<1x16xf32> to vector<16xf32>
      %swap3A_105 = vector.shape_cast %broadcast_in_dim3A_1 : vector<16xf32> to vector<1x16xf32>
      tpu.vector_store %arg8[%swap3A_101, %swap3A_102], %swap3A_105 {strides = array<i32>} : memref<128x128xf32, #tpu.memory_space<vmem>>, vector<1x16xf32>,
      %swap3A_106 = arith.index_cast %scan3A_71 : i32 to index
      %swap3A_107 = arith.constant 112 : index
      %swap3A_108 = tpu.vector_load %arg8[%swap3A_106, %swap3A_107] {strides = array<i32>} : memref<128x128xf32, #tpu.memory_space<vmem>>, vector<1x16xf32>,
      %swap3A_109 = vector.shape_cast %swap3A_108 : vector<1x16xf32> to vector<16xf32>
      %swap3A_110 = vector.shape_cast %broadcast_in_dim3A_1 : vector<16xf32> to vector<1x16xf32>
      tpu.vector_store %arg8[%swap3A_106, %swap3A_107], %swap3A_110 {strides = array<i32>} : memref<128x128xf32, #tpu.memory_space<vmem>>, vector<1x16xf32>,
    }
    %scan3A_6 = arith.constant 128 : i32
    %mul3A_7 = arith.constant 632 : i32
    %mul3A_8 = arith.muli %arg1, %mul3A_7 : i32
    %add3A_9 = arith.constant 0 : i32
    %add3A_10 = arith.addi %mul3A_8, %add3A_9 : i32
    "tpu.region"() ({
      %run_scoped3A_71 = tpu.sem_alloc : memref<!tpu.dma_semaphore, #tpu.memory_space<semaphore_mem>>
      %dma_start3A_72 = arith.constant 0 : i32
      %dma_start3A_73 = tpu.memref_slice %arg11[%add3A_10, %dma_start3A_72] : memref<10040x128xf32, #tpu.memory_space<vmem_shared>> -> memref<128x128xf32, #tpu.memory_space<vmem_shared>>
      %dma_start3A_74 = arith.constant 0 : i32
      %dma_start3A_75 = tpu.memref_slice %arg11[%add3A_10, %dma_start3A_74] : memref<10040x128xf32, #tpu.memory_space<vmem_shared>> -> memref<128x128xf32, #tpu.memory_space<vmem_shared>>
      tpu.enqueue_dma source(%arg8 : memref<128x128xf32, #tpu.memory_space<vmem>>) target(%dma_start3A_75 : memref<128x128xf32, #tpu.memory_space<vmem_shared>>) target_semaphore(%run_scoped3A_71 : memref<!tpu.dma_semaphore, #tpu.memory_space<semaphore_mem>>)
      %dma_wait3A = arith.constant 0 : i32
      %dma_wait3A_76 = tpu.memref_slice %arg11[%add3A_10, %dma_wait3A] : memref<10040x128xf32, #tpu.memory_space<vmem_shared>> -> memref<128x128xf32, #tpu.memory_space<vmem_shared>>
      %dma_wait3A_77 = arith.constant 0 : i32
      %dma_wait3A_78 = tpu.memref_slice %arg11[%add3A_10, %dma_wait3A_77] : memref<10040x128xf32, #tpu.memory_space<vmem_shared>> -> memref<128x128xf32, #tpu.memory_space<vmem_shared>>
      tpu.wait_dma2 semaphore(%run_scoped3A_71 : memref<!tpu.dma_semaphore, #tpu.memory_space<semaphore_mem>>) src(%arg8 : memref<128x128xf32, #tpu.memory_space<vmem>>) dst(%dma_wait3A_78 : memref<128x128xf32, #tpu.memory_space<vmem_shared>>)
      tpu.yield
    }) : () -> ()
    %add3A_11 = arith.constant 128 : i32
    %add3A_12 = arith.addi %mul3A_8, %add3A_11 : i32
    "tpu.region"() ({
      %run_scoped3A_71 = tpu.sem_alloc : memref<!tpu.dma_semaphore, #tpu.memory_space<semaphore_mem>>
      %dma_start3A_72 = arith.constant 0 : i32
      %dma_start3A_73 = tpu.memref_slice %arg11[%add3A_12, %dma_start3A_72] : memref<10040x128xf32, #tpu.memory_space<vmem_shared>> -> memref<128x128xf32, #tpu.memory_space<vmem_shared>>
      %dma_start3A_74 = arith.constant 0 : i32
      %dma_start3A_75 = tpu.memref_slice %arg11[%add3A_12, %dma_start3A_74] : memref<10040x128xf32, #tpu.memory_space<vmem_shared>> -> memref<128x128xf32, #tpu.memory_space<vmem_shared>>
      tpu.enqueue_dma source(%arg8 : memref<128x128xf32, #tpu.memory_space<vmem>>) target(%dma_start3A_75 : memref<128x128xf32, #tpu.memory_space<vmem_shared>>) target_semaphore(%run_scoped3A_71 : memref<!tpu.dma_semaphore, #tpu.memory_space<semaphore_mem>>)
      %dma_wait3A = arith.constant 0 : i32
      %dma_wait3A_76 = tpu.memref_slice %arg11[%add3A_12, %dma_wait3A] : memref<10040x128xf32, #tpu.memory_space<vmem_shared>> -> memref<128x128xf32, #tpu.memory_space<vmem_shared>>
      %dma_wait3A_77 = arith.constant 0 : i32
      %dma_wait3A_78 = tpu.memref_slice %arg11[%add3A_12, %dma_wait3A_77] : memref<10040x128xf32, #tpu.memory_space<vmem_shared>> -> memref<128x128xf32, #tpu.memory_space<vmem_shared>>
      tpu.wait_dma2 semaphore(%run_scoped3A_71 : memref<!tpu.dma_semaphore, #tpu.memory_space<semaphore_mem>>) src(%arg8 : memref<128x128xf32, #tpu.memory_space<vmem>>) dst(%dma_wait3A_78 : memref<128x128xf32, #tpu.memory_space<vmem_shared>>)
      tpu.yield
    }) : () -> ()
    %add3A_13 = arith.constant 256 : i32
    %add3A_14 = arith.addi %mul3A_8, %add3A_13 : i32
    "tpu.region"() ({
      %run_scoped3A_71 = tpu.sem_alloc : memref<!tpu.dma_semaphore, #tpu.memory_space<semaphore_mem>>
      %dma_start3A_72 = arith.constant 0 : i32
      %dma_start3A_73 = tpu.memref_slice %arg11[%add3A_14, %dma_start3A_72] : memref<10040x128xf32, #tpu.memory_space<vmem_shared>> -> memref<128x128xf32, #tpu.memory_space<vmem_shared>>
      %dma_start3A_74 = arith.constant 0 : i32
      %dma_start3A_75 = tpu.memref_slice %arg11[%add3A_14, %dma_start3A_74] : memref<10040x128xf32, #tpu.memory_space<vmem_shared>> -> memref<128x128xf32, #tpu.memory_space<vmem_shared>>
      tpu.enqueue_dma source(%arg8 : memref<128x128xf32, #tpu.memory_space<vmem>>) target(%dma_start3A_75 : memref<128x128xf32, #tpu.memory_space<vmem_shared>>) target_semaphore(%run_scoped3A_71 : memref<!tpu.dma_semaphore, #tpu.memory_space<semaphore_mem>>)
      %dma_wait3A = arith.constant 0 : i32
      %dma_wait3A_76 = tpu.memref_slice %arg11[%add3A_14, %dma_wait3A] : memref<10040x128xf32, #tpu.memory_space<vmem_shared>> -> memref<128x128xf32, #tpu.memory_space<vmem_shared>>
      %dma_wait3A_77 = arith.constant 0 : i32
      %dma_wait3A_78 = tpu.memref_slice %arg11[%add3A_14, %dma_wait3A_77] : memref<10040x128xf32, #tpu.memory_space<vmem_shared>> -> memref<128x128xf32, #tpu.memory_space<vmem_shared>>
      tpu.wait_dma2 semaphore(%run_scoped3A_71 : memref<!tpu.dma_semaphore, #tpu.memory_space<semaphore_mem>>) src(%arg8 : memref<128x128xf32, #tpu.memory_space<vmem>>) dst(%dma_wait3A_78 : memref<128x128xf32, #tpu.memory_space<vmem_shared>>)
      tpu.yield
    }) : () -> ()
    %add3A_15 = arith.constant 384 : i32
    %add3A_16 = arith.addi %mul3A_8, %add3A_15 : i32
    "tpu.region"() ({
      %run_scoped3A_71 = tpu.sem_alloc : memref<!tpu.dma_semaphore, #tpu.memory_space<semaphore_mem>>
      %dma_start3A_72 = arith.constant 0 : i32
      %dma_start3A_73 = tpu.memref_slice %arg11[%add3A_16, %dma_start3A_72] : memref<10040x128xf32, #tpu.memory_space<vmem_shared>> -> memref<128x128xf32, #tpu.memory_space<vmem_shared>>
      %dma_start3A_74 = arith.constant 0 : i32
      %dma_start3A_75 = tpu.memref_slice %arg11[%add3A_16, %dma_start3A_74] : memref<10040x128xf32, #tpu.memory_space<vmem_shared>> -> memref<128x128xf32, #tpu.memory_space<vmem_shared>>
      tpu.enqueue_dma source(%arg8 : memref<128x128xf32, #tpu.memory_space<vmem>>) target(%dma_start3A_75 : memref<128x128xf32, #tpu.memory_space<vmem_shared>>) target_semaphore(%run_scoped3A_71 : memref<!tpu.dma_semaphore, #tpu.memory_space<semaphore_mem>>)
      %dma_wait3A = arith.constant 0 : i32
      %dma_wait3A_76 = tpu.memref_slice %arg11[%add3A_16, %dma_wait3A] : memref<10040x128xf32, #tpu.memory_space<vmem_shared>> -> memref<128x128xf32, #tpu.memory_space<vmem_shared>>
      %dma_wait3A_77 = arith.constant 0 : i32
      %dma_wait3A_78 = tpu.memref_slice %arg11[%add3A_16, %dma_wait3A_77] : memref<10040x128xf32, #tpu.memory_space<vmem_shared>> -> memref<128x128xf32, #tpu.memory_space<vmem_shared>>
      tpu.wait_dma2 semaphore(%run_scoped3A_71 : memref<!tpu.dma_semaphore, #tpu.memory_space<semaphore_mem>>) src(%arg8 : memref<128x128xf32, #tpu.memory_space<vmem>>) dst(%dma_wait3A_78 : memref<128x128xf32, #tpu.memory_space<vmem_shared>>)
      tpu.yield
    }) : () -> ()
    %lt3A = arith.constant 15 : i32
    %lt3A_17 = arith.cmpi slt, %arg1, %lt3A : i32
    %convert_element_type3A = arith.extui %lt3A_17 : i1 to i32
    %cond3A = arith.constant 0 : i32
    %cond3A_18 = arith.cmpi ne, %convert_element_type3A, %cond3A : i32
    scf.if %cond3A_18 {
      %add3A_71 = arith.constant 512 : i32
      %add3A_72 = arith.addi %mul3A_8, %add3A_71 : i32
      "tpu.region"() ({
        %run_scoped3A_73 = tpu.sem_alloc : memref<!tpu.dma_semaphore, #tpu.memory_space<semaphore_mem>>
        %dma_start3A_74 = arith.constant 0 : i32
        %dma_start3A_75 = arith.constant 0 : i32
        %dma_start3A_76 = tpu.memref_slice %arg8[%dma_start3A_74, %dma_start3A_75] : memref<128x128xf32, #tpu.memory_space<vmem>> -> memref<120x128xf32, #tpu.memory_space<vmem>>
        %dma_start3A_77 = arith.constant 0 : i32
        %dma_start3A_78 = tpu.memref_slice %arg11[%add3A_72, %dma_start3A_77] : memref<10040x128xf32, #tpu.memory_space<vmem_shared>> -> memref<120x128xf32, #tpu.memory_space<vmem_shared>>
        %dma_start3A_79 = arith.constant 0 : i32
        %dma_start3A_80 = tpu.memref_slice %arg11[%add3A_72, %dma_start3A_79] : memref<10040x128xf32, #tpu.memory_space<vmem_shared>> -> memref<120x128xf32, #tpu.memory_space<vmem_shared>>
        %dma_start3A_81 = arith.constant 0 : i32
        %dma_start3A_82 = arith.constant 0 : i32
        %dma_start3A_83 = tpu.memref_slice %arg8[%dma_start3A_81, %dma_start3A_82] : memref<128x128xf32, #tpu.memory_space<vmem>> -> memref<120x128xf32, #tpu.memory_space<vmem>>
        tpu.enqueue_dma source(%dma_start3A_83 : memref<120x128xf32, #tpu.memory_space<vmem>>) target(%dma_start3A_80 : memref<120x128xf32, #tpu.memory_space<vmem_shared>>) target_semaphore(%run_scoped3A_73 : memref<!tpu.dma_semaphore, #tpu.memory_space<semaphore_mem>>)
        %dma_wait3A = arith.constant 0 : i32
        %dma_wait3A_84 = arith.constant 0 : i32
        %dma_wait3A_85 = tpu.memref_slice %arg8[%dma_wait3A, %dma_wait3A_84] : memref<128x128xf32, #tpu.memory_space<vmem>> -> memref<120x128xf32, #tpu.memory_space<vmem>>
        %dma_wait3A_86 = arith.constant 0 : i32
        %dma_wait3A_87 = tpu.memref_slice %arg11[%add3A_72, %dma_wait3A_86] : memref<10040x128xf32, #tpu.memory_space<vmem_shared>> -> memref<120x128xf32, #tpu.memory_space<vmem_shared>>
        %dma_wait3A_88 = arith.constant 0 : i32
        %dma_wait3A_89 = tpu.memref_slice %arg11[%add3A_72, %dma_wait3A_88] : memref<10040x128xf32, #tpu.memory_space<vmem_shared>> -> memref<120x128xf32, #tpu.memory_space<vmem_shared>>
        %dma_wait3A_90 = arith.constant 0 : i32
        %dma_wait3A_91 = arith.constant 0 : i32
        %dma_wait3A_92 = tpu.memref_slice %arg8[%dma_wait3A_90, %dma_wait3A_91] : memref<128x128xf32, #tpu.memory_space<vmem>> -> memref<120x128xf32, #tpu.memory_space<vmem>>
        tpu.wait_dma2 semaphore(%run_scoped3A_73 : memref<!tpu.dma_semaphore, #tpu.memory_space<semaphore_mem>>) src(%dma_wait3A_92 : memref<120x128xf32, #tpu.memory_space<vmem>>) dst(%dma_wait3A_89 : memref<120x128xf32, #tpu.memory_space<vmem_shared>>)
        tpu.yield
      }) : () -> ()
    } else {
    }
    %eq3A = arith.constant 15 : i32
    %eq3A_19 = arith.cmpi eq, %arg1, %eq3A : i32
    %convert_element_type3A_20 = arith.extui %eq3A_19 : i1 to i32
    %cond3A_21 = arith.constant 0 : i32
    %cond3A_22 = arith.cmpi ne, %convert_element_type3A_20, %cond3A_21 : i32
    scf.if %cond3A_22 {
      %add3A_71 = arith.constant 512 : i32
      %add3A_72 = arith.addi %mul3A_8, %add3A_71 : i32
      "tpu.region"() ({
        %run_scoped3A_73 = tpu.sem_alloc : memref<!tpu.dma_semaphore, #tpu.memory_space<semaphore_mem>>
        %dma_start3A_74 = arith.constant 0 : i32
        %dma_start3A_75 = arith.constant 0 : i32
        %dma_start3A_76 = tpu.memref_slice %arg8[%dma_start3A_74, %dma_start3A_75] : memref<128x128xf32, #tpu.memory_space<vmem>> -> memref<48x128xf32, #tpu.memory_space<vmem>>
        %dma_start3A_77 = arith.constant 0 : i32
        %dma_start3A_78 = tpu.memref_slice %arg11[%add3A_72, %dma_start3A_77] : memref<10040x128xf32, #tpu.memory_space<vmem_shared>> -> memref<48x128xf32, #tpu.memory_space<vmem_shared>>
        %dma_start3A_79 = arith.constant 0 : i32
        %dma_start3A_80 = tpu.memref_slice %arg11[%add3A_72, %dma_start3A_79] : memref<10040x128xf32, #tpu.memory_space<vmem_shared>> -> memref<48x128xf32, #tpu.memory_space<vmem_shared>>
        %dma_start3A_81 = arith.constant 0 : i32
        %dma_start3A_82 = arith.constant 0 : i32
        %dma_start3A_83 = tpu.memref_slice %arg8[%dma_start3A_81, %dma_start3A_82] : memref<128x128xf32, #tpu.memory_space<vmem>> -> memref<48x128xf32, #tpu.memory_space<vmem>>
        tpu.enqueue_dma source(%dma_start3A_83 : memref<48x128xf32, #tpu.memory_space<vmem>>) target(%dma_start3A_80 : memref<48x128xf32, #tpu.memory_space<vmem_shared>>) target_semaphore(%run_scoped3A_73 : memref<!tpu.dma_semaphore, #tpu.memory_space<semaphore_mem>>)
        %dma_wait3A = arith.constant 0 : i32
        %dma_wait3A_84 = arith.constant 0 : i32
        %dma_wait3A_85 = tpu.memref_slice %arg8[%dma_wait3A, %dma_wait3A_84] : memref<128x128xf32, #tpu.memory_space<vmem>> -> memref<48x128xf32, #tpu.memory_space<vmem>>
        %dma_wait3A_86 = arith.constant 0 : i32
        %dma_wait3A_87 = tpu.memref_slice %arg11[%add3A_72, %dma_wait3A_86] : memref<10040x128xf32, #tpu.memory_space<vmem_shared>> -> memref<48x128xf32, #tpu.memory_space<vmem_shared>>
        %dma_wait3A_88 = arith.constant 0 : i32
        %dma_wait3A_89 = tpu.memref_slice %arg11[%add3A_72, %dma_wait3A_88] : memref<10040x128xf32, #tpu.memory_space<vmem_shared>> -> memref<48x128xf32, #tpu.memory_space<vmem_shared>>
        %dma_wait3A_90 = arith.constant 0 : i32
        %dma_wait3A_91 = arith.constant 0 : i32
        %dma_wait3A_92 = tpu.memref_slice %arg8[%dma_wait3A_90, %dma_wait3A_91] : memref<128x128xf32, #tpu.memory_space<vmem>> -> memref<48x128xf32, #tpu.memory_space<vmem>>
        tpu.wait_dma2 semaphore(%run_scoped3A_73 : memref<!tpu.dma_semaphore, #tpu.memory_space<semaphore_mem>>) src(%dma_wait3A_92 : memref<48x128xf32, #tpu.memory_space<vmem>>) dst(%dma_wait3A_89 : memref<48x128xf32, #tpu.memory_space<vmem_shared>>)
        tpu.yield
      }) : () -> ()
    } else {
    }
    %barrier3A = arith.constant 0 : index
    tpu.barrier barrier_id(%barrier3A)
    %run_scoped3A = arith.constant 0 : i32
    "tpu.region"() ({
      %run_scoped3A_71 = tpu.sem_alloc : memref<!tpu.dma_semaphore, #tpu.memory_space<semaphore_mem>>
      %dma_start3A_72 = arith.constant 0 : i32
      %dma_start3A_73 = arith.constant 0 : i32
      %dma_start3A_74 = tpu.memref_slice %arg3[%add3A, %run_scoped3A, %dma_start3A_72, %dma_start3A_73] : memref<32x42x4x128xi32, #tpu.memory_space<hbm>> -> memref<1x1x4x128xi32, #tpu.memory_space<hbm>>
      %dma_start3A_75 = tpu.memref_squeeze %dma_start3A_74 : memref<1x1x4x128xi32, #tpu.memory_space<hbm>> -> memref<4x128xi32, #tpu.memory_space<hbm>>
      %dma_start3A_76 = arith.constant 0 : i32
      %dma_start3A_77 = arith.constant 0 : i32
      %dma_start3A_78 = tpu.memref_slice %arg3[%add3A, %run_scoped3A, %dma_start3A_76, %dma_start3A_77] : memref<32x42x4x128xi32, #tpu.memory_space<hbm>> -> memref<1x1x4x128xi32, #tpu.memory_space<hbm>>
      %dma_start3A_79 = tpu.memref_squeeze %dma_start3A_78 : memref<1x1x4x128xi32, #tpu.memory_space<hbm>> -> memref<4x128xi32, #tpu.memory_space<hbm>>
      tpu.enqueue_dma source(%dma_start3A_79 : memref<4x128xi32, #tpu.memory_space<hbm>>) target(%arg5 : memref<4x128xi32, #tpu.memory_space<vmem>>) target_semaphore(%run_scoped3A_71 : memref<!tpu.dma_semaphore, #tpu.memory_space<semaphore_mem>>)
      %dma_wait3A = arith.constant 0 : i32
      %dma_wait3A_80 = arith.constant 0 : i32
      %dma_wait3A_81 = tpu.memref_slice %arg3[%add3A, %run_scoped3A, %dma_wait3A, %dma_wait3A_80] : memref<32x42x4x128xi32, #tpu.memory_space<hbm>> -> memref<1x1x4x128xi32, #tpu.memory_space<hbm>>
      %dma_wait3A_82 = tpu.memref_squeeze %dma_wait3A_81 : memref<1x1x4x128xi32, #tpu.memory_space<hbm>> -> memref<4x128xi32, #tpu.memory_space<hbm>>
      %dma_wait3A_83 = arith.constant 0 : i32
      %dma_wait3A_84 = arith.constant 0 : i32
      %dma_wait3A_85 = tpu.memref_slice %arg3[%add3A, %run_scoped3A, %dma_wait3A_83, %dma_wait3A_84] : memref<32x42x4x128xi32, #tpu.memory_space<hbm>> -> memref<1x1x4x128xi32, #tpu.memory_space<hbm>>
      %dma_wait3A_86 = tpu.memref_squeeze %dma_wait3A_85 : memref<1x1x4x128xi32, #tpu.memory_space<hbm>> -> memref<4x128xi32, #tpu.memory_space<hbm>>
      tpu.wait_dma2 semaphore(%run_scoped3A_71 : memref<!tpu.dma_semaphore, #tpu.memory_space<semaphore_mem>>) src(%dma_wait3A_86 : memref<4x128xi32, #tpu.memory_space<hbm>>) dst(%arg5 : memref<4x128xi32, #tpu.memory_space<vmem>>)
      tpu.yield
    }) : () -> ()
    %dma_start3A = arith.constant 1 : i32
    %dma_start3A_23 = arith.constant 0 : i32
    %dma_start3A_24 = arith.constant 0 : i32
    %dma_start3A_25 = tpu.memref_slice %arg3[%add3A, %dma_start3A, %dma_start3A_23, %dma_start3A_24] : memref<32x42x4x128xi32, #tpu.memory_space<hbm>> -> memref<1x1x4x128xi32, #tpu.memory_space<hbm>>
    %dma_start3A_26 = tpu.memref_squeeze %dma_start3A_25 : memref<1x1x4x128xi32, #tpu.memory_space<hbm>> -> memref<4x128xi32, #tpu.memory_space<hbm>>
    %dma_start3A_27 = arith.constant 0 : i32
    %dma_start3A_28 = arith.constant 0 : i32
    %dma_start3A_29 = tpu.memref_slice %arg3[%add3A, %dma_start3A, %dma_start3A_27, %dma_start3A_28] : memref<32x42x4x128xi32, #tpu.memory_space<hbm>> -> memref<1x1x4x128xi32, #tpu.memory_space<hbm>>
    %dma_start3A_30 = tpu.memref_squeeze %dma_start3A_29 : memref<1x1x4x128xi32, #tpu.memory_space<hbm>> -> memref<4x128xi32, #tpu.memory_space<hbm>>
    tpu.enqueue_dma source(%dma_start3A_30 : memref<4x128xi32, #tpu.memory_space<hbm>>) target(%arg6 : memref<4x128xi32, #tpu.memory_space<vmem>>) target_semaphore(%arg14 : memref<!tpu.dma_semaphore, #tpu.memory_space<semaphore_mem>>)
    %dma_start3A_31 = arith.constant 2 : i32
    %dma_start3A_32 = arith.constant 0 : i32
    %dma_start3A_33 = arith.constant 0 : i32
    %dma_start3A_34 = tpu.memref_slice %arg3[%add3A, %dma_start3A_31, %dma_start3A_32, %dma_start3A_33] : memref<32x42x4x128xi32, #tpu.memory_space<hbm>> -> memref<1x1x4x128xi32, #tpu.memory_space<hbm>>
    %dma_start3A_35 = tpu.memref_squeeze %dma_start3A_34 : memref<1x1x4x128xi32, #tpu.memory_space<hbm>> -> memref<4x128xi32, #tpu.memory_space<hbm>>
    %dma_start3A_36 = arith.constant 0 : i32
    %dma_start3A_37 = arith.constant 0 : i32
    %dma_start3A_38 = tpu.memref_slice %arg3[%add3A, %dma_start3A_31, %dma_start3A_36, %dma_start3A_37] : memref<32x42x4x128xi32, #tpu.memory_space<hbm>> -> memref<1x1x4x128xi32, #tpu.memory_space<hbm>>
    %dma_start3A_39 = tpu.memref_squeeze %dma_start3A_38 : memref<1x1x4x128xi32, #tpu.memory_space<hbm>> -> memref<4x128xi32, #tpu.memory_space<hbm>>
    tpu.enqueue_dma source(%dma_start3A_39 : memref<4x128xi32, #tpu.memory_space<hbm>>) target(%arg7 : memref<4x128xi32, #tpu.memory_space<vmem>>) target_semaphore(%arg15 : memref<!tpu.dma_semaphore, #tpu.memory_space<semaphore_mem>>)
    %dma_start3A_40 = arith.constant 0 : i32
    %dma_start3A_41 = arith.constant 0 : i32
    %dma_start3A_42 = tpu.memref_slice %arg5[%dma_start3A_40, %dma_start3A_41] : memref<4x128xi32, #tpu.memory_space<vmem>> -> memref<1x128xi32, #tpu.memory_space<vmem>>
    %dma_start3A_43 = tpu.memref_squeeze %dma_start3A_42 : memref<1x128xi32, #tpu.memory_space<vmem>> -> memref<128xi32, #tpu.memory_space<vmem>>
    %dma_start3A_44 = arith.constant 0 : i32
    %dma_start3A_45 = arith.constant 0 : i32
    %dma_start3A_46 = tpu.memref_slice %arg2[%dma_start3A_44, %dma_start3A_45] : memref<10000x128xf32, #tpu.memory_space<hbm>> -> memref<10000x128xf32, #tpu.memory_space<hbm>>
    tpu.enqueue_indirect_dma source(%dma_start3A_46 : memref<10000x128xf32, #tpu.memory_space<hbm>>) target(%arg8 : memref<128x128xf32, #tpu.memory_space<vmem>>) offsets(%dma_start3A_43 : memref<128xi32, #tpu.memory_space<vmem>>) semaphore(%arg12 : memref<!tpu.dma_semaphore, #tpu.memory_space<semaphore_mem>>)
    %dma_start3A_47 = arith.constant 1 : i32
    %dma_start3A_48 = arith.constant 0 : i32
    %dma_start3A_49 = tpu.memref_slice %arg5[%dma_start3A_47, %dma_start3A_48] : memref<4x128xi32, #tpu.memory_space<vmem>> -> memref<1x128xi32, #tpu.memory_space<vmem>>
    %dma_start3A_50 = tpu.memref_squeeze %dma_start3A_49 : memref<1x128xi32, #tpu.memory_space<vmem>> -> memref<128xi32, #tpu.memory_space<vmem>>
    %dma_start3A_51 = arith.constant 0 : i32
    %dma_start3A_52 = arith.constant 0 : i32
    %dma_start3A_53 = tpu.memref_slice %arg2[%dma_start3A_51, %dma_start3A_52] : memref<10000x128xf32, #tpu.memory_space<hbm>> -> memref<10000x128xf32, #tpu.memory_space<hbm>>
    tpu.enqueue_indirect_dma source(%dma_start3A_53 : memref<10000x128xf32, #tpu.memory_space<hbm>>) target(%arg9 : memref<128x128xf32, #tpu.memory_space<vmem>>) offsets(%dma_start3A_50 : memref<128xi32, #tpu.memory_space<vmem>>) semaphore(%arg12 : memref<!tpu.dma_semaphore, #tpu.memory_space<semaphore_mem>>)
    %scan3A_54 = arith.constant 0 : i32
    %scan3A_55 = arith.constant 0 : i32
    %scan3A_56 = arith.constant 14 : i32
    %scan3A_57 = arith.addi %scan3A_55, %scan3A_56 : i32
    %scan3A_58 = arith.constant 1 : i32
    scf.for %scan3A_71 = %scan3A_55 to %scan3A_57 step %scan3A_58  : i32 {
      %dma_wait3A = arith.constant 0 : i32
      %dma_wait3A_72 = arith.constant 0 : i32
      %dma_wait3A_73 = arith.constant 0 : i32
      %dma_wait3A_74 = tpu.memref_slice %arg3[%add3A, %dma_wait3A, %dma_wait3A_72, %dma_wait3A_73] : memref<32x42x4x128xi32, #tpu.memory_space<hbm>> -> memref<1x1x4x128xi32, #tpu.memory_space<hbm>>
      %dma_wait3A_75 = tpu.memref_squeeze %dma_wait3A_74 : memref<1x1x4x128xi32, #tpu.memory_space<hbm>> -> memref<4x128xi32, #tpu.memory_space<hbm>>
      %dma_wait3A_76 = arith.constant 0 : i32
      %dma_wait3A_77 = arith.constant 0 : i32
      %dma_wait3A_78 = tpu.memref_slice %arg3[%add3A, %dma_wait3A, %dma_wait3A_76, %dma_wait3A_77] : memref<32x42x4x128xi32, #tpu.memory_space<hbm>> -> memref<1x1x4x128xi32, #tpu.memory_space<hbm>>
      %dma_wait3A_79 = tpu.memref_squeeze %dma_wait3A_78 : memref<1x1x4x128xi32, #tpu.memory_space<hbm>> -> memref<4x128xi32, #tpu.memory_space<hbm>>
      tpu.wait_dma2 semaphore(%arg14 : memref<!tpu.dma_semaphore, #tpu.memory_space<semaphore_mem>>) src(%dma_wait3A_79 : memref<4x128xi32, #tpu.memory_space<hbm>>) dst(%arg6 : memref<4x128xi32, #tpu.memory_space<vmem>>)
      %dma_wait3A_80 = arith.constant 0 : i32
      %dma_wait3A_81 = arith.constant 0 : i32
      %dma_wait3A_82 = tpu.memref_slice %arg5[%dma_wait3A_80, %dma_wait3A_81] : memref<4x128xi32, #tpu.memory_space<vmem>> -> memref<1x128xi32, #tpu.memory_space<vmem>>
      %dma_wait3A_83 = tpu.memref_squeeze %dma_wait3A_82 : memref<1x128xi32, #tpu.memory_space<vmem>> -> memref<128xi32, #tpu.memory_space<vmem>>
      %dma_wait3A_84 = arith.constant 0 : i32
      %dma_wait3A_85 = arith.constant 0 : i32
      %dma_wait3A_86 = tpu.memref_slice %arg2[%dma_wait3A_84, %dma_wait3A_85] : memref<10000x128xf32, #tpu.memory_space<hbm>> -> memref<10000x128xf32, #tpu.memory_space<hbm>>
      tpu.wait_indirect_dma semaphore(%arg12 : memref<!tpu.dma_semaphore, #tpu.memory_space<semaphore_mem>>) src(%dma_wait3A_86 : memref<10000x128xf32, #tpu.memory_space<hbm>>) dst(%arg8 : memref<128x128xf32, #tpu.memory_space<vmem>>)
      %dma_start3A_87 = arith.constant 0 : i32
      %dma_start3A_88 = arith.constant 0 : i32
      %dma_start3A_89 = tpu.memref_slice %arg6[%dma_start3A_87, %dma_start3A_88] : memref<4x128xi32, #tpu.memory_space<vmem>> -> memref<1x128xi32, #tpu.memory_space<vmem>>
      %dma_start3A_90 = tpu.memref_squeeze %dma_start3A_89 : memref<1x128xi32, #tpu.memory_space<vmem>> -> memref<128xi32, #tpu.memory_space<vmem>>
      %dma_start3A_91 = arith.constant 0 : i32
      %dma_start3A_92 = arith.constant 0 : i32
      %dma_start3A_93 = tpu.memref_slice %arg2[%dma_start3A_91, %dma_start3A_92] : memref<10000x128xf32, #tpu.memory_space<hbm>> -> memref<10000x128xf32, #tpu.memory_space<hbm>>
      tpu.enqueue_indirect_dma source(%dma_start3A_93 : memref<10000x128xf32, #tpu.memory_space<hbm>>) target(%arg10 : memref<128x128xf32, #tpu.memory_space<vmem>>) offsets(%dma_start3A_90 : memref<128xi32, #tpu.memory_space<vmem>>) semaphore(%arg12 : memref<!tpu.dma_semaphore, #tpu.memory_space<semaphore_mem>>)
      %run_scoped3A_94 = arith.constant 2 : i32
      "tpu.region"() ({
        %run_scoped3A_195 = tpu.sem_alloc : memref<!tpu.dma_semaphore, #tpu.memory_space<semaphore_mem>>
        %dma_start3A_196 = arith.constant 0 : i32
        %dma_start3A_197 = tpu.memref_slice %arg5[%run_scoped3A_94, %dma_start3A_196] : memref<4x128xi32, #tpu.memory_space<vmem>> -> memref<1x128xi32, #tpu.memory_space<vmem>>
        %dma_start3A_198 = tpu.memref_squeeze %dma_start3A_197 : memref<1x128xi32, #tpu.memory_space<vmem>> -> memref<128xi32, #tpu.memory_space<vmem>>
        %dma_start3A_199 = arith.constant 0 : i32
        %dma_start3A_200 = arith.constant 0 : i32
        %dma_start3A_201 = tpu.memref_slice %arg11[%dma_start3A_199, %dma_start3A_200] : memref<10040x128xf32, #tpu.memory_space<vmem_shared>> -> memref<10040x128xf32, #tpu.memory_space<vmem_shared>>
        tpu.enqueue_indirect_dma source(%arg8 : memref<128x128xf32, #tpu.memory_space<vmem>>) target(%dma_start3A_201 : memref<10040x128xf32, #tpu.memory_space<vmem_shared>>) offsets(%dma_start3A_198 : memref<128xi32, #tpu.memory_space<vmem>>) semaphore(%run_scoped3A_195 : memref<!tpu.dma_semaphore, #tpu.memory_space<semaphore_mem>>) {add = true}
        %dma_wait3A_202 = arith.constant 0 : i32
        %dma_wait3A_203 = tpu.memref_slice %arg5[%run_scoped3A_94, %dma_wait3A_202] : memref<4x128xi32, #tpu.memory_space<vmem>> -> memref<1x128xi32, #tpu.memory_space<vmem>>
        %dma_wait3A_204 = tpu.memref_squeeze %dma_wait3A_203 : memref<1x128xi32, #tpu.memory_space<vmem>> -> memref<128xi32, #tpu.memory_space<vmem>>
        %dma_wait3A_205 = arith.constant 0 : i32
        %dma_wait3A_206 = arith.constant 0 : i32
        %dma_wait3A_207 = tpu.memref_slice %arg11[%dma_wait3A_205, %dma_wait3A_206] : memref<10040x128xf32, #tpu.memory_space<vmem_shared>> -> memref<10040x128xf32, #tpu.memory_space<vmem_shared>>
        tpu.wait_indirect_dma semaphore(%run_scoped3A_195 : memref<!tpu.dma_semaphore, #tpu.memory_space<semaphore_mem>>) src(%arg8 : memref<128x128xf32, #tpu.memory_space<vmem>>) dst(%dma_wait3A_207 : memref<10040x128xf32, #tpu.memory_space<vmem_shared>>)
        tpu.yield
      }) : () -> ()
      %dma_wait3A_95 = arith.constant 0 : i32
      %dma_wait3A_96 = arith.constant 0 : i32
      %dma_wait3A_97 = tpu.memref_slice %arg5[%dma_wait3A_95, %dma_wait3A_96] : memref<4x128xi32, #tpu.memory_space<vmem>> -> memref<1x128xi32, #tpu.memory_space<vmem>>
      %dma_wait3A_98 = tpu.memref_squeeze %dma_wait3A_97 : memref<1x128xi32, #tpu.memory_space<vmem>> -> memref<128xi32, #tpu.memory_space<vmem>>
      %dma_wait3A_99 = arith.constant 0 : i32
      %dma_wait3A_100 = arith.constant 0 : i32
      %dma_wait3A_101 = tpu.memref_slice %arg2[%dma_wait3A_99, %dma_wait3A_100] : memref<10000x128xf32, #tpu.memory_space<hbm>> -> memref<10000x128xf32, #tpu.memory_space<hbm>>
      tpu.wait_indirect_dma semaphore(%arg12 : memref<!tpu.dma_semaphore, #tpu.memory_space<semaphore_mem>>) src(%dma_wait3A_101 : memref<10000x128xf32, #tpu.memory_space<hbm>>) dst(%arg9 : memref<128x128xf32, #tpu.memory_space<vmem>>)
      %dma_start3A_102 = arith.constant 1 : i32
      %dma_start3A_103 = arith.constant 0 : i32
      %dma_start3A_104 = tpu.memref_slice %arg6[%dma_start3A_102, %dma_start3A_103] : memref<4x128xi32, #tpu.memory_space<vmem>> -> memref<1x128xi32, #tpu.memory_space<vmem>>
      %dma_start3A_105 = tpu.memref_squeeze %dma_start3A_104 : memref<1x128xi32, #tpu.memory_space<vmem>> -> memref<128xi32, #tpu.memory_space<vmem>>
      %dma_start3A_106 = arith.constant 0 : i32
      %dma_start3A_107 = arith.constant 0 : i32
      %dma_start3A_108 = tpu.memref_slice %arg2[%dma_start3A_106, %dma_start3A_107] : memref<10000x128xf32, #tpu.memory_space<hbm>> -> memref<10000x128xf32, #tpu.memory_space<hbm>>
      tpu.enqueue_indirect_dma source(%dma_start3A_108 : memref<10000x128xf32, #tpu.memory_space<hbm>>) target(%arg8 : memref<128x128xf32, #tpu.memory_space<vmem>>) offsets(%dma_start3A_105 : memref<128xi32, #tpu.memory_space<vmem>>) semaphore(%arg12 : memref<!tpu.dma_semaphore, #tpu.memory_space<semaphore_mem>>)
      %run_scoped3A_109 = arith.constant 3 : i32
      "tpu.region"() ({
        %run_scoped3A_195 = tpu.sem_alloc : memref<!tpu.dma_semaphore, #tpu.memory_space<semaphore_mem>>
        %dma_start3A_196 = arith.constant 0 : i32
        %dma_start3A_197 = tpu.memref_slice %arg5[%run_scoped3A_109, %dma_start3A_196] : memref<4x128xi32, #tpu.memory_space<vmem>> -> memref<1x128xi32, #tpu.memory_space<vmem>>
        %dma_start3A_198 = tpu.memref_squeeze %dma_start3A_197 : memref<1x128xi32, #tpu.memory_space<vmem>> -> memref<128xi32, #tpu.memory_space<vmem>>
        %dma_start3A_199 = arith.constant 0 : i32
        %dma_start3A_200 = arith.constant 0 : i32
        %dma_start3A_201 = tpu.memref_slice %arg11[%dma_start3A_199, %dma_start3A_200] : memref<10040x128xf32, #tpu.memory_space<vmem_shared>> -> memref<10040x128xf32, #tpu.memory_space<vmem_shared>>
        tpu.enqueue_indirect_dma source(%arg9 : memref<128x128xf32, #tpu.memory_space<vmem>>) target(%dma_start3A_201 : memref<10040x128xf32, #tpu.memory_space<vmem_shared>>) offsets(%dma_start3A_198 : memref<128xi32, #tpu.memory_space<vmem>>) semaphore(%run_scoped3A_195 : memref<!tpu.dma_semaphore, #tpu.memory_space<semaphore_mem>>) {add = true}
        %dma_wait3A_202 = arith.constant 0 : i32
        %dma_wait3A_203 = tpu.memref_slice %arg5[%run_scoped3A_109, %dma_wait3A_202] : memref<4x128xi32, #tpu.memory_space<vmem>> -> memref<1x128xi32, #tpu.memory_space<vmem>>
        %dma_wait3A_204 = tpu.memref_squeeze %dma_wait3A_203 : memref<1x128xi32, #tpu.memory_space<vmem>> -> memref<128xi32, #tpu.memory_space<vmem>>
        %dma_wait3A_205 = arith.constant 0 : i32
        %dma_wait3A_206 = arith.constant 0 : i32
        %dma_wait3A_207 = tpu.memref_slice %arg11[%dma_wait3A_205, %dma_wait3A_206] : memref<10040x128xf32, #tpu.memory_space<vmem_shared>> -> memref<10040x128xf32, #tpu.memory_space<vmem_shared>>
        tpu.wait_indirect_dma semaphore(%run_scoped3A_195 : memref<!tpu.dma_semaphore, #tpu.memory_space<semaphore_mem>>) src(%arg9 : memref<128x128xf32, #tpu.memory_space<vmem>>) dst(%dma_wait3A_207 : memref<10040x128xf32, #tpu.memory_space<vmem_shared>>)
        tpu.yield
      }) : () -> ()
      %lt3A_110 = arith.constant 13 : i32
      %lt3A_111 = arith.cmpi slt, %scan3A_71, %lt3A_110 : i32
      %convert_element_type3A_112 = arith.extui %lt3A_111 : i1 to i32
      %cond3A_113 = arith.constant 0 : i32
      %cond3A_114 = arith.cmpi ne, %convert_element_type3A_112, %cond3A_113 : i32
      scf.if %cond3A_114 {
        %mul3A_195 = arith.constant 3 : i32
        %mul3A_196 = arith.muli %mul3A_195, %scan3A_71 : i32
        %add3A_197 = arith.constant 3 : i32
        %add3A_198 = arith.addi %mul3A_196, %add3A_197 : i32
        %add3A_199 = arith.constant 0 : i32
        %add3A_200 = arith.addi %add3A_198, %add3A_199 : i32
        %dma_start3A_201 = arith.constant 0 : i32
        %dma_start3A_202 = arith.constant 0 : i32
        %dma_start3A_203 = tpu.memref_slice %arg3[%add3A, %add3A_200, %dma_start3A_201, %dma_start3A_202] : memref<32x42x4x128xi32, #tpu.memory_space<hbm>> -> memref<1x1x4x128xi32, #tpu.memory_space<hbm>>
        %dma_start3A_204 = tpu.memref_squeeze %dma_start3A_203 : memref<1x1x4x128xi32, #tpu.memory_space<hbm>> -> memref<4x128xi32, #tpu.memory_space<hbm>>
        %dma_start3A_205 = arith.constant 0 : i32
        %dma_start3A_206 = arith.constant 0 : i32
        %dma_start3A_207 = tpu.memref_slice %arg3[%add3A, %add3A_200, %dma_start3A_205, %dma_start3A_206] : memref<32x42x4x128xi32, #tpu.memory_space<hbm>> -> memref<1x1x4x128xi32, #tpu.memory_space<hbm>>
        %dma_start3A_208 = tpu.memref_squeeze %dma_start3A_207 : memref<1x1x4x128xi32, #tpu.memory_space<hbm>> -> memref<4x128xi32, #tpu.memory_space<hbm>>
        tpu.enqueue_dma source(%dma_start3A_208 : memref<4x128xi32, #tpu.memory_space<hbm>>) target(%arg5 : memref<4x128xi32, #tpu.memory_space<vmem>>) target_semaphore(%arg13 : memref<!tpu.dma_semaphore, #tpu.memory_space<semaphore_mem>>)
      } else {
      }
      %dma_wait3A_115 = arith.constant 0 : i32
      %dma_wait3A_116 = arith.constant 0 : i32
      %dma_wait3A_117 = arith.constant 0 : i32
      %dma_wait3A_118 = tpu.memref_slice %arg3[%add3A, %dma_wait3A_115, %dma_wait3A_116, %dma_wait3A_117] : memref<32x42x4x128xi32, #tpu.memory_space<hbm>> -> memref<1x1x4x128xi32, #tpu.memory_space<hbm>>
      %dma_wait3A_119 = tpu.memref_squeeze %dma_wait3A_118 : memref<1x1x4x128xi32, #tpu.memory_space<hbm>> -> memref<4x128xi32, #tpu.memory_space<hbm>>
      %dma_wait3A_120 = arith.constant 0 : i32
      %dma_wait3A_121 = arith.constant 0 : i32
      %dma_wait3A_122 = tpu.memref_slice %arg3[%add3A, %dma_wait3A_115, %dma_wait3A_120, %dma_wait3A_121] : memref<32x42x4x128xi32, #tpu.memory_space<hbm>> -> memref<1x1x4x128xi32, #tpu.memory_space<hbm>>
      %dma_wait3A_123 = tpu.memref_squeeze %dma_wait3A_122 : memref<1x1x4x128xi32, #tpu.memory_space<hbm>> -> memref<4x128xi32, #tpu.memory_space<hbm>>
      tpu.wait_dma2 semaphore(%arg15 : memref<!tpu.dma_semaphore, #tpu.memory_space<semaphore_mem>>) src(%dma_wait3A_123 : memref<4x128xi32, #tpu.memory_space<hbm>>) dst(%arg7 : memref<4x128xi32, #tpu.memory_space<vmem>>)
      %dma_wait3A_124 = arith.constant 0 : i32
      %dma_wait3A_125 = arith.constant 0 : i32
      %dma_wait3A_126 = tpu.memref_slice %arg5[%dma_wait3A_124, %dma_wait3A_125] : memref<4x128xi32, #tpu.memory_space<vmem>> -> memref<1x128xi32, #tpu.memory_space<vmem>>
      %dma_wait3A_127 = tpu.memref_squeeze %dma_wait3A_126 : memref<1x128xi32, #tpu.memory_space<vmem>> -> memref<128xi32, #tpu.memory_space<vmem>>
      %dma_wait3A_128 = arith.constant 0 : i32
      %dma_wait3A_129 = arith.constant 0 : i32
      %dma_wait3A_130 = tpu.memref_slice %arg2[%dma_wait3A_128, %dma_wait3A_129] : memref<10000x128xf32, #tpu.memory_space<hbm>> -> memref<10000x128xf32, #tpu.memory_space<hbm>>
      tpu.wait_indirect_dma semaphore(%arg12 : memref<!tpu.dma_semaphore, #tpu.memory_space<semaphore_mem>>) src(%dma_wait3A_130 : memref<10000x128xf32, #tpu.memory_space<hbm>>) dst(%arg10 : memref<128x128xf32, #tpu.memory_space<vmem>>)
      %dma_start3A_131 = arith.constant 0 : i32
      %dma_start3A_132 = arith.constant 0 : i32
      %dma_start3A_133 = tpu.memref_slice %arg7[%dma_start3A_131, %dma_start3A_132] : memref<4x128xi32, #tpu.memory_space<vmem>> -> memref<1x128xi32, #tpu.memory_space<vmem>>
      %dma_start3A_134 = tpu.memref_squeeze %dma_start3A_133 : memref<1x128xi32, #tpu.memory_space<vmem>> -> memref<128xi32, #tpu.memory_space<vmem>>
      %dma_start3A_135 = arith.constant 0 : i32
      %dma_start3A_136 = arith.constant 0 : i32
      %dma_start3A_137 = tpu.memref_slice %arg2[%dma_start3A_135, %dma_start3A_136] : memref<10000x128xf32, #tpu.memory_space<hbm>> -> memref<10000x128xf32, #tpu.memory_space<hbm>>
      tpu.enqueue_indirect_dma source(%dma_start3A_137 : memref<10000x128xf32, #tpu.memory_space<hbm>>) target(%arg9 : memref<128x128xf32, #tpu.memory_space<vmem>>) offsets(%dma_start3A_134 : memref<128xi32, #tpu.memory_space<vmem>>) semaphore(%arg12 : memref<!tpu.dma_semaphore, #tpu.memory_space<semaphore_mem>>)
      %run_scoped3A_138 = arith.constant 2 : i32
      "tpu.region"() ({
        %run_scoped3A_195 = tpu.sem_alloc : memref<!tpu.dma_semaphore, #tpu.memory_space<semaphore_mem>>
        %dma_start3A_196 = arith.constant 0 : i32
        %dma_start3A_197 = tpu.memref_slice %arg6[%run_scoped3A_138, %dma_start3A_196] : memref<4x128xi32, #tpu.memory_space<vmem>> -> memref<1x128xi32, #tpu.memory_space<vmem>>
        %dma_start3A_198 = tpu.memref_squeeze %dma_start3A_197 : memref<1x128xi32, #tpu.memory_space<vmem>> -> memref<128xi32, #tpu.memory_space<vmem>>
        %dma_start3A_199 = arith.constant 0 : i32
        %dma_start3A_200 = arith.constant 0 : i32
        %dma_start3A_201 = tpu.memref_slice %arg11[%dma_start3A_199, %dma_start3A_200] : memref<10040x128xf32, #tpu.memory_space<vmem_shared>> -> memref<10040x128xf32, #tpu.memory_space<vmem_shared>>
        tpu.enqueue_indirect_dma source(%arg10 : memref<128x128xf32, #tpu.memory_space<vmem>>) target(%dma_start3A_201 : memref<10040x128xf32, #tpu.memory_space<vmem_shared>>) offsets(%dma_start3A_198 : memref<128xi32, #tpu.memory_space<vmem>>) semaphore(%run_scoped3A_195 : memref<!tpu.dma_semaphore, #tpu.memory_space<semaphore_mem>>) {add = true}
        %dma_wait3A_202 = arith.constant 0 : i32
        %dma_wait3A_203 = tpu.memref_slice %arg6[%run_scoped3A_138, %dma_wait3A_202] : memref<4x128xi32, #tpu.memory_space<vmem>> -> memref<1x128xi32, #tpu.memory_space<vmem>>
        %dma_wait3A_204 = tpu.memref_squeeze %dma_wait3A_203 : memref<1x128xi32, #tpu.memory_space<vmem>> -> memref<128xi32, #tpu.memory_space<vmem>>
        %dma_wait3A_205 = arith.constant 0 : i32
        %dma_wait3A_206 = arith.constant 0 : i32
        %dma_wait3A_207 = tpu.memref_slice %arg11[%dma_wait3A_205, %dma_wait3A_206] : memref<10040x128xf32, #tpu.memory_space<vmem_shared>> -> memref<10040x128xf32, #tpu.memory_space<vmem_shared>>
        tpu.wait_indirect_dma semaphore(%run_scoped3A_195 : memref<!tpu.dma_semaphore, #tpu.memory_space<semaphore_mem>>) src(%arg10 : memref<128x128xf32, #tpu.memory_space<vmem>>) dst(%dma_wait3A_207 : memref<10040x128xf32, #tpu.memory_space<vmem_shared>>)
        tpu.yield
      }) : () -> ()
      %dma_wait3A_139 = arith.constant 0 : i32
      %dma_wait3A_140 = arith.constant 0 : i32
      %dma_wait3A_141 = tpu.memref_slice %arg5[%dma_wait3A_139, %dma_wait3A_140] : memref<4x128xi32, #tpu.memory_space<vmem>> -> memref<1x128xi32, #tpu.memory_space<vmem>>
      %dma_wait3A_142 = tpu.memref_squeeze %dma_wait3A_141 : memref<1x128xi32, #tpu.memory_space<vmem>> -> memref<128xi32, #tpu.memory_space<vmem>>
      %dma_wait3A_143 = arith.constant 0 : i32
      %dma_wait3A_144 = arith.constant 0 : i32
      %dma_wait3A_145 = tpu.memref_slice %arg2[%dma_wait3A_143, %dma_wait3A_144] : memref<10000x128xf32, #tpu.memory_space<hbm>> -> memref<10000x128xf32, #tpu.memory_space<hbm>>
      tpu.wait_indirect_dma semaphore(%arg12 : memref<!tpu.dma_semaphore, #tpu.memory_space<semaphore_mem>>) src(%dma_wait3A_145 : memref<10000x128xf32, #tpu.memory_space<hbm>>) dst(%arg8 : memref<128x128xf32, #tpu.memory_space<vmem>>)
      %dma_start3A_146 = arith.constant 1 : i32
      %dma_start3A_147 = arith.constant 0 : i32
      %dma_start3A_148 = tpu.memref_slice %arg7[%dma_start3A_146, %dma_start3A_147] : memref<4x128xi32, #tpu.memory_space<vmem>> -> memref<1x128xi32, #tpu.memory_space<vmem>>
      %dma_start3A_149 = tpu.memref_squeeze %dma_start3A_148 : memref<1x128xi32, #tpu.memory_space<vmem>> -> memref<128xi32, #tpu.memory_space<vmem>>
      %dma_start3A_150 = arith.constant 0 : i32
      %dma_start3A_151 = arith.constant 0 : i32
      %dma_start3A_152 = tpu.memref_slice %arg2[%dma_start3A_150, %dma_start3A_151] : memref<10000x128xf32, #tpu.memory_space<hbm>> -> memref<10000x128xf32, #tpu.memory_space<hbm>>
      tpu.enqueue_indirect_dma source(%dma_start3A_152 : memref<10000x128xf32, #tpu.memory_space<hbm>>) target(%arg10 : memref<128x128xf32, #tpu.memory_space<vmem>>) offsets(%dma_start3A_149 : memref<128xi32, #tpu.memory_space<vmem>>) semaphore(%arg12 : memref<!tpu.dma_semaphore, #tpu.memory_space<semaphore_mem>>)
      %run_scoped3A_153 = arith.constant 3 : i32
      "tpu.region"() ({
        %run_scoped3A_195 = tpu.sem_alloc : memref<!tpu.dma_semaphore, #tpu.memory_space<semaphore_mem>>
        %dma_start3A_196 = arith.constant 0 : i32
        %dma_start3A_197 = tpu.memref_slice %arg6[%run_scoped3A_153, %dma_start3A_196] : memref<4x128xi32, #tpu.memory_space<vmem>> -> memref<1x128xi32, #tpu.memory_space<vmem>>
        %dma_start3A_198 = tpu.memref_squeeze %dma_start3A_197 : memref<1x128xi32, #tpu.memory_space<vmem>> -> memref<128xi32, #tpu.memory_space<vmem>>
        %dma_start3A_199 = arith.constant 0 : i32
        %dma_start3A_200 = arith.constant 0 : i32
        %dma_start3A_201 = tpu.memref_slice %arg11[%dma_start3A_199, %dma_start3A_200] : memref<10040x128xf32, #tpu.memory_space<vmem_shared>> -> memref<10040x128xf32, #tpu.memory_space<vmem_shared>>
        tpu.enqueue_indirect_dma source(%arg8 : memref<128x128xf32, #tpu.memory_space<vmem>>) target(%dma_start3A_201 : memref<10040x128xf32, #tpu.memory_space<vmem_shared>>) offsets(%dma_start3A_198 : memref<128xi32, #tpu.memory_space<vmem>>) semaphore(%run_scoped3A_195 : memref<!tpu.dma_semaphore, #tpu.memory_space<semaphore_mem>>) {add = true}
        %dma_wait3A_202 = arith.constant 0 : i32
        %dma_wait3A_203 = tpu.memref_slice %arg6[%run_scoped3A_153, %dma_wait3A_202] : memref<4x128xi32, #tpu.memory_space<vmem>> -> memref<1x128xi32, #tpu.memory_space<vmem>>
        %dma_wait3A_204 = tpu.memref_squeeze %dma_wait3A_203 : memref<1x128xi32, #tpu.memory_space<vmem>> -> memref<128xi32, #tpu.memory_space<vmem>>
        %dma_wait3A_205 = arith.constant 0 : i32
        %dma_wait3A_206 = arith.constant 0 : i32
        %dma_wait3A_207 = tpu.memref_slice %arg11[%dma_wait3A_205, %dma_wait3A_206] : memref<10040x128xf32, #tpu.memory_space<vmem_shared>> -> memref<10040x128xf32, #tpu.memory_space<vmem_shared>>
        tpu.wait_indirect_dma semaphore(%run_scoped3A_195 : memref<!tpu.dma_semaphore, #tpu.memory_space<semaphore_mem>>) src(%arg8 : memref<128x128xf32, #tpu.memory_space<vmem>>) dst(%dma_wait3A_207 : memref<10040x128xf32, #tpu.memory_space<vmem_shared>>)
        tpu.yield
      }) : () -> ()
      %lt3A_154 = arith.constant 13 : i32
      %lt3A_155 = arith.cmpi slt, %scan3A_71, %lt3A_154 : i32
      %convert_element_type3A_156 = arith.extui %lt3A_155 : i1 to i32
      %cond3A_157 = arith.constant 0 : i32
      %cond3A_158 = arith.cmpi ne, %convert_element_type3A_156, %cond3A_157 : i32
      scf.if %cond3A_158 {
        %mul3A_195 = arith.constant 3 : i32
        %mul3A_196 = arith.muli %mul3A_195, %scan3A_71 : i32
        %add3A_197 = arith.constant 3 : i32
        %add3A_198 = arith.addi %mul3A_196, %add3A_197 : i32
        %add3A_199 = arith.constant 1 : i32
        %add3A_200 = arith.addi %add3A_198, %add3A_199 : i32
        %dma_start3A_201 = arith.constant 0 : i32
        %dma_start3A_202 = arith.constant 0 : i32
        %dma_start3A_203 = tpu.memref_slice %arg3[%add3A, %add3A_200, %dma_start3A_201, %dma_start3A_202] : memref<32x42x4x128xi32, #tpu.memory_space<hbm>> -> memref<1x1x4x128xi32, #tpu.memory_space<hbm>>
        %dma_start3A_204 = tpu.memref_squeeze %dma_start3A_203 : memref<1x1x4x128xi32, #tpu.memory_space<hbm>> -> memref<4x128xi32, #tpu.memory_space<hbm>>
        %dma_start3A_205 = arith.constant 0 : i32
        %dma_start3A_206 = arith.constant 0 : i32
        %dma_start3A_207 = tpu.memref_slice %arg3[%add3A, %add3A_200, %dma_start3A_205, %dma_start3A_206] : memref<32x42x4x128xi32, #tpu.memory_space<hbm>> -> memref<1x1x4x128xi32, #tpu.memory_space<hbm>>
        %dma_start3A_208 = tpu.memref_squeeze %dma_start3A_207 : memref<1x1x4x128xi32, #tpu.memory_space<hbm>> -> memref<4x128xi32, #tpu.memory_space<hbm>>
        tpu.enqueue_dma source(%dma_start3A_208 : memref<4x128xi32, #tpu.memory_space<hbm>>) target(%arg6 : memref<4x128xi32, #tpu.memory_space<vmem>>) target_semaphore(%arg14 : memref<!tpu.dma_semaphore, #tpu.memory_space<semaphore_mem>>)
      } else {
      }
      %lt3A_159 = arith.constant 13 : i32
      %lt3A_160 = arith.cmpi slt, %scan3A_71, %lt3A_159 : i32
      %convert_element_type3A_161 = arith.extui %lt3A_160 : i1 to i32
      %cond3A_162 = arith.constant 0 : i32
      %cond3A_163 = arith.cmpi ne, %convert_element_type3A_161, %cond3A_162 : i32
      scf.if %cond3A_163 {
        %dma_wait3A_195 = arith.constant 0 : i32
        %dma_wait3A_196 = arith.constant 0 : i32
        %dma_wait3A_197 = arith.constant 0 : i32
        %dma_wait3A_198 = tpu.memref_slice %arg3[%add3A, %dma_wait3A_195, %dma_wait3A_196, %dma_wait3A_197] : memref<32x42x4x128xi32, #tpu.memory_space<hbm>> -> memref<1x1x4x128xi32, #tpu.memory_space<hbm>>
        %dma_wait3A_199 = tpu.memref_squeeze %dma_wait3A_198 : memref<1x1x4x128xi32, #tpu.memory_space<hbm>> -> memref<4x128xi32, #tpu.memory_space<hbm>>
        %dma_wait3A_200 = arith.constant 0 : i32
        %dma_wait3A_201 = arith.constant 0 : i32
        %dma_wait3A_202 = tpu.memref_slice %arg3[%add3A, %dma_wait3A_195, %dma_wait3A_200, %dma_wait3A_201] : memref<32x42x4x128xi32, #tpu.memory_space<hbm>> -> memref<1x1x4x128xi32, #tpu.memory_space<hbm>>
        %dma_wait3A_203 = tpu.memref_squeeze %dma_wait3A_202 : memref<1x1x4x128xi32, #tpu.memory_space<hbm>> -> memref<4x128xi32, #tpu.memory_space<hbm>>
        tpu.wait_dma2 semaphore(%arg13 : memref<!tpu.dma_semaphore, #tpu.memory_space<semaphore_mem>>) src(%dma_wait3A_203 : memref<4x128xi32, #tpu.memory_space<hbm>>) dst(%arg5 : memref<4x128xi32, #tpu.memory_space<vmem>>)
      } else {
      }
      %dma_wait3A_164 = arith.constant 0 : i32
      %dma_wait3A_165 = arith.constant 0 : i32
      %dma_wait3A_166 = tpu.memref_slice %arg5[%dma_wait3A_164, %dma_wait3A_165] : memref<4x128xi32, #tpu.memory_space<vmem>> -> memref<1x128xi32, #tpu.memory_space<vmem>>
      %dma_wait3A_167 = tpu.memref_squeeze %dma_wait3A_166 : memref<1x128xi32, #tpu.memory_space<vmem>> -> memref<128xi32, #tpu.memory_space<vmem>>
      %dma_wait3A_168 = arith.constant 0 : i32
      %dma_wait3A_169 = arith.constant 0 : i32
      %dma_wait3A_170 = tpu.memref_slice %arg2[%dma_wait3A_168, %dma_wait3A_169] : memref<10000x128xf32, #tpu.memory_space<hbm>> -> memref<10000x128xf32, #tpu.memory_space<hbm>>
      tpu.wait_indirect_dma semaphore(%arg12 : memref<!tpu.dma_semaphore, #tpu.memory_space<semaphore_mem>>) src(%dma_wait3A_170 : memref<10000x128xf32, #tpu.memory_space<hbm>>) dst(%arg9 : memref<128x128xf32, #tpu.memory_space<vmem>>)
      %lt3A_171 = arith.constant 13 : i32
      %lt3A_172 = arith.cmpi slt, %scan3A_71, %lt3A_171 : i32
      %convert_element_type3A_173 = arith.extui %lt3A_172 : i1 to i32
      %cond3A_174 = arith.constant 0 : i32
      %cond3A_175 = arith.cmpi ne, %convert_element_type3A_173, %cond3A_174 : i32
      scf.if %cond3A_175 {
        %dma_start3A_195 = arith.constant 0 : i32
        %dma_start3A_196 = arith.constant 0 : i32
        %dma_start3A_197 = tpu.memref_slice %arg5[%dma_start3A_195, %dma_start3A_196] : memref<4x128xi32, #tpu.memory_space<vmem>> -> memref<1x128xi32, #tpu.memory_space<vmem>>
        %dma_start3A_198 = tpu.memref_squeeze %dma_start3A_197 : memref<1x128xi32, #tpu.memory_space<vmem>> -> memref<128xi32, #tpu.memory_space<vmem>>
        %dma_start3A_199 = arith.constant 0 : i32
        %dma_start3A_200 = arith.constant 0 : i32
        %dma_start3A_201 = tpu.memref_slice %arg2[%dma_start3A_199, %dma_start3A_200] : memref<10000x128xf32, #tpu.memory_space<hbm>> -> memref<10000x128xf32, #tpu.memory_space<hbm>>
        tpu.enqueue_indirect_dma source(%dma_start3A_201 : memref<10000x128xf32, #tpu.memory_space<hbm>>) target(%arg8 : memref<128x128xf32, #tpu.memory_space<vmem>>) offsets(%dma_start3A_198 : memref<128xi32, #tpu.memory_space<vmem>>) semaphore(%arg12 : memref<!tpu.dma_semaphore, #tpu.memory_space<semaphore_mem>>)
      } else {
      }
      %run_scoped3A_176 = arith.constant 2 : i32
      "tpu.region"() ({
        %run_scoped3A_195 = tpu.sem_alloc : memref<!tpu.dma_semaphore, #tpu.memory_space<semaphore_mem>>
        %dma_start3A_196 = arith.constant 0 : i32
        %dma_start3A_197 = tpu.memref_slice %arg7[%run_scoped3A_176, %dma_start3A_196] : memref<4x128xi32, #tpu.memory_space<vmem>> -> memref<1x128xi32, #tpu.memory_space<vmem>>
        %dma_start3A_198 = tpu.memref_squeeze %dma_start3A_197 : memref<1x128xi32, #tpu.memory_space<vmem>> -> memref<128xi32, #tpu.memory_space<vmem>>
        %dma_start3A_199 = arith.constant 0 : i32
        %dma_start3A_200 = arith.constant 0 : i32
        %dma_start3A_201 = tpu.memref_slice %arg11[%dma_start3A_199, %dma_start3A_200] : memref<10040x128xf32, #tpu.memory_space<vmem_shared>> -> memref<10040x128xf32, #tpu.memory_space<vmem_shared>>
        tpu.enqueue_indirect_dma source(%arg9 : memref<128x128xf32, #tpu.memory_space<vmem>>) target(%dma_start3A_201 : memref<10040x128xf32, #tpu.memory_space<vmem_shared>>) offsets(%dma_start3A_198 : memref<128xi32, #tpu.memory_space<vmem>>) semaphore(%run_scoped3A_195 : memref<!tpu.dma_semaphore, #tpu.memory_space<semaphore_mem>>) {add = true}
        %dma_wait3A_202 = arith.constant 0 : i32
        %dma_wait3A_203 = tpu.memref_slice %arg7[%run_scoped3A_176, %dma_wait3A_202] : memref<4x128xi32, #tpu.memory_space<vmem>> -> memref<1x128xi32, #tpu.memory_space<vmem>>
        %dma_wait3A_204 = tpu.memref_squeeze %dma_wait3A_203 : memref<1x128xi32, #tpu.memory_space<vmem>> -> memref<128xi32, #tpu.memory_space<vmem>>
        %dma_wait3A_205 = arith.constant 0 : i32
        %dma_wait3A_206 = arith.constant 0 : i32
        %dma_wait3A_207 = tpu.memref_slice %arg11[%dma_wait3A_205, %dma_wait3A_206] : memref<10040x128xf32, #tpu.memory_space<vmem_shared>> -> memref<10040x128xf32, #tpu.memory_space<vmem_shared>>
        tpu.wait_indirect_dma semaphore(%run_scoped3A_195 : memref<!tpu.dma_semaphore, #tpu.memory_space<semaphore_mem>>) src(%arg9 : memref<128x128xf32, #tpu.memory_space<vmem>>) dst(%dma_wait3A_207 : memref<10040x128xf32, #tpu.memory_space<vmem_shared>>)
        tpu.yield
      }) : () -> ()
      %dma_wait3A_177 = arith.constant 0 : i32
      %dma_wait3A_178 = arith.constant 0 : i32
      %dma_wait3A_179 = tpu.memref_slice %arg5[%dma_wait3A_177, %dma_wait3A_178] : memref<4x128xi32, #tpu.memory_space<vmem>> -> memref<1x128xi32, #tpu.memory_space<vmem>>
      %dma_wait3A_180 = tpu.memref_squeeze %dma_wait3A_179 : memref<1x128xi32, #tpu.memory_space<vmem>> -> memref<128xi32, #tpu.memory_space<vmem>>
      %dma_wait3A_181 = arith.constant 0 : i32
      %dma_wait3A_182 = arith.constant 0 : i32
      %dma_wait3A_183 = tpu.memref_slice %arg2[%dma_wait3A_181, %dma_wait3A_182] : memref<10000x128xf32, #tpu.memory_space<hbm>> -> memref<10000x128xf32, #tpu.memory_space<hbm>>
      tpu.wait_indirect_dma semaphore(%arg12 : memref<!tpu.dma_semaphore, #tpu.memory_space<semaphore_mem>>) src(%dma_wait3A_183 : memref<10000x128xf32, #tpu.memory_space<hbm>>) dst(%arg10 : memref<128x128xf32, #tpu.memory_space<vmem>>)
      %lt3A_184 = arith.constant 13 : i32
      %lt3A_185 = arith.cmpi slt, %scan3A_71, %lt3A_184 : i32
      %convert_element_type3A_186 = arith.extui %lt3A_185 : i1 to i32
      %cond3A_187 = arith.constant 0 : i32
      %cond3A_188 = arith.cmpi ne, %convert_element_type3A_186, %cond3A_187 : i32
      scf.if %cond3A_188 {
        %dma_start3A_195 = arith.constant 1 : i32
        %dma_start3A_196 = arith.constant 0 : i32
        %dma_start3A_197 = tpu.memref_slice %arg5[%dma_start3A_195, %dma_start3A_196] : memref<4x128xi32, #tpu.memory_space<vmem>> -> memref<1x128xi32, #tpu.memory_space<vmem>>
        %dma_start3A_198 = tpu.memref_squeeze %dma_start3A_197 : memref<1x128xi32, #tpu.memory_space<vmem>> -> memref<128xi32, #tpu.memory_space<vmem>>
        %dma_start3A_199 = arith.constant 0 : i32
        %dma_start3A_200 = arith.constant 0 : i32
        %dma_start3A_201 = tpu.memref_slice %arg2[%dma_start3A_199, %dma_start3A_200] : memref<10000x128xf32, #tpu.memory_space<hbm>> -> memref<10000x128xf32, #tpu.memory_space<hbm>>
        tpu.enqueue_indirect_dma source(%dma_start3A_201 : memref<10000x128xf32, #tpu.memory_space<hbm>>) target(%arg9 : memref<128x128xf32, #tpu.memory_space<vmem>>) offsets(%dma_start3A_198 : memref<128xi32, #tpu.memory_space<vmem>>) semaphore(%arg12 : memref<!tpu.dma_semaphore, #tpu.memory_space<semaphore_mem>>)
      } else {
      }
      %run_scoped3A_189 = arith.constant 3 : i32
      "tpu.region"() ({
        %run_scoped3A_195 = tpu.sem_alloc : memref<!tpu.dma_semaphore, #tpu.memory_space<semaphore_mem>>
        %dma_start3A_196 = arith.constant 0 : i32
        %dma_start3A_197 = tpu.memref_slice %arg7[%run_scoped3A_189, %dma_start3A_196] : memref<4x128xi32, #tpu.memory_space<vmem>> -> memref<1x128xi32, #tpu.memory_space<vmem>>
        %dma_start3A_198 = tpu.memref_squeeze %dma_start3A_197 : memref<1x128xi32, #tpu.memory_space<vmem>> -> memref<128xi32, #tpu.memory_space<vmem>>
        %dma_start3A_199 = arith.constant 0 : i32
        %dma_start3A_200 = arith.constant 0 : i32
        %dma_start3A_201 = tpu.memref_slice %arg11[%dma_start3A_199, %dma_start3A_200] : memref<10040x128xf32, #tpu.memory_space<vmem_shared>> -> memref<10040x128xf32, #tpu.memory_space<vmem_shared>>
        tpu.enqueue_indirect_dma source(%arg10 : memref<128x128xf32, #tpu.memory_space<vmem>>) target(%dma_start3A_201 : memref<10040x128xf32, #tpu.memory_space<vmem_shared>>) offsets(%dma_start3A_198 : memref<128xi32, #tpu.memory_space<vmem>>) semaphore(%run_scoped3A_195 : memref<!tpu.dma_semaphore, #tpu.memory_space<semaphore_mem>>) {add = true}
        %dma_wait3A_202 = arith.constant 0 : i32
        %dma_wait3A_203 = tpu.memref_slice %arg7[%run_scoped3A_189, %dma_wait3A_202] : memref<4x128xi32, #tpu.memory_space<vmem>> -> memref<1x128xi32, #tpu.memory_space<vmem>>
        %dma_wait3A_204 = tpu.memref_squeeze %dma_wait3A_203 : memref<1x128xi32, #tpu.memory_space<vmem>> -> memref<128xi32, #tpu.memory_space<vmem>>
        %dma_wait3A_205 = arith.constant 0 : i32
        %dma_wait3A_206 = arith.constant 0 : i32
        %dma_wait3A_207 = tpu.memref_slice %arg11[%dma_wait3A_205, %dma_wait3A_206] : memref<10040x128xf32, #tpu.memory_space<vmem_shared>> -> memref<10040x128xf32, #tpu.memory_space<vmem_shared>>
        tpu.wait_indirect_dma semaphore(%run_scoped3A_195 : memref<!tpu.dma_semaphore, #tpu.memory_space<semaphore_mem>>) src(%arg10 : memref<128x128xf32, #tpu.memory_space<vmem>>) dst(%dma_wait3A_207 : memref<10040x128xf32, #tpu.memory_space<vmem_shared>>)
        tpu.yield
      }) : () -> ()
      %lt3A_190 = arith.constant 13 : i32
      %lt3A_191 = arith.cmpi slt, %scan3A_71, %lt3A_190 : i32
      %convert_element_type3A_192 = arith.extui %lt3A_191 : i1 to i32
      %cond3A_193 = arith.constant 0 : i32
      %cond3A_194 = arith.cmpi ne, %convert_element_type3A_192, %cond3A_193 : i32
      scf.if %cond3A_194 {
        %mul3A_195 = arith.constant 3 : i32
        %mul3A_196 = arith.muli %mul3A_195, %scan3A_71 : i32
        %add3A_197 = arith.constant 3 : i32
        %add3A_198 = arith.addi %mul3A_196, %add3A_197 : i32
        %add3A_199 = arith.constant 2 : i32
        %add3A_200 = arith.addi %add3A_198, %add3A_199 : i32
        %dma_start3A_201 = arith.constant 0 : i32
        %dma_start3A_202 = arith.constant 0 : i32
        %dma_start3A_203 = tpu.memref_slice %arg3[%add3A, %add3A_200, %dma_start3A_201, %dma_start3A_202] : memref<32x42x4x128xi32, #tpu.memory_space<hbm>> -> memref<1x1x4x128xi32, #tpu.memory_space<hbm>>
        %dma_start3A_204 = tpu.memref_squeeze %dma_start3A_203 : memref<1x1x4x128xi32, #tpu.memory_space<hbm>> -> memref<4x128xi32, #tpu.memory_space<hbm>>
        %dma_start3A_205 = arith.constant 0 : i32
        %dma_start3A_206 = arith.constant 0 : i32
        %dma_start3A_207 = tpu.memref_slice %arg3[%add3A, %add3A_200, %dma_start3A_205, %dma_start3A_206] : memref<32x42x4x128xi32, #tpu.memory_space<hbm>> -> memref<1x1x4x128xi32, #tpu.memory_space<hbm>>
        %dma_start3A_208 = tpu.memref_squeeze %dma_start3A_207 : memref<1x1x4x128xi32, #tpu.memory_space<hbm>> -> memref<4x128xi32, #tpu.memory_space<hbm>>
        tpu.enqueue_dma source(%dma_start3A_208 : memref<4x128xi32, #tpu.memory_space<hbm>>) target(%arg7 : memref<4x128xi32, #tpu.memory_space<vmem>>) target_semaphore(%arg15 : memref<!tpu.dma_semaphore, #tpu.memory_space<semaphore_mem>>)
      } else {
      }
    }
    %scan3A_59 = arith.constant 14 : i32
    %barrier3A_60 = arith.constant 0 : index
    tpu.barrier barrier_id(%barrier3A_60)
    %lt3A_61 = arith.constant 15 : i32
    %lt3A_62 = arith.cmpi slt, %arg1, %lt3A_61 : i32
    %convert_element_type3A_63 = arith.extui %lt3A_62 : i1 to i32
    %cond3A_64 = arith.constant 0 : i32
    %cond3A_65 = arith.cmpi ne, %convert_element_type3A_63, %cond3A_64 : i32
    scf.if %cond3A_65 {
      "tpu.region"() ({
        %run_scoped3A_71 = tpu.sem_alloc : memref<!tpu.dma_semaphore, #tpu.memory_space<semaphore_mem>>
        %dma_start3A_72 = arith.constant 0 : i32
        %dma_start3A_73 = tpu.memref_slice %arg4[%arg0, %mul3A_8, %dma_start3A_72] : memref<2x10040x128xf32, #tpu.memory_space<hbm>> -> memref<1x632x128xf32, #tpu.memory_space<hbm>>
        %dma_start3A_74 = tpu.memref_squeeze %dma_start3A_73 : memref<1x632x128xf32, #tpu.memory_space<hbm>> -> memref<632x128xf32, #tpu.memory_space<hbm>>
        %dma_start3A_75 = arith.constant 0 : i32
        %dma_start3A_76 = tpu.memref_slice %arg11[%mul3A_8, %dma_start3A_75] : memref<10040x128xf32, #tpu.memory_space<vmem_shared>> -> memref<632x128xf32, #tpu.memory_space<vmem_shared>>
        tpu.enqueue_dma source(%dma_start3A_76 : memref<632x128xf32, #tpu.memory_space<vmem_shared>>) target(%dma_start3A_74 : memref<632x128xf32, #tpu.memory_space<hbm>>) target_semaphore(%run_scoped3A_71 : memref<!tpu.dma_semaphore, #tpu.memory_space<semaphore_mem>>)
        %dma_wait3A = arith.constant 0 : i32
        %dma_wait3A_77 = tpu.memref_slice %arg4[%arg0, %mul3A_8, %dma_wait3A] : memref<2x10040x128xf32, #tpu.memory_space<hbm>> -> memref<1x632x128xf32, #tpu.memory_space<hbm>>
        %dma_wait3A_78 = tpu.memref_squeeze %dma_wait3A_77 : memref<1x632x128xf32, #tpu.memory_space<hbm>> -> memref<632x128xf32, #tpu.memory_space<hbm>>
        %dma_wait3A_79 = arith.constant 0 : i32
        %dma_wait3A_80 = tpu.memref_slice %arg11[%mul3A_8, %dma_wait3A_79] : memref<10040x128xf32, #tpu.memory_space<vmem_shared>> -> memref<632x128xf32, #tpu.memory_space<vmem_shared>>
        tpu.wait_dma2 semaphore(%run_scoped3A_71 : memref<!tpu.dma_semaphore, #tpu.memory_space<semaphore_mem>>) src(%dma_wait3A_80 : memref<632x128xf32, #tpu.memory_space<vmem_shared>>) dst(%dma_wait3A_78 : memref<632x128xf32, #tpu.memory_space<hbm>>)
        tpu.yield
      }) : () -> ()
    } else {
    }
    %eq3A_66 = arith.constant 15 : i32
    %eq3A_67 = arith.cmpi eq, %arg1, %eq3A_66 : i32
    %convert_element_type3A_68 = arith.extui %eq3A_67 : i1 to i32
    %cond3A_69 = arith.constant 0 : i32
    %cond3A_70 = arith.cmpi ne, %convert_element_type3A_68, %cond3A_69 : i32
    scf.if %cond3A_70 {
      "tpu.region"() ({
        %run_scoped3A_71 = tpu.sem_alloc : memref<!tpu.dma_semaphore, #tpu.memory_space<semaphore_mem>>
        %dma_start3A_72 = arith.constant 0 : i32
        %dma_start3A_73 = tpu.memref_slice %arg4[%arg0, %mul3A_8, %dma_start3A_72] : memref<2x10040x128xf32, #tpu.memory_space<hbm>> -> memref<1x560x128xf32, #tpu.memory_space<hbm>>
        %dma_start3A_74 = tpu.memref_squeeze %dma_start3A_73 : memref<1x560x128xf32, #tpu.memory_space<hbm>> -> memref<560x128xf32, #tpu.memory_space<hbm>>
        %dma_start3A_75 = arith.constant 0 : i32
        %dma_start3A_76 = tpu.memref_slice %arg11[%mul3A_8, %dma_start3A_75] : memref<10040x128xf32, #tpu.memory_space<vmem_shared>> -> memref<560x128xf32, #tpu.memory_space<vmem_shared>>
        tpu.enqueue_dma source(%dma_start3A_76 : memref<560x128xf32, #tpu.memory_space<vmem_shared>>) target(%dma_start3A_74 : memref<560x128xf32, #tpu.memory_space<hbm>>) target_semaphore(%run_scoped3A_71 : memref<!tpu.dma_semaphore, #tpu.memory_space<semaphore_mem>>)
        %dma_wait3A = arith.constant 0 : i32
        %dma_wait3A_77 = tpu.memref_slice %arg4[%arg0, %mul3A_8, %dma_wait3A] : memref<2x10040x128xf32, #tpu.memory_space<hbm>> -> memref<1x560x128xf32, #tpu.memory_space<hbm>>
        %dma_wait3A_78 = tpu.memref_squeeze %dma_wait3A_77 : memref<1x560x128xf32, #tpu.memory_space<hbm>> -> memref<560x128xf32, #tpu.memory_space<hbm>>
        %dma_wait3A_79 = arith.constant 0 : i32
        %dma_wait3A_80 = tpu.memref_slice %arg11[%mul3A_8, %dma_wait3A_79] : memref<10040x128xf32, #tpu.memory_space<vmem_shared>> -> memref<560x128xf32, #tpu.memory_space<vmem_shared>>
        tpu.wait_dma2 semaphore(%run_scoped3A_71 : memref<!tpu.dma_semaphore, #tpu.memory_space<semaphore_mem>>) src(%dma_wait3A_80 : memref<560x128xf32, #tpu.memory_space<vmem_shared>>) dst(%dma_wait3A_78 : memref<560x128xf32, #tpu.memory_space<hbm>>)
        tpu.yield
      }) : () -> ()
    } else {
    }
    return
  }
}

#map = affine_map<(d0, d1) -> (0, 0)>
#map1 = affine_map<(d0, d1) -> (0, 0, 0, 0)>
#map2 = affine_map<(d0, d1) -> (0, 0, 0)>
module attributes {stable_mosaic.version = 14 : i64} {
  func.func @seg(%arg0: i32, %arg1: i32, %arg2: memref<10000x128xf32, #tpu.memory_space<hbm>>, %arg3: memref<32x42x4x128xi32, #tpu.memory_space<hbm>>, %arg4: memref<2x10040x128xf32, #tpu.memory_space<hbm>>, %arg5: memref<4x128xi32, #tpu.memory_space<vmem>>, %arg6: memref<4x128xi32, #tpu.memory_space<vmem>>, %arg7: memref<4x128xi32, #tpu.memory_space<vmem>>, %arg8: memref<128x128xf32, #tpu.memory_space<vmem>>, %arg9: memref<128x128xf32, #tpu.memory_space<vmem>>, %arg10: memref<128x128xf32, #tpu.memory_space<vmem>>, %arg11: memref<10040x128xf32, #tpu.memory_space<vmem_shared>>, %arg12: memref<!tpu.dma_semaphore, #tpu.memory_space<semaphore_mem>>, %arg13: memref<!tpu.dma_semaphore, #tpu.memory_space<semaphore_mem>>, %arg14: memref<!tpu.dma_semaphore, #tpu.memory_space<semaphore_mem>>, %arg15: memref<!tpu.dma_semaphore, #tpu.memory_space<semaphore_mem>>) attributes {dimension_semantics = [#tpu.dimension_semantics<core_parallel>, #tpu.dimension_semantics<subcore_parallel>], iteration_bounds = array<i64: 2, 16>, scalar_prefetch = 0 : i64, scratch_operands = 11 : i64, tpu.core_type = #tpu.core_type<sc_vector_subcore>, window_params = [{transform_indices = #map}, {transform_indices = #map1}, {transform_indices = #map2}]} {
    %mul3A = arith.constant 16 : i32
    %mul3A_0 = arith.muli %arg0, %mul3A : i32
    %add3A = arith.addi %mul3A_0, %arg1 : i32
    %broadcast_in_dim3A = arith.constant 0.000000e+00 : f32
    %broadcast_in_dim3A_1 = vector.broadcast %broadcast_in_dim3A : f32 to vector<16xf32>
    %scan3A = arith.constant 0 : i32
    %scan3A_2 = arith.constant 0 : i32
    %scan3A_3 = arith.constant 128 : i32
    %scan3A_4 = arith.addi %scan3A_2, %scan3A_3 : i32
    %scan3A_5 = arith.constant 1 : i32
    scf.for %scan3A_71 = %scan3A_2 to %scan3A_4 step %scan3A_5  : i32 {
      %swap3A = arith.index_cast %scan3A_71 : i32 to index
      %swap3A_72 = arith.constant 0 : index
      %swap3A_73 = tpu.vector_load %arg8[%swap3A, %swap3A_72] {strides = array<i32>} : memref<128x128xf32, #tpu.memory_space<vmem>>, vector<1x16xf32>,
      %swap3A_74 = vector.shape_cast %swap3A_73 : vector<1x16xf32> to vector<16xf32>
      %swap3A_75 = vector.shape_cast %broadcast_in_dim3A_1 : vector<16xf32> to vector<1x16xf32>
      tpu.vector_store %arg8[%swap3A, %swap3A_72], %swap3A_75 {strides = array<i32>} : memref<128x128xf32, #tpu.memory_space<vmem>>, vector<1x16xf32>,
      %swap3A_76 = arith.index_cast %scan3A_71 : i32 to index
      %swap3A_77 = arith.constant 16 : index
      %swap3A_78 = tpu.vector_load %arg8[%swap3A_76, %swap3A_77] {strides = array<i32>} : memref<128x128xf32, #tpu.memory_space<vmem>>, vector<1x16xf32>,
      %swap3A_79 = vector.shape_cast %swap3A_78 : vector<1x16xf32> to vector<16xf32>
      %swap3A_80 = vector.shape_cast %broadcast_in_dim3A_1 : vector<16xf32> to vector<1x16xf32>
      tpu.vector_store %arg8[%swap3A_76, %swap3A_77], %swap3A_80 {strides = array<i32>} : memref<128x128xf32, #tpu.memory_space<vmem>>, vector<1x16xf32>,
      %swap3A_81 = arith.index_cast %scan3A_71 : i32 to index
      %swap3A_82 = arith.constant 32 : index
      %swap3A_83 = tpu.vector_load %arg8[%swap3A_81, %swap3A_82] {strides = array<i32>} : memref<128x128xf32, #tpu.memory_space<vmem>>, vector<1x16xf32>,
      %swap3A_84 = vector.shape_cast %swap3A_83 : vector<1x16xf32> to vector<16xf32>
      %swap3A_85 = vector.shape_cast %broadcast_in_dim3A_1 : vector<16xf32> to vector<1x16xf32>
      tpu.vector_store %arg8[%swap3A_81, %swap3A_82], %swap3A_85 {strides = array<i32>} : memref<128x128xf32, #tpu.memory_space<vmem>>, vector<1x16xf32>,
      %swap3A_86 = arith.index_cast %scan3A_71 : i32 to index
      %swap3A_87 = arith.constant 48 : index
      %swap3A_88 = tpu.vector_load %arg8[%swap3A_86, %swap3A_87] {strides = array<i32>} : memref<128x128xf32, #tpu.memory_space<vmem>>, vector<1x16xf32>,
      %swap3A_89 = vector.shape_cast %swap3A_88 : vector<1x16xf32> to vector<16xf32>
      %swap3A_90 = vector.shape_cast %broadcast_in_dim3A_1 : vector<16xf32> to vector<1x16xf32>
      tpu.vector_store %arg8[%swap3A_86, %swap3A_87], %swap3A_90 {strides = array<i32>} : memref<128x128xf32, #tpu.memory_space<vmem>>, vector<1x16xf32>,
      %swap3A_91 = arith.index_cast %scan3A_71 : i32 to index
      %swap3A_92 = arith.constant 64 : index
      %swap3A_93 = tpu.vector_load %arg8[%swap3A_91, %swap3A_92] {strides = array<i32>} : memref<128x128xf32, #tpu.memory_space<vmem>>, vector<1x16xf32>,
      %swap3A_94 = vector.shape_cast %swap3A_93 : vector<1x16xf32> to vector<16xf32>
      %swap3A_95 = vector.shape_cast %broadcast_in_dim3A_1 : vector<16xf32> to vector<1x16xf32>
      tpu.vector_store %arg8[%swap3A_91, %swap3A_92], %swap3A_95 {strides = array<i32>} : memref<128x128xf32, #tpu.memory_space<vmem>>, vector<1x16xf32>,
      %swap3A_96 = arith.index_cast %scan3A_71 : i32 to index
      %swap3A_97 = arith.constant 80 : index
      %swap3A_98 = tpu.vector_load %arg8[%swap3A_96, %swap3A_97] {strides = array<i32>} : memref<128x128xf32, #tpu.memory_space<vmem>>, vector<1x16xf32>,
      %swap3A_99 = vector.shape_cast %swap3A_98 : vector<1x16xf32> to vector<16xf32>
      %swap3A_100 = vector.shape_cast %broadcast_in_dim3A_1 : vector<16xf32> to vector<1x16xf32>
      tpu.vector_store %arg8[%swap3A_96, %swap3A_97], %swap3A_100 {strides = array<i32>} : memref<128x128xf32, #tpu.memory_space<vmem>>, vector<1x16xf32>,
      %swap3A_101 = arith.index_cast %scan3A_71 : i32 to index
      %swap3A_102 = arith.constant 96 : index
      %swap3A_103 = tpu.vector_load %arg8[%swap3A_101, %swap3A_102] {strides = array<i32>} : memref<128x128xf32, #tpu.memory_space<vmem>>, vector<1x16xf32>,
      %swap3A_104 = vector.shape_cast %swap3A_103 : vector<1x16xf32> to vector<16xf32>
      %swap3A_105 = vector.shape_cast %broadcast_in_dim3A_1 : vector<16xf32> to vector<1x16xf32>
      tpu.vector_store %arg8[%swap3A_101, %swap3A_102], %swap3A_105 {strides = array<i32>} : memref<128x128xf32, #tpu.memory_space<vmem>>, vector<1x16xf32>,
      %swap3A_106 = arith.index_cast %scan3A_71 : i32 to index
      %swap3A_107 = arith.constant 112 : index
      %swap3A_108 = tpu.vector_load %arg8[%swap3A_106, %swap3A_107] {strides = array<i32>} : memref<128x128xf32, #tpu.memory_space<vmem>>, vector<1x16xf32>,
      %swap3A_109 = vector.shape_cast %swap3A_108 : vector<1x16xf32> to vector<16xf32>
      %swap3A_110 = vector.shape_cast %broadcast_in_dim3A_1 : vector<16xf32> to vector<1x16xf32>
      tpu.vector_store %arg8[%swap3A_106, %swap3A_107], %swap3A_110 {strides = array<i32>} : memref<128x128xf32, #tpu.memory_space<vmem>>, vector<1x16xf32>,
    }
    %scan3A_6 = arith.constant 128 : i32
    %mul3A_7 = arith.constant 632 : i32
    %mul3A_8 = arith.muli %arg1, %mul3A_7 : i32
    %add3A_9 = arith.constant 0 : i32
    %add3A_10 = arith.addi %mul3A_8, %add3A_9 : i32
    "tpu.region"() ({
      %run_scoped3A_71 = tpu.sem_alloc : memref<!tpu.dma_semaphore, #tpu.memory_space<semaphore_mem>>
      %dma_start3A_72 = arith.constant 0 : i32
      %dma_start3A_73 = tpu.memref_slice %arg11[%add3A_10, %dma_start3A_72] : memref<10040x128xf32, #tpu.memory_space<vmem_shared>> -> memref<128x128xf32, #tpu.memory_space<vmem_shared>>
      %dma_start3A_74 = arith.constant 0 : i32
      %dma_start3A_75 = tpu.memref_slice %arg11[%add3A_10, %dma_start3A_74] : memref<10040x128xf32, #tpu.memory_space<vmem_shared>> -> memref<128x128xf32, #tpu.memory_space<vmem_shared>>
      tpu.enqueue_dma source(%arg8 : memref<128x128xf32, #tpu.memory_space<vmem>>) target(%dma_start3A_75 : memref<128x128xf32, #tpu.memory_space<vmem_shared>>) target_semaphore(%run_scoped3A_71 : memref<!tpu.dma_semaphore, #tpu.memory_space<semaphore_mem>>)
      %dma_wait3A = arith.constant 0 : i32
      %dma_wait3A_76 = tpu.memref_slice %arg11[%add3A_10, %dma_wait3A] : memref<10040x128xf32, #tpu.memory_space<vmem_shared>> -> memref<128x128xf32, #tpu.memory_space<vmem_shared>>
      %dma_wait3A_77 = arith.constant 0 : i32
      %dma_wait3A_78 = tpu.memref_slice %arg11[%add3A_10, %dma_wait3A_77] : memref<10040x128xf32, #tpu.memory_space<vmem_shared>> -> memref<128x128xf32, #tpu.memory_space<vmem_shared>>
      tpu.wait_dma2 semaphore(%run_scoped3A_71 : memref<!tpu.dma_semaphore, #tpu.memory_space<semaphore_mem>>) src(%arg8 : memref<128x128xf32, #tpu.memory_space<vmem>>) dst(%dma_wait3A_78 : memref<128x128xf32, #tpu.memory_space<vmem_shared>>)
      tpu.yield
    }) : () -> ()
    %add3A_11 = arith.constant 128 : i32
    %add3A_12 = arith.addi %mul3A_8, %add3A_11 : i32
    "tpu.region"() ({
      %run_scoped3A_71 = tpu.sem_alloc : memref<!tpu.dma_semaphore, #tpu.memory_space<semaphore_mem>>
      %dma_start3A_72 = arith.constant 0 : i32
      %dma_start3A_73 = tpu.memref_slice %arg11[%add3A_12, %dma_start3A_72] : memref<10040x128xf32, #tpu.memory_space<vmem_shared>> -> memref<128x128xf32, #tpu.memory_space<vmem_shared>>
      %dma_start3A_74 = arith.constant 0 : i32
      %dma_start3A_75 = tpu.memref_slice %arg11[%add3A_12, %dma_start3A_74] : memref<10040x128xf32, #tpu.memory_space<vmem_shared>> -> memref<128x128xf32, #tpu.memory_space<vmem_shared>>
      tpu.enqueue_dma source(%arg8 : memref<128x128xf32, #tpu.memory_space<vmem>>) target(%dma_start3A_75 : memref<128x128xf32, #tpu.memory_space<vmem_shared>>) target_semaphore(%run_scoped3A_71 : memref<!tpu.dma_semaphore, #tpu.memory_space<semaphore_mem>>)
      %dma_wait3A = arith.constant 0 : i32
      %dma_wait3A_76 = tpu.memref_slice %arg11[%add3A_12, %dma_wait3A] : memref<10040x128xf32, #tpu.memory_space<vmem_shared>> -> memref<128x128xf32, #tpu.memory_space<vmem_shared>>
      %dma_wait3A_77 = arith.constant 0 : i32
      %dma_wait3A_78 = tpu.memref_slice %arg11[%add3A_12, %dma_wait3A_77] : memref<10040x128xf32, #tpu.memory_space<vmem_shared>> -> memref<128x128xf32, #tpu.memory_space<vmem_shared>>
      tpu.wait_dma2 semaphore(%run_scoped3A_71 : memref<!tpu.dma_semaphore, #tpu.memory_space<semaphore_mem>>) src(%arg8 : memref<128x128xf32, #tpu.memory_space<vmem>>) dst(%dma_wait3A_78 : memref<128x128xf32, #tpu.memory_space<vmem_shared>>)
      tpu.yield
    }) : () -> ()
    %add3A_13 = arith.constant 256 : i32
    %add3A_14 = arith.addi %mul3A_8, %add3A_13 : i32
    "tpu.region"() ({
      %run_scoped3A_71 = tpu.sem_alloc : memref<!tpu.dma_semaphore, #tpu.memory_space<semaphore_mem>>
      %dma_start3A_72 = arith.constant 0 : i32
      %dma_start3A_73 = tpu.memref_slice %arg11[%add3A_14, %dma_start3A_72] : memref<10040x128xf32, #tpu.memory_space<vmem_shared>> -> memref<128x128xf32, #tpu.memory_space<vmem_shared>>
      %dma_start3A_74 = arith.constant 0 : i32
      %dma_start3A_75 = tpu.memref_slice %arg11[%add3A_14, %dma_start3A_74] : memref<10040x128xf32, #tpu.memory_space<vmem_shared>> -> memref<128x128xf32, #tpu.memory_space<vmem_shared>>
      tpu.enqueue_dma source(%arg8 : memref<128x128xf32, #tpu.memory_space<vmem>>) target(%dma_start3A_75 : memref<128x128xf32, #tpu.memory_space<vmem_shared>>) target_semaphore(%run_scoped3A_71 : memref<!tpu.dma_semaphore, #tpu.memory_space<semaphore_mem>>)
      %dma_wait3A = arith.constant 0 : i32
      %dma_wait3A_76 = tpu.memref_slice %arg11[%add3A_14, %dma_wait3A] : memref<10040x128xf32, #tpu.memory_space<vmem_shared>> -> memref<128x128xf32, #tpu.memory_space<vmem_shared>>
      %dma_wait3A_77 = arith.constant 0 : i32
      %dma_wait3A_78 = tpu.memref_slice %arg11[%add3A_14, %dma_wait3A_77] : memref<10040x128xf32, #tpu.memory_space<vmem_shared>> -> memref<128x128xf32, #tpu.memory_space<vmem_shared>>
      tpu.wait_dma2 semaphore(%run_scoped3A_71 : memref<!tpu.dma_semaphore, #tpu.memory_space<semaphore_mem>>) src(%arg8 : memref<128x128xf32, #tpu.memory_space<vmem>>) dst(%dma_wait3A_78 : memref<128x128xf32, #tpu.memory_space<vmem_shared>>)
      tpu.yield
    }) : () -> ()
    %add3A_15 = arith.constant 384 : i32
    %add3A_16 = arith.addi %mul3A_8, %add3A_15 : i32
    "tpu.region"() ({
      %run_scoped3A_71 = tpu.sem_alloc : memref<!tpu.dma_semaphore, #tpu.memory_space<semaphore_mem>>
      %dma_start3A_72 = arith.constant 0 : i32
      %dma_start3A_73 = tpu.memref_slice %arg11[%add3A_16, %dma_start3A_72] : memref<10040x128xf32, #tpu.memory_space<vmem_shared>> -> memref<128x128xf32, #tpu.memory_space<vmem_shared>>
      %dma_start3A_74 = arith.constant 0 : i32
      %dma_start3A_75 = tpu.memref_slice %arg11[%add3A_16, %dma_start3A_74] : memref<10040x128xf32, #tpu.memory_space<vmem_shared>> -> memref<128x128xf32, #tpu.memory_space<vmem_shared>>
      tpu.enqueue_dma source(%arg8 : memref<128x128xf32, #tpu.memory_space<vmem>>) target(%dma_start3A_75 : memref<128x128xf32, #tpu.memory_space<vmem_shared>>) target_semaphore(%run_scoped3A_71 : memref<!tpu.dma_semaphore, #tpu.memory_space<semaphore_mem>>)
      %dma_wait3A = arith.constant 0 : i32
      %dma_wait3A_76 = tpu.memref_slice %arg11[%add3A_16, %dma_wait3A] : memref<10040x128xf32, #tpu.memory_space<vmem_shared>> -> memref<128x128xf32, #tpu.memory_space<vmem_shared>>
      %dma_wait3A_77 = arith.constant 0 : i32
      %dma_wait3A_78 = tpu.memref_slice %arg11[%add3A_16, %dma_wait3A_77] : memref<10040x128xf32, #tpu.memory_space<vmem_shared>> -> memref<128x128xf32, #tpu.memory_space<vmem_shared>>
      tpu.wait_dma2 semaphore(%run_scoped3A_71 : memref<!tpu.dma_semaphore, #tpu.memory_space<semaphore_mem>>) src(%arg8 : memref<128x128xf32, #tpu.memory_space<vmem>>) dst(%dma_wait3A_78 : memref<128x128xf32, #tpu.memory_space<vmem_shared>>)
      tpu.yield
    }) : () -> ()
    %lt3A = arith.constant 15 : i32
    %lt3A_17 = arith.cmpi slt, %arg1, %lt3A : i32
    %convert_element_type3A = arith.extui %lt3A_17 : i1 to i32
    %cond3A = arith.constant 0 : i32
    %cond3A_18 = arith.cmpi ne, %convert_element_type3A, %cond3A : i32
    scf.if %cond3A_18 {
      %add3A_71 = arith.constant 512 : i32
      %add3A_72 = arith.addi %mul3A_8, %add3A_71 : i32
      "tpu.region"() ({
        %run_scoped3A_73 = tpu.sem_alloc : memref<!tpu.dma_semaphore, #tpu.memory_space<semaphore_mem>>
        %dma_start3A_74 = arith.constant 0 : i32
        %dma_start3A_75 = arith.constant 0 : i32
        %dma_start3A_76 = tpu.memref_slice %arg8[%dma_start3A_74, %dma_start3A_75] : memref<128x128xf32, #tpu.memory_space<vmem>> -> memref<120x128xf32, #tpu.memory_space<vmem>>
        %dma_start3A_77 = arith.constant 0 : i32
        %dma_start3A_78 = tpu.memref_slice %arg11[%add3A_72, %dma_start3A_77] : memref<10040x128xf32, #tpu.memory_space<vmem_shared>> -> memref<120x128xf32, #tpu.memory_space<vmem_shared>>
        %dma_start3A_79 = arith.constant 0 : i32
        %dma_start3A_80 = tpu.memref_slice %arg11[%add3A_72, %dma_start3A_79] : memref<10040x128xf32, #tpu.memory_space<vmem_shared>> -> memref<120x128xf32, #tpu.memory_space<vmem_shared>>
        %dma_start3A_81 = arith.constant 0 : i32
        %dma_start3A_82 = arith.constant 0 : i32
        %dma_start3A_83 = tpu.memref_slice %arg8[%dma_start3A_81, %dma_start3A_82] : memref<128x128xf32, #tpu.memory_space<vmem>> -> memref<120x128xf32, #tpu.memory_space<vmem>>
        tpu.enqueue_dma source(%dma_start3A_83 : memref<120x128xf32, #tpu.memory_space<vmem>>) target(%dma_start3A_80 : memref<120x128xf32, #tpu.memory_space<vmem_shared>>) target_semaphore(%run_scoped3A_73 : memref<!tpu.dma_semaphore, #tpu.memory_space<semaphore_mem>>)
        %dma_wait3A = arith.constant 0 : i32
        %dma_wait3A_84 = arith.constant 0 : i32
        %dma_wait3A_85 = tpu.memref_slice %arg8[%dma_wait3A, %dma_wait3A_84] : memref<128x128xf32, #tpu.memory_space<vmem>> -> memref<120x128xf32, #tpu.memory_space<vmem>>
        %dma_wait3A_86 = arith.constant 0 : i32
        %dma_wait3A_87 = tpu.memref_slice %arg11[%add3A_72, %dma_wait3A_86] : memref<10040x128xf32, #tpu.memory_space<vmem_shared>> -> memref<120x128xf32, #tpu.memory_space<vmem_shared>>
        %dma_wait3A_88 = arith.constant 0 : i32
        %dma_wait3A_89 = tpu.memref_slice %arg11[%add3A_72, %dma_wait3A_88] : memref<10040x128xf32, #tpu.memory_space<vmem_shared>> -> memref<120x128xf32, #tpu.memory_space<vmem_shared>>
        %dma_wait3A_90 = arith.constant 0 : i32
        %dma_wait3A_91 = arith.constant 0 : i32
        %dma_wait3A_92 = tpu.memref_slice %arg8[%dma_wait3A_90, %dma_wait3A_91] : memref<128x128xf32, #tpu.memory_space<vmem>> -> memref<120x128xf32, #tpu.memory_space<vmem>>
        tpu.wait_dma2 semaphore(%run_scoped3A_73 : memref<!tpu.dma_semaphore, #tpu.memory_space<semaphore_mem>>) src(%dma_wait3A_92 : memref<120x128xf32, #tpu.memory_space<vmem>>) dst(%dma_wait3A_89 : memref<120x128xf32, #tpu.memory_space<vmem_shared>>)
        tpu.yield
      }) : () -> ()
    } else {
    }
    %eq3A = arith.constant 15 : i32
    %eq3A_19 = arith.cmpi eq, %arg1, %eq3A : i32
    %convert_element_type3A_20 = arith.extui %eq3A_19 : i1 to i32
    %cond3A_21 = arith.constant 0 : i32
    %cond3A_22 = arith.cmpi ne, %convert_element_type3A_20, %cond3A_21 : i32
    scf.if %cond3A_22 {
      %add3A_71 = arith.constant 512 : i32
      %add3A_72 = arith.addi %mul3A_8, %add3A_71 : i32
      "tpu.region"() ({
        %run_scoped3A_73 = tpu.sem_alloc : memref<!tpu.dma_semaphore, #tpu.memory_space<semaphore_mem>>
        %dma_start3A_74 = arith.constant 0 : i32
        %dma_start3A_75 = arith.constant 0 : i32
        %dma_start3A_76 = tpu.memref_slice %arg8[%dma_start3A_74, %dma_start3A_75] : memref<128x128xf32, #tpu.memory_space<vmem>> -> memref<48x128xf32, #tpu.memory_space<vmem>>
        %dma_start3A_77 = arith.constant 0 : i32
        %dma_start3A_78 = tpu.memref_slice %arg11[%add3A_72, %dma_start3A_77] : memref<10040x128xf32, #tpu.memory_space<vmem_shared>> -> memref<48x128xf32, #tpu.memory_space<vmem_shared>>
        %dma_start3A_79 = arith.constant 0 : i32
        %dma_start3A_80 = tpu.memref_slice %arg11[%add3A_72, %dma_start3A_79] : memref<10040x128xf32, #tpu.memory_space<vmem_shared>> -> memref<48x128xf32, #tpu.memory_space<vmem_shared>>
        %dma_start3A_81 = arith.constant 0 : i32
        %dma_start3A_82 = arith.constant 0 : i32
        %dma_start3A_83 = tpu.memref_slice %arg8[%dma_start3A_81, %dma_start3A_82] : memref<128x128xf32, #tpu.memory_space<vmem>> -> memref<48x128xf32, #tpu.memory_space<vmem>>
        tpu.enqueue_dma source(%dma_start3A_83 : memref<48x128xf32, #tpu.memory_space<vmem>>) target(%dma_start3A_80 : memref<48x128xf32, #tpu.memory_space<vmem_shared>>) target_semaphore(%run_scoped3A_73 : memref<!tpu.dma_semaphore, #tpu.memory_space<semaphore_mem>>)
        %dma_wait3A = arith.constant 0 : i32
        %dma_wait3A_84 = arith.constant 0 : i32
        %dma_wait3A_85 = tpu.memref_slice %arg8[%dma_wait3A, %dma_wait3A_84] : memref<128x128xf32, #tpu.memory_space<vmem>> -> memref<48x128xf32, #tpu.memory_space<vmem>>
        %dma_wait3A_86 = arith.constant 0 : i32
        %dma_wait3A_87 = tpu.memref_slice %arg11[%add3A_72, %dma_wait3A_86] : memref<10040x128xf32, #tpu.memory_space<vmem_shared>> -> memref<48x128xf32, #tpu.memory_space<vmem_shared>>
        %dma_wait3A_88 = arith.constant 0 : i32
        %dma_wait3A_89 = tpu.memref_slice %arg11[%add3A_72, %dma_wait3A_88] : memref<10040x128xf32, #tpu.memory_space<vmem_shared>> -> memref<48x128xf32, #tpu.memory_space<vmem_shared>>
        %dma_wait3A_90 = arith.constant 0 : i32
        %dma_wait3A_91 = arith.constant 0 : i32
        %dma_wait3A_92 = tpu.memref_slice %arg8[%dma_wait3A_90, %dma_wait3A_91] : memref<128x128xf32, #tpu.memory_space<vmem>> -> memref<48x128xf32, #tpu.memory_space<vmem>>
        tpu.wait_dma2 semaphore(%run_scoped3A_73 : memref<!tpu.dma_semaphore, #tpu.memory_space<semaphore_mem>>) src(%dma_wait3A_92 : memref<48x128xf32, #tpu.memory_space<vmem>>) dst(%dma_wait3A_89 : memref<48x128xf32, #tpu.memory_space<vmem_shared>>)
        tpu.yield
      }) : () -> ()
    } else {
    }
    %barrier3A = arith.constant 0 : index
    tpu.barrier barrier_id(%barrier3A)
    %run_scoped3A = arith.constant 0 : i32
    "tpu.region"() ({
      %run_scoped3A_71 = tpu.sem_alloc : memref<!tpu.dma_semaphore, #tpu.memory_space<semaphore_mem>>
      %dma_start3A_72 = arith.constant 0 : i32
      %dma_start3A_73 = arith.constant 0 : i32
      %dma_start3A_74 = tpu.memref_slice %arg3[%add3A, %run_scoped3A, %dma_start3A_72, %dma_start3A_73] : memref<32x42x4x128xi32, #tpu.memory_space<hbm>> -> memref<1x1x4x128xi32, #tpu.memory_space<hbm>>
      %dma_start3A_75 = tpu.memref_squeeze %dma_start3A_74 : memref<1x1x4x128xi32, #tpu.memory_space<hbm>> -> memref<4x128xi32, #tpu.memory_space<hbm>>
      %dma_start3A_76 = arith.constant 0 : i32
      %dma_start3A_77 = arith.constant 0 : i32
      %dma_start3A_78 = tpu.memref_slice %arg3[%add3A, %run_scoped3A, %dma_start3A_76, %dma_start3A_77] : memref<32x42x4x128xi32, #tpu.memory_space<hbm>> -> memref<1x1x4x128xi32, #tpu.memory_space<hbm>>
      %dma_start3A_79 = tpu.memref_squeeze %dma_start3A_78 : memref<1x1x4x128xi32, #tpu.memory_space<hbm>> -> memref<4x128xi32, #tpu.memory_space<hbm>>
      tpu.enqueue_dma source(%dma_start3A_79 : memref<4x128xi32, #tpu.memory_space<hbm>>) target(%arg5 : memref<4x128xi32, #tpu.memory_space<vmem>>) target_semaphore(%run_scoped3A_71 : memref<!tpu.dma_semaphore, #tpu.memory_space<semaphore_mem>>)
      %dma_wait3A = arith.constant 0 : i32
      %dma_wait3A_80 = arith.constant 0 : i32
      %dma_wait3A_81 = tpu.memref_slice %arg3[%add3A, %run_scoped3A, %dma_wait3A, %dma_wait3A_80] : memref<32x42x4x128xi32, #tpu.memory_space<hbm>> -> memref<1x1x4x128xi32, #tpu.memory_space<hbm>>
      %dma_wait3A_82 = tpu.memref_squeeze %dma_wait3A_81 : memref<1x1x4x128xi32, #tpu.memory_space<hbm>> -> memref<4x128xi32, #tpu.memory_space<hbm>>
      %dma_wait3A_83 = arith.constant 0 : i32
      %dma_wait3A_84 = arith.constant 0 : i32
      %dma_wait3A_85 = tpu.memref_slice %arg3[%add3A, %run_scoped3A, %dma_wait3A_83, %dma_wait3A_84] : memref<32x42x4x128xi32, #tpu.memory_space<hbm>> -> memref<1x1x4x128xi32, #tpu.memory_space<hbm>>
      %dma_wait3A_86 = tpu.memref_squeeze %dma_wait3A_85 : memref<1x1x4x128xi32, #tpu.memory_space<hbm>> -> memref<4x128xi32, #tpu.memory_space<hbm>>
      tpu.wait_dma2 semaphore(%run_scoped3A_71 : memref<!tpu.dma_semaphore, #tpu.memory_space<semaphore_mem>>) src(%dma_wait3A_86 : memref<4x128xi32, #tpu.memory_space<hbm>>) dst(%arg5 : memref<4x128xi32, #tpu.memory_space<vmem>>)
      tpu.yield
    }) : () -> ()
    %dma_start3A = arith.constant 1 : i32
    %dma_start3A_23 = arith.constant 0 : i32
    %dma_start3A_24 = arith.constant 0 : i32
    %dma_start3A_25 = tpu.memref_slice %arg3[%add3A, %dma_start3A, %dma_start3A_23, %dma_start3A_24] : memref<32x42x4x128xi32, #tpu.memory_space<hbm>> -> memref<1x1x4x128xi32, #tpu.memory_space<hbm>>
    %dma_start3A_26 = tpu.memref_squeeze %dma_start3A_25 : memref<1x1x4x128xi32, #tpu.memory_space<hbm>> -> memref<4x128xi32, #tpu.memory_space<hbm>>
    %dma_start3A_27 = arith.constant 0 : i32
    %dma_start3A_28 = arith.constant 0 : i32
    %dma_start3A_29 = tpu.memref_slice %arg3[%add3A, %dma_start3A, %dma_start3A_27, %dma_start3A_28] : memref<32x42x4x128xi32, #tpu.memory_space<hbm>> -> memref<1x1x4x128xi32, #tpu.memory_space<hbm>>
    %dma_start3A_30 = tpu.memref_squeeze %dma_start3A_29 : memref<1x1x4x128xi32, #tpu.memory_space<hbm>> -> memref<4x128xi32, #tpu.memory_space<hbm>>
    tpu.enqueue_dma source(%dma_start3A_30 : memref<4x128xi32, #tpu.memory_space<hbm>>) target(%arg6 : memref<4x128xi32, #tpu.memory_space<vmem>>) target_semaphore(%arg14 : memref<!tpu.dma_semaphore, #tpu.memory_space<semaphore_mem>>)
    %dma_start3A_31 = arith.constant 2 : i32
    %dma_start3A_32 = arith.constant 0 : i32
    %dma_start3A_33 = arith.constant 0 : i32
    %dma_start3A_34 = tpu.memref_slice %arg3[%add3A, %dma_start3A_31, %dma_start3A_32, %dma_start3A_33] : memref<32x42x4x128xi32, #tpu.memory_space<hbm>> -> memref<1x1x4x128xi32, #tpu.memory_space<hbm>>
    %dma_start3A_35 = tpu.memref_squeeze %dma_start3A_34 : memref<1x1x4x128xi32, #tpu.memory_space<hbm>> -> memref<4x128xi32, #tpu.memory_space<hbm>>
    %dma_start3A_36 = arith.constant 0 : i32
    %dma_start3A_37 = arith.constant 0 : i32
    %dma_start3A_38 = tpu.memref_slice %arg3[%add3A, %dma_start3A_31, %dma_start3A_36, %dma_start3A_37] : memref<32x42x4x128xi32, #tpu.memory_space<hbm>> -> memref<1x1x4x128xi32, #tpu.memory_space<hbm>>
    %dma_start3A_39 = tpu.memref_squeeze %dma_start3A_38 : memref<1x1x4x128xi32, #tpu.memory_space<hbm>> -> memref<4x128xi32, #tpu.memory_space<hbm>>
    tpu.enqueue_dma source(%dma_start3A_39 : memref<4x128xi32, #tpu.memory_space<hbm>>) target(%arg7 : memref<4x128xi32, #tpu.memory_space<vmem>>) target_semaphore(%arg15 : memref<!tpu.dma_semaphore, #tpu.memory_space<semaphore_mem>>)
    %dma_start3A_40 = arith.constant 0 : i32
    %dma_start3A_41 = arith.constant 0 : i32
    %dma_start3A_42 = tpu.memref_slice %arg5[%dma_start3A_40, %dma_start3A_41] : memref<4x128xi32, #tpu.memory_space<vmem>> -> memref<1x128xi32, #tpu.memory_space<vmem>>
    %dma_start3A_43 = tpu.memref_squeeze %dma_start3A_42 : memref<1x128xi32, #tpu.memory_space<vmem>> -> memref<128xi32, #tpu.memory_space<vmem>>
    %dma_start3A_44 = arith.constant 0 : i32
    %dma_start3A_45 = arith.constant 0 : i32
    %dma_start3A_46 = tpu.memref_slice %arg2[%dma_start3A_44, %dma_start3A_45] : memref<10000x128xf32, #tpu.memory_space<hbm>> -> memref<10000x128xf32, #tpu.memory_space<hbm>>
    tpu.enqueue_indirect_dma source(%dma_start3A_46 : memref<10000x128xf32, #tpu.memory_space<hbm>>) target(%arg8 : memref<128x128xf32, #tpu.memory_space<vmem>>) offsets(%dma_start3A_43 : memref<128xi32, #tpu.memory_space<vmem>>) semaphore(%arg12 : memref<!tpu.dma_semaphore, #tpu.memory_space<semaphore_mem>>)
    %dma_start3A_47 = arith.constant 1 : i32
    %dma_start3A_48 = arith.constant 0 : i32
    %dma_start3A_49 = tpu.memref_slice %arg5[%dma_start3A_47, %dma_start3A_48] : memref<4x128xi32, #tpu.memory_space<vmem>> -> memref<1x128xi32, #tpu.memory_space<vmem>>
    %dma_start3A_50 = tpu.memref_squeeze %dma_start3A_49 : memref<1x128xi32, #tpu.memory_space<vmem>> -> memref<128xi32, #tpu.memory_space<vmem>>
    %dma_start3A_51 = arith.constant 0 : i32
    %dma_start3A_52 = arith.constant 0 : i32
    %dma_start3A_53 = tpu.memref_slice %arg2[%dma_start3A_51, %dma_start3A_52] : memref<10000x128xf32, #tpu.memory_space<hbm>> -> memref<10000x128xf32, #tpu.memory_space<hbm>>
    tpu.enqueue_indirect_dma source(%dma_start3A_53 : memref<10000x128xf32, #tpu.memory_space<hbm>>) target(%arg9 : memref<128x128xf32, #tpu.memory_space<vmem>>) offsets(%dma_start3A_50 : memref<128xi32, #tpu.memory_space<vmem>>) semaphore(%arg12 : memref<!tpu.dma_semaphore, #tpu.memory_space<semaphore_mem>>)
    %scan3A_54 = arith.constant 0 : i32
    %scan3A_55 = arith.constant 0 : i32
    %scan3A_56 = arith.constant 14 : i32
    %scan3A_57 = arith.addi %scan3A_55, %scan3A_56 : i32
    %scan3A_58 = arith.constant 1 : i32
    scf.for %scan3A_71 = %scan3A_55 to %scan3A_57 step %scan3A_58  : i32 {
      %dma_wait3A = arith.constant 0 : i32
      %dma_wait3A_72 = arith.constant 0 : i32
      %dma_wait3A_73 = arith.constant 0 : i32
      %dma_wait3A_74 = tpu.memref_slice %arg3[%add3A, %dma_wait3A, %dma_wait3A_72, %dma_wait3A_73] : memref<32x42x4x128xi32, #tpu.memory_space<hbm>> -> memref<1x1x4x128xi32, #tpu.memory_space<hbm>>
      %dma_wait3A_75 = tpu.memref_squeeze %dma_wait3A_74 : memref<1x1x4x128xi32, #tpu.memory_space<hbm>> -> memref<4x128xi32, #tpu.memory_space<hbm>>
      %dma_wait3A_76 = arith.constant 0 : i32
      %dma_wait3A_77 = arith.constant 0 : i32
      %dma_wait3A_78 = tpu.memref_slice %arg3[%add3A, %dma_wait3A, %dma_wait3A_76, %dma_wait3A_77] : memref<32x42x4x128xi32, #tpu.memory_space<hbm>> -> memref<1x1x4x128xi32, #tpu.memory_space<hbm>>
      %dma_wait3A_79 = tpu.memref_squeeze %dma_wait3A_78 : memref<1x1x4x128xi32, #tpu.memory_space<hbm>> -> memref<4x128xi32, #tpu.memory_space<hbm>>
      tpu.wait_dma2 semaphore(%arg14 : memref<!tpu.dma_semaphore, #tpu.memory_space<semaphore_mem>>) src(%dma_wait3A_79 : memref<4x128xi32, #tpu.memory_space<hbm>>) dst(%arg6 : memref<4x128xi32, #tpu.memory_space<vmem>>)
      %dma_wait3A_80 = arith.constant 0 : i32
      %dma_wait3A_81 = arith.constant 0 : i32
      %dma_wait3A_82 = tpu.memref_slice %arg5[%dma_wait3A_80, %dma_wait3A_81] : memref<4x128xi32, #tpu.memory_space<vmem>> -> memref<1x128xi32, #tpu.memory_space<vmem>>
      %dma_wait3A_83 = tpu.memref_squeeze %dma_wait3A_82 : memref<1x128xi32, #tpu.memory_space<vmem>> -> memref<128xi32, #tpu.memory_space<vmem>>
      %dma_wait3A_84 = arith.constant 0 : i32
      %dma_wait3A_85 = arith.constant 0 : i32
      %dma_wait3A_86 = tpu.memref_slice %arg2[%dma_wait3A_84, %dma_wait3A_85] : memref<10000x128xf32, #tpu.memory_space<hbm>> -> memref<10000x128xf32, #tpu.memory_space<hbm>>
      tpu.wait_indirect_dma semaphore(%arg12 : memref<!tpu.dma_semaphore, #tpu.memory_space<semaphore_mem>>) src(%dma_wait3A_86 : memref<10000x128xf32, #tpu.memory_space<hbm>>) dst(%arg8 : memref<128x128xf32, #tpu.memory_space<vmem>>)
      %dma_start3A_87 = arith.constant 0 : i32
      %dma_start3A_88 = arith.constant 0 : i32
      %dma_start3A_89 = tpu.memref_slice %arg6[%dma_start3A_87, %dma_start3A_88] : memref<4x128xi32, #tpu.memory_space<vmem>> -> memref<1x128xi32, #tpu.memory_space<vmem>>
      %dma_start3A_90 = tpu.memref_squeeze %dma_start3A_89 : memref<1x128xi32, #tpu.memory_space<vmem>> -> memref<128xi32, #tpu.memory_space<vmem>>
      %dma_start3A_91 = arith.constant 0 : i32
      %dma_start3A_92 = arith.constant 0 : i32
      %dma_start3A_93 = tpu.memref_slice %arg2[%dma_start3A_91, %dma_start3A_92] : memref<10000x128xf32, #tpu.memory_space<hbm>> -> memref<10000x128xf32, #tpu.memory_space<hbm>>
      tpu.enqueue_indirect_dma source(%dma_start3A_93 : memref<10000x128xf32, #tpu.memory_space<hbm>>) target(%arg10 : memref<128x128xf32, #tpu.memory_space<vmem>>) offsets(%dma_start3A_90 : memref<128xi32, #tpu.memory_space<vmem>>) semaphore(%arg12 : memref<!tpu.dma_semaphore, #tpu.memory_space<semaphore_mem>>)
      %run_scoped3A_94 = arith.constant 2 : i32
      "tpu.region"() ({
        %run_scoped3A_195 = tpu.sem_alloc : memref<!tpu.dma_semaphore, #tpu.memory_space<semaphore_mem>>
        %dma_start3A_196 = arith.constant 0 : i32
        %dma_start3A_197 = tpu.memref_slice %arg5[%run_scoped3A_94, %dma_start3A_196] : memref<4x128xi32, #tpu.memory_space<vmem>> -> memref<1x128xi32, #tpu.memory_space<vmem>>
        %dma_start3A_198 = tpu.memref_squeeze %dma_start3A_197 : memref<1x128xi32, #tpu.memory_space<vmem>> -> memref<128xi32, #tpu.memory_space<vmem>>
        %dma_start3A_199 = arith.constant 0 : i32
        %dma_start3A_200 = arith.constant 0 : i32
        %dma_start3A_201 = tpu.memref_slice %arg11[%dma_start3A_199, %dma_start3A_200] : memref<10040x128xf32, #tpu.memory_space<vmem_shared>> -> memref<10040x128xf32, #tpu.memory_space<vmem_shared>>
        tpu.enqueue_indirect_dma source(%arg8 : memref<128x128xf32, #tpu.memory_space<vmem>>) target(%dma_start3A_201 : memref<10040x128xf32, #tpu.memory_space<vmem_shared>>) offsets(%dma_start3A_198 : memref<128xi32, #tpu.memory_space<vmem>>) semaphore(%run_scoped3A_195 : memref<!tpu.dma_semaphore, #tpu.memory_space<semaphore_mem>>) {add = true}
        %dma_wait3A_202 = arith.constant 0 : i32
        %dma_wait3A_203 = tpu.memref_slice %arg5[%run_scoped3A_94, %dma_wait3A_202] : memref<4x128xi32, #tpu.memory_space<vmem>> -> memref<1x128xi32, #tpu.memory_space<vmem>>
        %dma_wait3A_204 = tpu.memref_squeeze %dma_wait3A_203 : memref<1x128xi32, #tpu.memory_space<vmem>> -> memref<128xi32, #tpu.memory_space<vmem>>
        %dma_wait3A_205 = arith.constant 0 : i32
        %dma_wait3A_206 = arith.constant 0 : i32
        %dma_wait3A_207 = tpu.memref_slice %arg11[%dma_wait3A_205, %dma_wait3A_206] : memref<10040x128xf32, #tpu.memory_space<vmem_shared>> -> memref<10040x128xf32, #tpu.memory_space<vmem_shared>>
        tpu.wait_indirect_dma semaphore(%run_scoped3A_195 : memref<!tpu.dma_semaphore, #tpu.memory_space<semaphore_mem>>) src(%arg8 : memref<128x128xf32, #tpu.memory_space<vmem>>) dst(%dma_wait3A_207 : memref<10040x128xf32, #tpu.memory_space<vmem_shared>>)
        tpu.yield
      }) : () -> ()
      %dma_wait3A_95 = arith.constant 0 : i32
      %dma_wait3A_96 = arith.constant 0 : i32
      %dma_wait3A_97 = tpu.memref_slice %arg5[%dma_wait3A_95, %dma_wait3A_96] : memref<4x128xi32, #tpu.memory_space<vmem>> -> memref<1x128xi32, #tpu.memory_space<vmem>>
      %dma_wait3A_98 = tpu.memref_squeeze %dma_wait3A_97 : memref<1x128xi32, #tpu.memory_space<vmem>> -> memref<128xi32, #tpu.memory_space<vmem>>
      %dma_wait3A_99 = arith.constant 0 : i32
      %dma_wait3A_100 = arith.constant 0 : i32
      %dma_wait3A_101 = tpu.memref_slice %arg2[%dma_wait3A_99, %dma_wait3A_100] : memref<10000x128xf32, #tpu.memory_space<hbm>> -> memref<10000x128xf32, #tpu.memory_space<hbm>>
      tpu.wait_indirect_dma semaphore(%arg12 : memref<!tpu.dma_semaphore, #tpu.memory_space<semaphore_mem>>) src(%dma_wait3A_101 : memref<10000x128xf32, #tpu.memory_space<hbm>>) dst(%arg9 : memref<128x128xf32, #tpu.memory_space<vmem>>)
      %dma_start3A_102 = arith.constant 1 : i32
      %dma_start3A_103 = arith.constant 0 : i32
      %dma_start3A_104 = tpu.memref_slice %arg6[%dma_start3A_102, %dma_start3A_103] : memref<4x128xi32, #tpu.memory_space<vmem>> -> memref<1x128xi32, #tpu.memory_space<vmem>>
      %dma_start3A_105 = tpu.memref_squeeze %dma_start3A_104 : memref<1x128xi32, #tpu.memory_space<vmem>> -> memref<128xi32, #tpu.memory_space<vmem>>
      %dma_start3A_106 = arith.constant 0 : i32
      %dma_start3A_107 = arith.constant 0 : i32
      %dma_start3A_108 = tpu.memref_slice %arg2[%dma_start3A_106, %dma_start3A_107] : memref<10000x128xf32, #tpu.memory_space<hbm>> -> memref<10000x128xf32, #tpu.memory_space<hbm>>
      tpu.enqueue_indirect_dma source(%dma_start3A_108 : memref<10000x128xf32, #tpu.memory_space<hbm>>) target(%arg8 : memref<128x128xf32, #tpu.memory_space<vmem>>) offsets(%dma_start3A_105 : memref<128xi32, #tpu.memory_space<vmem>>) semaphore(%arg12 : memref<!tpu.dma_semaphore, #tpu.memory_space<semaphore_mem>>)
      %run_scoped3A_109 = arith.constant 3 : i32
      "tpu.region"() ({
        %run_scoped3A_195 = tpu.sem_alloc : memref<!tpu.dma_semaphore, #tpu.memory_space<semaphore_mem>>
        %dma_start3A_196 = arith.constant 0 : i32
        %dma_start3A_197 = tpu.memref_slice %arg5[%run_scoped3A_109, %dma_start3A_196] : memref<4x128xi32, #tpu.memory_space<vmem>> -> memref<1x128xi32, #tpu.memory_space<vmem>>
        %dma_start3A_198 = tpu.memref_squeeze %dma_start3A_197 : memref<1x128xi32, #tpu.memory_space<vmem>> -> memref<128xi32, #tpu.memory_space<vmem>>
        %dma_start3A_199 = arith.constant 0 : i32
        %dma_start3A_200 = arith.constant 0 : i32
        %dma_start3A_201 = tpu.memref_slice %arg11[%dma_start3A_199, %dma_start3A_200] : memref<10040x128xf32, #tpu.memory_space<vmem_shared>> -> memref<10040x128xf32, #tpu.memory_space<vmem_shared>>
        tpu.enqueue_indirect_dma source(%arg9 : memref<128x128xf32, #tpu.memory_space<vmem>>) target(%dma_start3A_201 : memref<10040x128xf32, #tpu.memory_space<vmem_shared>>) offsets(%dma_start3A_198 : memref<128xi32, #tpu.memory_space<vmem>>) semaphore(%run_scoped3A_195 : memref<!tpu.dma_semaphore, #tpu.memory_space<semaphore_mem>>) {add = true}
        %dma_wait3A_202 = arith.constant 0 : i32
        %dma_wait3A_203 = tpu.memref_slice %arg5[%run_scoped3A_109, %dma_wait3A_202] : memref<4x128xi32, #tpu.memory_space<vmem>> -> memref<1x128xi32, #tpu.memory_space<vmem>>
        %dma_wait3A_204 = tpu.memref_squeeze %dma_wait3A_203 : memref<1x128xi32, #tpu.memory_space<vmem>> -> memref<128xi32, #tpu.memory_space<vmem>>
        %dma_wait3A_205 = arith.constant 0 : i32
        %dma_wait3A_206 = arith.constant 0 : i32
        %dma_wait3A_207 = tpu.memref_slice %arg11[%dma_wait3A_205, %dma_wait3A_206] : memref<10040x128xf32, #tpu.memory_space<vmem_shared>> -> memref<10040x128xf32, #tpu.memory_space<vmem_shared>>
        tpu.wait_indirect_dma semaphore(%run_scoped3A_195 : memref<!tpu.dma_semaphore, #tpu.memory_space<semaphore_mem>>) src(%arg9 : memref<128x128xf32, #tpu.memory_space<vmem>>) dst(%dma_wait3A_207 : memref<10040x128xf32, #tpu.memory_space<vmem_shared>>)
        tpu.yield
      }) : () -> ()
      %lt3A_110 = arith.constant 13 : i32
      %lt3A_111 = arith.cmpi slt, %scan3A_71, %lt3A_110 : i32
      %convert_element_type3A_112 = arith.extui %lt3A_111 : i1 to i32
      %cond3A_113 = arith.constant 0 : i32
      %cond3A_114 = arith.cmpi ne, %convert_element_type3A_112, %cond3A_113 : i32
      scf.if %cond3A_114 {
        %mul3A_195 = arith.constant 3 : i32
        %mul3A_196 = arith.muli %mul3A_195, %scan3A_71 : i32
        %add3A_197 = arith.constant 3 : i32
        %add3A_198 = arith.addi %mul3A_196, %add3A_197 : i32
        %add3A_199 = arith.constant 0 : i32
        %add3A_200 = arith.addi %add3A_198, %add3A_199 : i32
        %dma_start3A_201 = arith.constant 0 : i32
        %dma_start3A_202 = arith.constant 0 : i32
        %dma_start3A_203 = tpu.memref_slice %arg3[%add3A, %add3A_200, %dma_start3A_201, %dma_start3A_202] : memref<32x42x4x128xi32, #tpu.memory_space<hbm>> -> memref<1x1x4x128xi32, #tpu.memory_space<hbm>>
        %dma_start3A_204 = tpu.memref_squeeze %dma_start3A_203 : memref<1x1x4x128xi32, #tpu.memory_space<hbm>> -> memref<4x128xi32, #tpu.memory_space<hbm>>
        %dma_start3A_205 = arith.constant 0 : i32
        %dma_start3A_206 = arith.constant 0 : i32
        %dma_start3A_207 = tpu.memref_slice %arg3[%add3A, %add3A_200, %dma_start3A_205, %dma_start3A_206] : memref<32x42x4x128xi32, #tpu.memory_space<hbm>> -> memref<1x1x4x128xi32, #tpu.memory_space<hbm>>
        %dma_start3A_208 = tpu.memref_squeeze %dma_start3A_207 : memref<1x1x4x128xi32, #tpu.memory_space<hbm>> -> memref<4x128xi32, #tpu.memory_space<hbm>>
        tpu.enqueue_dma source(%dma_start3A_208 : memref<4x128xi32, #tpu.memory_space<hbm>>) target(%arg5 : memref<4x128xi32, #tpu.memory_space<vmem>>) target_semaphore(%arg13 : memref<!tpu.dma_semaphore, #tpu.memory_space<semaphore_mem>>)
      } else {
      }
      %dma_wait3A_115 = arith.constant 0 : i32
      %dma_wait3A_116 = arith.constant 0 : i32
      %dma_wait3A_117 = arith.constant 0 : i32
      %dma_wait3A_118 = tpu.memref_slice %arg3[%add3A, %dma_wait3A_115, %dma_wait3A_116, %dma_wait3A_117] : memref<32x42x4x128xi32, #tpu.memory_space<hbm>> -> memref<1x1x4x128xi32, #tpu.memory_space<hbm>>
      %dma_wait3A_119 = tpu.memref_squeeze %dma_wait3A_118 : memref<1x1x4x128xi32, #tpu.memory_space<hbm>> -> memref<4x128xi32, #tpu.memory_space<hbm>>
      %dma_wait3A_120 = arith.constant 0 : i32
      %dma_wait3A_121 = arith.constant 0 : i32
      %dma_wait3A_122 = tpu.memref_slice %arg3[%add3A, %dma_wait3A_115, %dma_wait3A_120, %dma_wait3A_121] : memref<32x42x4x128xi32, #tpu.memory_space<hbm>> -> memref<1x1x4x128xi32, #tpu.memory_space<hbm>>
      %dma_wait3A_123 = tpu.memref_squeeze %dma_wait3A_122 : memref<1x1x4x128xi32, #tpu.memory_space<hbm>> -> memref<4x128xi32, #tpu.memory_space<hbm>>
      tpu.wait_dma2 semaphore(%arg15 : memref<!tpu.dma_semaphore, #tpu.memory_space<semaphore_mem>>) src(%dma_wait3A_123 : memref<4x128xi32, #tpu.memory_space<hbm>>) dst(%arg7 : memref<4x128xi32, #tpu.memory_space<vmem>>)
      %dma_wait3A_124 = arith.constant 0 : i32
      %dma_wait3A_125 = arith.constant 0 : i32
      %dma_wait3A_126 = tpu.memref_slice %arg5[%dma_wait3A_124, %dma_wait3A_125] : memref<4x128xi32, #tpu.memory_space<vmem>> -> memref<1x128xi32, #tpu.memory_space<vmem>>
      %dma_wait3A_127 = tpu.memref_squeeze %dma_wait3A_126 : memref<1x128xi32, #tpu.memory_space<vmem>> -> memref<128xi32, #tpu.memory_space<vmem>>
      %dma_wait3A_128 = arith.constant 0 : i32
      %dma_wait3A_129 = arith.constant 0 : i32
      %dma_wait3A_130 = tpu.memref_slice %arg2[%dma_wait3A_128, %dma_wait3A_129] : memref<10000x128xf32, #tpu.memory_space<hbm>> -> memref<10000x128xf32, #tpu.memory_space<hbm>>
      tpu.wait_indirect_dma semaphore(%arg12 : memref<!tpu.dma_semaphore, #tpu.memory_space<semaphore_mem>>) src(%dma_wait3A_130 : memref<10000x128xf32, #tpu.memory_space<hbm>>) dst(%arg10 : memref<128x128xf32, #tpu.memory_space<vmem>>)
      %dma_start3A_131 = arith.constant 0 : i32
      %dma_start3A_132 = arith.constant 0 : i32
      %dma_start3A_133 = tpu.memref_slice %arg7[%dma_start3A_131, %dma_start3A_132] : memref<4x128xi32, #tpu.memory_space<vmem>> -> memref<1x128xi32, #tpu.memory_space<vmem>>
      %dma_start3A_134 = tpu.memref_squeeze %dma_start3A_133 : memref<1x128xi32, #tpu.memory_space<vmem>> -> memref<128xi32, #tpu.memory_space<vmem>>
      %dma_start3A_135 = arith.constant 0 : i32
      %dma_start3A_136 = arith.constant 0 : i32
      %dma_start3A_137 = tpu.memref_slice %arg2[%dma_start3A_135, %dma_start3A_136] : memref<10000x128xf32, #tpu.memory_space<hbm>> -> memref<10000x128xf32, #tpu.memory_space<hbm>>
      tpu.enqueue_indirect_dma source(%dma_start3A_137 : memref<10000x128xf32, #tpu.memory_space<hbm>>) target(%arg9 : memref<128x128xf32, #tpu.memory_space<vmem>>) offsets(%dma_start3A_134 : memref<128xi32, #tpu.memory_space<vmem>>) semaphore(%arg12 : memref<!tpu.dma_semaphore, #tpu.memory_space<semaphore_mem>>)
      %run_scoped3A_138 = arith.constant 2 : i32
      "tpu.region"() ({
        %run_scoped3A_195 = tpu.sem_alloc : memref<!tpu.dma_semaphore, #tpu.memory_space<semaphore_mem>>
        %dma_start3A_196 = arith.constant 0 : i32
        %dma_start3A_197 = tpu.memref_slice %arg6[%run_scoped3A_138, %dma_start3A_196] : memref<4x128xi32, #tpu.memory_space<vmem>> -> memref<1x128xi32, #tpu.memory_space<vmem>>
        %dma_start3A_198 = tpu.memref_squeeze %dma_start3A_197 : memref<1x128xi32, #tpu.memory_space<vmem>> -> memref<128xi32, #tpu.memory_space<vmem>>
        %dma_start3A_199 = arith.constant 0 : i32
        %dma_start3A_200 = arith.constant 0 : i32
        %dma_start3A_201 = tpu.memref_slice %arg11[%dma_start3A_199, %dma_start3A_200] : memref<10040x128xf32, #tpu.memory_space<vmem_shared>> -> memref<10040x128xf32, #tpu.memory_space<vmem_shared>>
        tpu.enqueue_indirect_dma source(%arg10 : memref<128x128xf32, #tpu.memory_space<vmem>>) target(%dma_start3A_201 : memref<10040x128xf32, #tpu.memory_space<vmem_shared>>) offsets(%dma_start3A_198 : memref<128xi32, #tpu.memory_space<vmem>>) semaphore(%run_scoped3A_195 : memref<!tpu.dma_semaphore, #tpu.memory_space<semaphore_mem>>) {add = true}
        %dma_wait3A_202 = arith.constant 0 : i32
        %dma_wait3A_203 = tpu.memref_slice %arg6[%run_scoped3A_138, %dma_wait3A_202] : memref<4x128xi32, #tpu.memory_space<vmem>> -> memref<1x128xi32, #tpu.memory_space<vmem>>
        %dma_wait3A_204 = tpu.memref_squeeze %dma_wait3A_203 : memref<1x128xi32, #tpu.memory_space<vmem>> -> memref<128xi32, #tpu.memory_space<vmem>>
        %dma_wait3A_205 = arith.constant 0 : i32
        %dma_wait3A_206 = arith.constant 0 : i32
        %dma_wait3A_207 = tpu.memref_slice %arg11[%dma_wait3A_205, %dma_wait3A_206] : memref<10040x128xf32, #tpu.memory_space<vmem_shared>> -> memref<10040x128xf32, #tpu.memory_space<vmem_shared>>
        tpu.wait_indirect_dma semaphore(%run_scoped3A_195 : memref<!tpu.dma_semaphore, #tpu.memory_space<semaphore_mem>>) src(%arg10 : memref<128x128xf32, #tpu.memory_space<vmem>>) dst(%dma_wait3A_207 : memref<10040x128xf32, #tpu.memory_space<vmem_shared>>)
        tpu.yield
      }) : () -> ()
      %dma_wait3A_139 = arith.constant 0 : i32
      %dma_wait3A_140 = arith.constant 0 : i32
      %dma_wait3A_141 = tpu.memref_slice %arg5[%dma_wait3A_139, %dma_wait3A_140] : memref<4x128xi32, #tpu.memory_space<vmem>> -> memref<1x128xi32, #tpu.memory_space<vmem>>
      %dma_wait3A_142 = tpu.memref_squeeze %dma_wait3A_141 : memref<1x128xi32, #tpu.memory_space<vmem>> -> memref<128xi32, #tpu.memory_space<vmem>>
      %dma_wait3A_143 = arith.constant 0 : i32
      %dma_wait3A_144 = arith.constant 0 : i32
      %dma_wait3A_145 = tpu.memref_slice %arg2[%dma_wait3A_143, %dma_wait3A_144] : memref<10000x128xf32, #tpu.memory_space<hbm>> -> memref<10000x128xf32, #tpu.memory_space<hbm>>
      tpu.wait_indirect_dma semaphore(%arg12 : memref<!tpu.dma_semaphore, #tpu.memory_space<semaphore_mem>>) src(%dma_wait3A_145 : memref<10000x128xf32, #tpu.memory_space<hbm>>) dst(%arg8 : memref<128x128xf32, #tpu.memory_space<vmem>>)
      %dma_start3A_146 = arith.constant 1 : i32
      %dma_start3A_147 = arith.constant 0 : i32
      %dma_start3A_148 = tpu.memref_slice %arg7[%dma_start3A_146, %dma_start3A_147] : memref<4x128xi32, #tpu.memory_space<vmem>> -> memref<1x128xi32, #tpu.memory_space<vmem>>
      %dma_start3A_149 = tpu.memref_squeeze %dma_start3A_148 : memref<1x128xi32, #tpu.memory_space<vmem>> -> memref<128xi32, #tpu.memory_space<vmem>>
      %dma_start3A_150 = arith.constant 0 : i32
      %dma_start3A_151 = arith.constant 0 : i32
      %dma_start3A_152 = tpu.memref_slice %arg2[%dma_start3A_150, %dma_start3A_151] : memref<10000x128xf32, #tpu.memory_space<hbm>> -> memref<10000x128xf32, #tpu.memory_space<hbm>>
      tpu.enqueue_indirect_dma source(%dma_start3A_152 : memref<10000x128xf32, #tpu.memory_space<hbm>>) target(%arg10 : memref<128x128xf32, #tpu.memory_space<vmem>>) offsets(%dma_start3A_149 : memref<128xi32, #tpu.memory_space<vmem>>) semaphore(%arg12 : memref<!tpu.dma_semaphore, #tpu.memory_space<semaphore_mem>>)
      %run_scoped3A_153 = arith.constant 3 : i32
      "tpu.region"() ({
        %run_scoped3A_195 = tpu.sem_alloc : memref<!tpu.dma_semaphore, #tpu.memory_space<semaphore_mem>>
        %dma_start3A_196 = arith.constant 0 : i32
        %dma_start3A_197 = tpu.memref_slice %arg6[%run_scoped3A_153, %dma_start3A_196] : memref<4x128xi32, #tpu.memory_space<vmem>> -> memref<1x128xi32, #tpu.memory_space<vmem>>
        %dma_start3A_198 = tpu.memref_squeeze %dma_start3A_197 : memref<1x128xi32, #tpu.memory_space<vmem>> -> memref<128xi32, #tpu.memory_space<vmem>>
        %dma_start3A_199 = arith.constant 0 : i32
        %dma_start3A_200 = arith.constant 0 : i32
        %dma_start3A_201 = tpu.memref_slice %arg11[%dma_start3A_199, %dma_start3A_200] : memref<10040x128xf32, #tpu.memory_space<vmem_shared>> -> memref<10040x128xf32, #tpu.memory_space<vmem_shared>>
        tpu.enqueue_indirect_dma source(%arg8 : memref<128x128xf32, #tpu.memory_space<vmem>>) target(%dma_start3A_201 : memref<10040x128xf32, #tpu.memory_space<vmem_shared>>) offsets(%dma_start3A_198 : memref<128xi32, #tpu.memory_space<vmem>>) semaphore(%run_scoped3A_195 : memref<!tpu.dma_semaphore, #tpu.memory_space<semaphore_mem>>) {add = true}
        %dma_wait3A_202 = arith.constant 0 : i32
        %dma_wait3A_203 = tpu.memref_slice %arg6[%run_scoped3A_153, %dma_wait3A_202] : memref<4x128xi32, #tpu.memory_space<vmem>> -> memref<1x128xi32, #tpu.memory_space<vmem>>
        %dma_wait3A_204 = tpu.memref_squeeze %dma_wait3A_203 : memref<1x128xi32, #tpu.memory_space<vmem>> -> memref<128xi32, #tpu.memory_space<vmem>>
        %dma_wait3A_205 = arith.constant 0 : i32
        %dma_wait3A_206 = arith.constant 0 : i32
        %dma_wait3A_207 = tpu.memref_slice %arg11[%dma_wait3A_205, %dma_wait3A_206] : memref<10040x128xf32, #tpu.memory_space<vmem_shared>> -> memref<10040x128xf32, #tpu.memory_space<vmem_shared>>
        tpu.wait_indirect_dma semaphore(%run_scoped3A_195 : memref<!tpu.dma_semaphore, #tpu.memory_space<semaphore_mem>>) src(%arg8 : memref<128x128xf32, #tpu.memory_space<vmem>>) dst(%dma_wait3A_207 : memref<10040x128xf32, #tpu.memory_space<vmem_shared>>)
        tpu.yield
      }) : () -> ()
      %lt3A_154 = arith.constant 13 : i32
      %lt3A_155 = arith.cmpi slt, %scan3A_71, %lt3A_154 : i32
      %convert_element_type3A_156 = arith.extui %lt3A_155 : i1 to i32
      %cond3A_157 = arith.constant 0 : i32
      %cond3A_158 = arith.cmpi ne, %convert_element_type3A_156, %cond3A_157 : i32
      scf.if %cond3A_158 {
        %mul3A_195 = arith.constant 3 : i32
        %mul3A_196 = arith.muli %mul3A_195, %scan3A_71 : i32
        %add3A_197 = arith.constant 3 : i32
        %add3A_198 = arith.addi %mul3A_196, %add3A_197 : i32
        %add3A_199 = arith.constant 1 : i32
        %add3A_200 = arith.addi %add3A_198, %add3A_199 : i32
        %dma_start3A_201 = arith.constant 0 : i32
        %dma_start3A_202 = arith.constant 0 : i32
        %dma_start3A_203 = tpu.memref_slice %arg3[%add3A, %add3A_200, %dma_start3A_201, %dma_start3A_202] : memref<32x42x4x128xi32, #tpu.memory_space<hbm>> -> memref<1x1x4x128xi32, #tpu.memory_space<hbm>>
        %dma_start3A_204 = tpu.memref_squeeze %dma_start3A_203 : memref<1x1x4x128xi32, #tpu.memory_space<hbm>> -> memref<4x128xi32, #tpu.memory_space<hbm>>
        %dma_start3A_205 = arith.constant 0 : i32
        %dma_start3A_206 = arith.constant 0 : i32
        %dma_start3A_207 = tpu.memref_slice %arg3[%add3A, %add3A_200, %dma_start3A_205, %dma_start3A_206] : memref<32x42x4x128xi32, #tpu.memory_space<hbm>> -> memref<1x1x4x128xi32, #tpu.memory_space<hbm>>
        %dma_start3A_208 = tpu.memref_squeeze %dma_start3A_207 : memref<1x1x4x128xi32, #tpu.memory_space<hbm>> -> memref<4x128xi32, #tpu.memory_space<hbm>>
        tpu.enqueue_dma source(%dma_start3A_208 : memref<4x128xi32, #tpu.memory_space<hbm>>) target(%arg6 : memref<4x128xi32, #tpu.memory_space<vmem>>) target_semaphore(%arg14 : memref<!tpu.dma_semaphore, #tpu.memory_space<semaphore_mem>>)
      } else {
      }
      %lt3A_159 = arith.constant 13 : i32
      %lt3A_160 = arith.cmpi slt, %scan3A_71, %lt3A_159 : i32
      %convert_element_type3A_161 = arith.extui %lt3A_160 : i1 to i32
      %cond3A_162 = arith.constant 0 : i32
      %cond3A_163 = arith.cmpi ne, %convert_element_type3A_161, %cond3A_162 : i32
      scf.if %cond3A_163 {
        %dma_wait3A_195 = arith.constant 0 : i32
        %dma_wait3A_196 = arith.constant 0 : i32
        %dma_wait3A_197 = arith.constant 0 : i32
        %dma_wait3A_198 = tpu.memref_slice %arg3[%add3A, %dma_wait3A_195, %dma_wait3A_196, %dma_wait3A_197] : memref<32x42x4x128xi32, #tpu.memory_space<hbm>> -> memref<1x1x4x128xi32, #tpu.memory_space<hbm>>
        %dma_wait3A_199 = tpu.memref_squeeze %dma_wait3A_198 : memref<1x1x4x128xi32, #tpu.memory_space<hbm>> -> memref<4x128xi32, #tpu.memory_space<hbm>>
        %dma_wait3A_200 = arith.constant 0 : i32
        %dma_wait3A_201 = arith.constant 0 : i32
        %dma_wait3A_202 = tpu.memref_slice %arg3[%add3A, %dma_wait3A_195, %dma_wait3A_200, %dma_wait3A_201] : memref<32x42x4x128xi32, #tpu.memory_space<hbm>> -> memref<1x1x4x128xi32, #tpu.memory_space<hbm>>
        %dma_wait3A_203 = tpu.memref_squeeze %dma_wait3A_202 : memref<1x1x4x128xi32, #tpu.memory_space<hbm>> -> memref<4x128xi32, #tpu.memory_space<hbm>>
        tpu.wait_dma2 semaphore(%arg13 : memref<!tpu.dma_semaphore, #tpu.memory_space<semaphore_mem>>) src(%dma_wait3A_203 : memref<4x128xi32, #tpu.memory_space<hbm>>) dst(%arg5 : memref<4x128xi32, #tpu.memory_space<vmem>>)
      } else {
      }
      %dma_wait3A_164 = arith.constant 0 : i32
      %dma_wait3A_165 = arith.constant 0 : i32
      %dma_wait3A_166 = tpu.memref_slice %arg5[%dma_wait3A_164, %dma_wait3A_165] : memref<4x128xi32, #tpu.memory_space<vmem>> -> memref<1x128xi32, #tpu.memory_space<vmem>>
      %dma_wait3A_167 = tpu.memref_squeeze %dma_wait3A_166 : memref<1x128xi32, #tpu.memory_space<vmem>> -> memref<128xi32, #tpu.memory_space<vmem>>
      %dma_wait3A_168 = arith.constant 0 : i32
      %dma_wait3A_169 = arith.constant 0 : i32
      %dma_wait3A_170 = tpu.memref_slice %arg2[%dma_wait3A_168, %dma_wait3A_169] : memref<10000x128xf32, #tpu.memory_space<hbm>> -> memref<10000x128xf32, #tpu.memory_space<hbm>>
      tpu.wait_indirect_dma semaphore(%arg12 : memref<!tpu.dma_semaphore, #tpu.memory_space<semaphore_mem>>) src(%dma_wait3A_170 : memref<10000x128xf32, #tpu.memory_space<hbm>>) dst(%arg9 : memref<128x128xf32, #tpu.memory_space<vmem>>)
      %lt3A_171 = arith.constant 13 : i32
      %lt3A_172 = arith.cmpi slt, %scan3A_71, %lt3A_171 : i32
      %convert_element_type3A_173 = arith.extui %lt3A_172 : i1 to i32
      %cond3A_174 = arith.constant 0 : i32
      %cond3A_175 = arith.cmpi ne, %convert_element_type3A_173, %cond3A_174 : i32
      scf.if %cond3A_175 {
        %dma_start3A_195 = arith.constant 0 : i32
        %dma_start3A_196 = arith.constant 0 : i32
        %dma_start3A_197 = tpu.memref_slice %arg5[%dma_start3A_195, %dma_start3A_196] : memref<4x128xi32, #tpu.memory_space<vmem>> -> memref<1x128xi32, #tpu.memory_space<vmem>>
        %dma_start3A_198 = tpu.memref_squeeze %dma_start3A_197 : memref<1x128xi32, #tpu.memory_space<vmem>> -> memref<128xi32, #tpu.memory_space<vmem>>
        %dma_start3A_199 = arith.constant 0 : i32
        %dma_start3A_200 = arith.constant 0 : i32
        %dma_start3A_201 = tpu.memref_slice %arg2[%dma_start3A_199, %dma_start3A_200] : memref<10000x128xf32, #tpu.memory_space<hbm>> -> memref<10000x128xf32, #tpu.memory_space<hbm>>
        tpu.enqueue_indirect_dma source(%dma_start3A_201 : memref<10000x128xf32, #tpu.memory_space<hbm>>) target(%arg8 : memref<128x128xf32, #tpu.memory_space<vmem>>) offsets(%dma_start3A_198 : memref<128xi32, #tpu.memory_space<vmem>>) semaphore(%arg12 : memref<!tpu.dma_semaphore, #tpu.memory_space<semaphore_mem>>)
      } else {
      }
      %run_scoped3A_176 = arith.constant 2 : i32
      "tpu.region"() ({
        %run_scoped3A_195 = tpu.sem_alloc : memref<!tpu.dma_semaphore, #tpu.memory_space<semaphore_mem>>
        %dma_start3A_196 = arith.constant 0 : i32
        %dma_start3A_197 = tpu.memref_slice %arg7[%run_scoped3A_176, %dma_start3A_196] : memref<4x128xi32, #tpu.memory_space<vmem>> -> memref<1x128xi32, #tpu.memory_space<vmem>>
        %dma_start3A_198 = tpu.memref_squeeze %dma_start3A_197 : memref<1x128xi32, #tpu.memory_space<vmem>> -> memref<128xi32, #tpu.memory_space<vmem>>
        %dma_start3A_199 = arith.constant 0 : i32
        %dma_start3A_200 = arith.constant 0 : i32
        %dma_start3A_201 = tpu.memref_slice %arg11[%dma_start3A_199, %dma_start3A_200] : memref<10040x128xf32, #tpu.memory_space<vmem_shared>> -> memref<10040x128xf32, #tpu.memory_space<vmem_shared>>
        tpu.enqueue_indirect_dma source(%arg9 : memref<128x128xf32, #tpu.memory_space<vmem>>) target(%dma_start3A_201 : memref<10040x128xf32, #tpu.memory_space<vmem_shared>>) offsets(%dma_start3A_198 : memref<128xi32, #tpu.memory_space<vmem>>) semaphore(%run_scoped3A_195 : memref<!tpu.dma_semaphore, #tpu.memory_space<semaphore_mem>>) {add = true}
        %dma_wait3A_202 = arith.constant 0 : i32
        %dma_wait3A_203 = tpu.memref_slice %arg7[%run_scoped3A_176, %dma_wait3A_202] : memref<4x128xi32, #tpu.memory_space<vmem>> -> memref<1x128xi32, #tpu.memory_space<vmem>>
        %dma_wait3A_204 = tpu.memref_squeeze %dma_wait3A_203 : memref<1x128xi32, #tpu.memory_space<vmem>> -> memref<128xi32, #tpu.memory_space<vmem>>
        %dma_wait3A_205 = arith.constant 0 : i32
        %dma_wait3A_206 = arith.constant 0 : i32
        %dma_wait3A_207 = tpu.memref_slice %arg11[%dma_wait3A_205, %dma_wait3A_206] : memref<10040x128xf32, #tpu.memory_space<vmem_shared>> -> memref<10040x128xf32, #tpu.memory_space<vmem_shared>>
        tpu.wait_indirect_dma semaphore(%run_scoped3A_195 : memref<!tpu.dma_semaphore, #tpu.memory_space<semaphore_mem>>) src(%arg9 : memref<128x128xf32, #tpu.memory_space<vmem>>) dst(%dma_wait3A_207 : memref<10040x128xf32, #tpu.memory_space<vmem_shared>>)
        tpu.yield
      }) : () -> ()
      %dma_wait3A_177 = arith.constant 0 : i32
      %dma_wait3A_178 = arith.constant 0 : i32
      %dma_wait3A_179 = tpu.memref_slice %arg5[%dma_wait3A_177, %dma_wait3A_178] : memref<4x128xi32, #tpu.memory_space<vmem>> -> memref<1x128xi32, #tpu.memory_space<vmem>>
      %dma_wait3A_180 = tpu.memref_squeeze %dma_wait3A_179 : memref<1x128xi32, #tpu.memory_space<vmem>> -> memref<128xi32, #tpu.memory_space<vmem>>
      %dma_wait3A_181 = arith.constant 0 : i32
      %dma_wait3A_182 = arith.constant 0 : i32
      %dma_wait3A_183 = tpu.memref_slice %arg2[%dma_wait3A_181, %dma_wait3A_182] : memref<10000x128xf32, #tpu.memory_space<hbm>> -> memref<10000x128xf32, #tpu.memory_space<hbm>>
      tpu.wait_indirect_dma semaphore(%arg12 : memref<!tpu.dma_semaphore, #tpu.memory_space<semaphore_mem>>) src(%dma_wait3A_183 : memref<10000x128xf32, #tpu.memory_space<hbm>>) dst(%arg10 : memref<128x128xf32, #tpu.memory_space<vmem>>)
      %lt3A_184 = arith.constant 13 : i32
      %lt3A_185 = arith.cmpi slt, %scan3A_71, %lt3A_184 : i32
      %convert_element_type3A_186 = arith.extui %lt3A_185 : i1 to i32
      %cond3A_187 = arith.constant 0 : i32
      %cond3A_188 = arith.cmpi ne, %convert_element_type3A_186, %cond3A_187 : i32
      scf.if %cond3A_188 {
        %dma_start3A_195 = arith.constant 1 : i32
        %dma_start3A_196 = arith.constant 0 : i32
        %dma_start3A_197 = tpu.memref_slice %arg5[%dma_start3A_195, %dma_start3A_196] : memref<4x128xi32, #tpu.memory_space<vmem>> -> memref<1x128xi32, #tpu.memory_space<vmem>>
        %dma_start3A_198 = tpu.memref_squeeze %dma_start3A_197 : memref<1x128xi32, #tpu.memory_space<vmem>> -> memref<128xi32, #tpu.memory_space<vmem>>
        %dma_start3A_199 = arith.constant 0 : i32
        %dma_start3A_200 = arith.constant 0 : i32
        %dma_start3A_201 = tpu.memref_slice %arg2[%dma_start3A_199, %dma_start3A_200] : memref<10000x128xf32, #tpu.memory_space<hbm>> -> memref<10000x128xf32, #tpu.memory_space<hbm>>
        tpu.enqueue_indirect_dma source(%dma_start3A_201 : memref<10000x128xf32, #tpu.memory_space<hbm>>) target(%arg9 : memref<128x128xf32, #tpu.memory_space<vmem>>) offsets(%dma_start3A_198 : memref<128xi32, #tpu.memory_space<vmem>>) semaphore(%arg12 : memref<!tpu.dma_semaphore, #tpu.memory_space<semaphore_mem>>)
      } else {
      }
      %run_scoped3A_189 = arith.constant 3 : i32
      "tpu.region"() ({
        %run_scoped3A_195 = tpu.sem_alloc : memref<!tpu.dma_semaphore, #tpu.memory_space<semaphore_mem>>
        %dma_start3A_196 = arith.constant 0 : i32
        %dma_start3A_197 = tpu.memref_slice %arg7[%run_scoped3A_189, %dma_start3A_196] : memref<4x128xi32, #tpu.memory_space<vmem>> -> memref<1x128xi32, #tpu.memory_space<vmem>>
        %dma_start3A_198 = tpu.memref_squeeze %dma_start3A_197 : memref<1x128xi32, #tpu.memory_space<vmem>> -> memref<128xi32, #tpu.memory_space<vmem>>
        %dma_start3A_199 = arith.constant 0 : i32
        %dma_start3A_200 = arith.constant 0 : i32
        %dma_start3A_201 = tpu.memref_slice %arg11[%dma_start3A_199, %dma_start3A_200] : memref<10040x128xf32, #tpu.memory_space<vmem_shared>> -> memref<10040x128xf32, #tpu.memory_space<vmem_shared>>
        tpu.enqueue_indirect_dma source(%arg10 : memref<128x128xf32, #tpu.memory_space<vmem>>) target(%dma_start3A_201 : memref<10040x128xf32, #tpu.memory_space<vmem_shared>>) offsets(%dma_start3A_198 : memref<128xi32, #tpu.memory_space<vmem>>) semaphore(%run_scoped3A_195 : memref<!tpu.dma_semaphore, #tpu.memory_space<semaphore_mem>>) {add = true}
        %dma_wait3A_202 = arith.constant 0 : i32
        %dma_wait3A_203 = tpu.memref_slice %arg7[%run_scoped3A_189, %dma_wait3A_202] : memref<4x128xi32, #tpu.memory_space<vmem>> -> memref<1x128xi32, #tpu.memory_space<vmem>>
        %dma_wait3A_204 = tpu.memref_squeeze %dma_wait3A_203 : memref<1x128xi32, #tpu.memory_space<vmem>> -> memref<128xi32, #tpu.memory_space<vmem>>
        %dma_wait3A_205 = arith.constant 0 : i32
        %dma_wait3A_206 = arith.constant 0 : i32
        %dma_wait3A_207 = tpu.memref_slice %arg11[%dma_wait3A_205, %dma_wait3A_206] : memref<10040x128xf32, #tpu.memory_space<vmem_shared>> -> memref<10040x128xf32, #tpu.memory_space<vmem_shared>>
        tpu.wait_indirect_dma semaphore(%run_scoped3A_195 : memref<!tpu.dma_semaphore, #tpu.memory_space<semaphore_mem>>) src(%arg10 : memref<128x128xf32, #tpu.memory_space<vmem>>) dst(%dma_wait3A_207 : memref<10040x128xf32, #tpu.memory_space<vmem_shared>>)
        tpu.yield
      }) : () -> ()
      %lt3A_190 = arith.constant 13 : i32
      %lt3A_191 = arith.cmpi slt, %scan3A_71, %lt3A_190 : i32
      %convert_element_type3A_192 = arith.extui %lt3A_191 : i1 to i32
      %cond3A_193 = arith.constant 0 : i32
      %cond3A_194 = arith.cmpi ne, %convert_element_type3A_192, %cond3A_193 : i32
      scf.if %cond3A_194 {
        %mul3A_195 = arith.constant 3 : i32
        %mul3A_196 = arith.muli %mul3A_195, %scan3A_71 : i32
        %add3A_197 = arith.constant 3 : i32
        %add3A_198 = arith.addi %mul3A_196, %add3A_197 : i32
        %add3A_199 = arith.constant 2 : i32
        %add3A_200 = arith.addi %add3A_198, %add3A_199 : i32
        %dma_start3A_201 = arith.constant 0 : i32
        %dma_start3A_202 = arith.constant 0 : i32
        %dma_start3A_203 = tpu.memref_slice %arg3[%add3A, %add3A_200, %dma_start3A_201, %dma_start3A_202] : memref<32x42x4x128xi32, #tpu.memory_space<hbm>> -> memref<1x1x4x128xi32, #tpu.memory_space<hbm>>
        %dma_start3A_204 = tpu.memref_squeeze %dma_start3A_203 : memref<1x1x4x128xi32, #tpu.memory_space<hbm>> -> memref<4x128xi32, #tpu.memory_space<hbm>>
        %dma_start3A_205 = arith.constant 0 : i32
        %dma_start3A_206 = arith.constant 0 : i32
        %dma_start3A_207 = tpu.memref_slice %arg3[%add3A, %add3A_200, %dma_start3A_205, %dma_start3A_206] : memref<32x42x4x128xi32, #tpu.memory_space<hbm>> -> memref<1x1x4x128xi32, #tpu.memory_space<hbm>>
        %dma_start3A_208 = tpu.memref_squeeze %dma_start3A_207 : memref<1x1x4x128xi32, #tpu.memory_space<hbm>> -> memref<4x128xi32, #tpu.memory_space<hbm>>
        tpu.enqueue_dma source(%dma_start3A_208 : memref<4x128xi32, #tpu.memory_space<hbm>>) target(%arg7 : memref<4x128xi32, #tpu.memory_space<vmem>>) target_semaphore(%arg15 : memref<!tpu.dma_semaphore, #tpu.memory_space<semaphore_mem>>)
      } else {
      }
    }
    %scan3A_59 = arith.constant 14 : i32
    %barrier3A_60 = arith.constant 0 : index
    tpu.barrier barrier_id(%barrier3A_60)
    %lt3A_61 = arith.constant 15 : i32
    %lt3A_62 = arith.cmpi slt, %arg1, %lt3A_61 : i32
    %convert_element_type3A_63 = arith.extui %lt3A_62 : i1 to i32
    %cond3A_64 = arith.constant 0 : i32
    %cond3A_65 = arith.cmpi ne, %convert_element_type3A_63, %cond3A_64 : i32
    scf.if %cond3A_65 {
      "tpu.region"() ({
        %run_scoped3A_71 = tpu.sem_alloc : memref<!tpu.dma_semaphore, #tpu.memory_space<semaphore_mem>>
        %dma_start3A_72 = arith.constant 0 : i32
        %dma_start3A_73 = tpu.memref_slice %arg4[%arg0, %mul3A_8, %dma_start3A_72] : memref<2x10040x128xf32, #tpu.memory_space<hbm>> -> memref<1x632x128xf32, #tpu.memory_space<hbm>>
        %dma_start3A_74 = tpu.memref_squeeze %dma_start3A_73 : memref<1x632x128xf32, #tpu.memory_space<hbm>> -> memref<632x128xf32, #tpu.memory_space<hbm>>
        %dma_start3A_75 = arith.constant 0 : i32
        %dma_start3A_76 = tpu.memref_slice %arg11[%mul3A_8, %dma_start3A_75] : memref<10040x128xf32, #tpu.memory_space<vmem_shared>> -> memref<632x128xf32, #tpu.memory_space<vmem_shared>>
        tpu.enqueue_dma source(%dma_start3A_76 : memref<632x128xf32, #tpu.memory_space<vmem_shared>>) target(%dma_start3A_74 : memref<632x128xf32, #tpu.memory_space<hbm>>) target_semaphore(%run_scoped3A_71 : memref<!tpu.dma_semaphore, #tpu.memory_space<semaphore_mem>>)
        %dma_wait3A = arith.constant 0 : i32
        %dma_wait3A_77 = tpu.memref_slice %arg4[%arg0, %mul3A_8, %dma_wait3A] : memref<2x10040x128xf32, #tpu.memory_space<hbm>> -> memref<1x632x128xf32, #tpu.memory_space<hbm>>
        %dma_wait3A_78 = tpu.memref_squeeze %dma_wait3A_77 : memref<1x632x128xf32, #tpu.memory_space<hbm>> -> memref<632x128xf32, #tpu.memory_space<hbm>>
        %dma_wait3A_79 = arith.constant 0 : i32
        %dma_wait3A_80 = tpu.memref_slice %arg11[%mul3A_8, %dma_wait3A_79] : memref<10040x128xf32, #tpu.memory_space<vmem_shared>> -> memref<632x128xf32, #tpu.memory_space<vmem_shared>>
        tpu.wait_dma2 semaphore(%run_scoped3A_71 : memref<!tpu.dma_semaphore, #tpu.memory_space<semaphore_mem>>) src(%dma_wait3A_80 : memref<632x128xf32, #tpu.memory_space<vmem_shared>>) dst(%dma_wait3A_78 : memref<632x128xf32, #tpu.memory_space<hbm>>)
        tpu.yield
      }) : () -> ()
    } else {
    }
    %eq3A_66 = arith.constant 15 : i32
    %eq3A_67 = arith.cmpi eq, %arg1, %eq3A_66 : i32
    %convert_element_type3A_68 = arith.extui %eq3A_67 : i1 to i32
    %cond3A_69 = arith.constant 0 : i32
    %cond3A_70 = arith.cmpi ne, %convert_element_type3A_68, %cond3A_69 : i32
    scf.if %cond3A_70 {
      "tpu.region"() ({
        %run_scoped3A_71 = tpu.sem_alloc : memref<!tpu.dma_semaphore, #tpu.memory_space<semaphore_mem>>
        %dma_start3A_72 = arith.constant 0 : i32
        %dma_start3A_73 = tpu.memref_slice %arg4[%arg0, %mul3A_8, %dma_start3A_72] : memref<2x10040x128xf32, #tpu.memory_space<hbm>> -> memref<1x560x128xf32, #tpu.memory_space<hbm>>
        %dma_start3A_74 = tpu.memref_squeeze %dma_start3A_73 : memref<1x560x128xf32, #tpu.memory_space<hbm>> -> memref<560x128xf32, #tpu.memory_space<hbm>>
        %dma_start3A_75 = arith.constant 0 : i32
        %dma_start3A_76 = tpu.memref_slice %arg11[%mul3A_8, %dma_start3A_75] : memref<10040x128xf32, #tpu.memory_space<vmem_shared>> -> memref<560x128xf32, #tpu.memory_space<vmem_shared>>
        tpu.enqueue_dma source(%dma_start3A_76 : memref<560x128xf32, #tpu.memory_space<vmem_shared>>) target(%dma_start3A_74 : memref<560x128xf32, #tpu.memory_space<hbm>>) target_semaphore(%run_scoped3A_71 : memref<!tpu.dma_semaphore, #tpu.memory_space<semaphore_mem>>)
        %dma_wait3A = arith.constant 0 : i32
        %dma_wait3A_77 = tpu.memref_slice %arg4[%arg0, %mul3A_8, %dma_wait3A] : memref<2x10040x128xf32, #tpu.memory_space<hbm>> -> memref<1x560x128xf32, #tpu.memory_space<hbm>>
        %dma_wait3A_78 = tpu.memref_squeeze %dma_wait3A_77 : memref<1x560x128xf32, #tpu.memory_space<hbm>> -> memref<560x128xf32, #tpu.memory_space<hbm>>
        %dma_wait3A_79 = arith.constant 0 : i32
        %dma_wait3A_80 = tpu.memref_slice %arg11[%mul3A_8, %dma_wait3A_79] : memref<10040x128xf32, #tpu.memory_space<vmem_shared>> -> memref<560x128xf32, #tpu.memory_space<vmem_shared>>
        tpu.wait_dma2 semaphore(%run_scoped3A_71 : memref<!tpu.dma_semaphore, #tpu.memory_space<semaphore_mem>>) src(%dma_wait3A_80 : memref<560x128xf32, #tpu.memory_space<vmem_shared>>) dst(%dma_wait3A_78 : memref<560x128xf32, #tpu.memory_space<hbm>>)
        tpu.yield
      }) : () -> ()
    } else {
    }
    return
  }
}

#map = affine_map<(d0, d1) -> (0, 0)>
#map1 = affine_map<(d0, d1) -> (0, 0, 0, 0)>
#map2 = affine_map<(d0, d1) -> (0, 0, 0)>
module attributes {stable_mosaic.version = 14 : i64} {
  func.func @seg(%arg0: i32, %arg1: i32, %arg2: memref<10000x128xf32, #tpu.memory_space<hbm>>, %arg3: memref<32x42x4x128xi32, #tpu.memory_space<hbm>>, %arg4: memref<2x10040x128xf32, #tpu.memory_space<hbm>>, %arg5: memref<4x128xi32, #tpu.memory_space<vmem>>, %arg6: memref<4x128xi32, #tpu.memory_space<vmem>>, %arg7: memref<4x128xi32, #tpu.memory_space<vmem>>, %arg8: memref<128x128xf32, #tpu.memory_space<vmem>>, %arg9: memref<128x128xf32, #tpu.memory_space<vmem>>, %arg10: memref<128x128xf32, #tpu.memory_space<vmem>>, %arg11: memref<10040x128xf32, #tpu.memory_space<vmem_shared>>, %arg12: memref<!tpu.dma_semaphore, #tpu.memory_space<semaphore_mem>>, %arg13: memref<!tpu.dma_semaphore, #tpu.memory_space<semaphore_mem>>, %arg14: memref<!tpu.dma_semaphore, #tpu.memory_space<semaphore_mem>>, %arg15: memref<!tpu.dma_semaphore, #tpu.memory_space<semaphore_mem>>) attributes {dimension_semantics = [#tpu.dimension_semantics<core_parallel>, #tpu.dimension_semantics<subcore_parallel>], iteration_bounds = array<i64: 2, 16>, scalar_prefetch = 0 : i64, scratch_operands = 11 : i64, tpu.core_type = #tpu.core_type<sc_vector_subcore>, window_params = [{transform_indices = #map}, {transform_indices = #map1}, {transform_indices = #map2}]} {
    %mul3A = arith.constant 16 : i32
    %mul3A_0 = arith.muli %arg0, %mul3A : i32
    %add3A = arith.addi %mul3A_0, %arg1 : i32
    %broadcast_in_dim3A = arith.constant 0.000000e+00 : f32
    %broadcast_in_dim3A_1 = vector.broadcast %broadcast_in_dim3A : f32 to vector<16xf32>
    %scan3A = arith.constant 0 : i32
    %scan3A_2 = arith.constant 0 : i32
    %scan3A_3 = arith.constant 128 : i32
    %scan3A_4 = arith.addi %scan3A_2, %scan3A_3 : i32
    %scan3A_5 = arith.constant 1 : i32
    scf.for %scan3A_71 = %scan3A_2 to %scan3A_4 step %scan3A_5  : i32 {
      %swap3A = arith.index_cast %scan3A_71 : i32 to index
      %swap3A_72 = arith.constant 0 : index
      %swap3A_73 = tpu.vector_load %arg8[%swap3A, %swap3A_72] {strides = array<i32>} : memref<128x128xf32, #tpu.memory_space<vmem>>, vector<1x16xf32>,
      %swap3A_74 = vector.shape_cast %swap3A_73 : vector<1x16xf32> to vector<16xf32>
      %swap3A_75 = vector.shape_cast %broadcast_in_dim3A_1 : vector<16xf32> to vector<1x16xf32>
      tpu.vector_store %arg8[%swap3A, %swap3A_72], %swap3A_75 {strides = array<i32>} : memref<128x128xf32, #tpu.memory_space<vmem>>, vector<1x16xf32>,
      %swap3A_76 = arith.index_cast %scan3A_71 : i32 to index
      %swap3A_77 = arith.constant 16 : index
      %swap3A_78 = tpu.vector_load %arg8[%swap3A_76, %swap3A_77] {strides = array<i32>} : memref<128x128xf32, #tpu.memory_space<vmem>>, vector<1x16xf32>,
      %swap3A_79 = vector.shape_cast %swap3A_78 : vector<1x16xf32> to vector<16xf32>
      %swap3A_80 = vector.shape_cast %broadcast_in_dim3A_1 : vector<16xf32> to vector<1x16xf32>
      tpu.vector_store %arg8[%swap3A_76, %swap3A_77], %swap3A_80 {strides = array<i32>} : memref<128x128xf32, #tpu.memory_space<vmem>>, vector<1x16xf32>,
      %swap3A_81 = arith.index_cast %scan3A_71 : i32 to index
      %swap3A_82 = arith.constant 32 : index
      %swap3A_83 = tpu.vector_load %arg8[%swap3A_81, %swap3A_82] {strides = array<i32>} : memref<128x128xf32, #tpu.memory_space<vmem>>, vector<1x16xf32>,
      %swap3A_84 = vector.shape_cast %swap3A_83 : vector<1x16xf32> to vector<16xf32>
      %swap3A_85 = vector.shape_cast %broadcast_in_dim3A_1 : vector<16xf32> to vector<1x16xf32>
      tpu.vector_store %arg8[%swap3A_81, %swap3A_82], %swap3A_85 {strides = array<i32>} : memref<128x128xf32, #tpu.memory_space<vmem>>, vector<1x16xf32>,
      %swap3A_86 = arith.index_cast %scan3A_71 : i32 to index
      %swap3A_87 = arith.constant 48 : index
      %swap3A_88 = tpu.vector_load %arg8[%swap3A_86, %swap3A_87] {strides = array<i32>} : memref<128x128xf32, #tpu.memory_space<vmem>>, vector<1x16xf32>,
      %swap3A_89 = vector.shape_cast %swap3A_88 : vector<1x16xf32> to vector<16xf32>
      %swap3A_90 = vector.shape_cast %broadcast_in_dim3A_1 : vector<16xf32> to vector<1x16xf32>
      tpu.vector_store %arg8[%swap3A_86, %swap3A_87], %swap3A_90 {strides = array<i32>} : memref<128x128xf32, #tpu.memory_space<vmem>>, vector<1x16xf32>,
      %swap3A_91 = arith.index_cast %scan3A_71 : i32 to index
      %swap3A_92 = arith.constant 64 : index
      %swap3A_93 = tpu.vector_load %arg8[%swap3A_91, %swap3A_92] {strides = array<i32>} : memref<128x128xf32, #tpu.memory_space<vmem>>, vector<1x16xf32>,
      %swap3A_94 = vector.shape_cast %swap3A_93 : vector<1x16xf32> to vector<16xf32>
      %swap3A_95 = vector.shape_cast %broadcast_in_dim3A_1 : vector<16xf32> to vector<1x16xf32>
      tpu.vector_store %arg8[%swap3A_91, %swap3A_92], %swap3A_95 {strides = array<i32>} : memref<128x128xf32, #tpu.memory_space<vmem>>, vector<1x16xf32>,
      %swap3A_96 = arith.index_cast %scan3A_71 : i32 to index
      %swap3A_97 = arith.constant 80 : index
      %swap3A_98 = tpu.vector_load %arg8[%swap3A_96, %swap3A_97] {strides = array<i32>} : memref<128x128xf32, #tpu.memory_space<vmem>>, vector<1x16xf32>,
      %swap3A_99 = vector.shape_cast %swap3A_98 : vector<1x16xf32> to vector<16xf32>
      %swap3A_100 = vector.shape_cast %broadcast_in_dim3A_1 : vector<16xf32> to vector<1x16xf32>
      tpu.vector_store %arg8[%swap3A_96, %swap3A_97], %swap3A_100 {strides = array<i32>} : memref<128x128xf32, #tpu.memory_space<vmem>>, vector<1x16xf32>,
      %swap3A_101 = arith.index_cast %scan3A_71 : i32 to index
      %swap3A_102 = arith.constant 96 : index
      %swap3A_103 = tpu.vector_load %arg8[%swap3A_101, %swap3A_102] {strides = array<i32>} : memref<128x128xf32, #tpu.memory_space<vmem>>, vector<1x16xf32>,
      %swap3A_104 = vector.shape_cast %swap3A_103 : vector<1x16xf32> to vector<16xf32>
      %swap3A_105 = vector.shape_cast %broadcast_in_dim3A_1 : vector<16xf32> to vector<1x16xf32>
      tpu.vector_store %arg8[%swap3A_101, %swap3A_102], %swap3A_105 {strides = array<i32>} : memref<128x128xf32, #tpu.memory_space<vmem>>, vector<1x16xf32>,
      %swap3A_106 = arith.index_cast %scan3A_71 : i32 to index
      %swap3A_107 = arith.constant 112 : index
      %swap3A_108 = tpu.vector_load %arg8[%swap3A_106, %swap3A_107] {strides = array<i32>} : memref<128x128xf32, #tpu.memory_space<vmem>>, vector<1x16xf32>,
      %swap3A_109 = vector.shape_cast %swap3A_108 : vector<1x16xf32> to vector<16xf32>
      %swap3A_110 = vector.shape_cast %broadcast_in_dim3A_1 : vector<16xf32> to vector<1x16xf32>
      tpu.vector_store %arg8[%swap3A_106, %swap3A_107], %swap3A_110 {strides = array<i32>} : memref<128x128xf32, #tpu.memory_space<vmem>>, vector<1x16xf32>,
    }
    %scan3A_6 = arith.constant 128 : i32
    %mul3A_7 = arith.constant 632 : i32
    %mul3A_8 = arith.muli %arg1, %mul3A_7 : i32
    %add3A_9 = arith.constant 0 : i32
    %add3A_10 = arith.addi %mul3A_8, %add3A_9 : i32
    "tpu.region"() ({
      %run_scoped3A_71 = tpu.sem_alloc : memref<!tpu.dma_semaphore, #tpu.memory_space<semaphore_mem>>
      %dma_start3A_72 = arith.constant 0 : i32
      %dma_start3A_73 = tpu.memref_slice %arg11[%add3A_10, %dma_start3A_72] : memref<10040x128xf32, #tpu.memory_space<vmem_shared>> -> memref<128x128xf32, #tpu.memory_space<vmem_shared>>
      %dma_start3A_74 = arith.constant 0 : i32
      %dma_start3A_75 = tpu.memref_slice %arg11[%add3A_10, %dma_start3A_74] : memref<10040x128xf32, #tpu.memory_space<vmem_shared>> -> memref<128x128xf32, #tpu.memory_space<vmem_shared>>
      tpu.enqueue_dma source(%arg8 : memref<128x128xf32, #tpu.memory_space<vmem>>) target(%dma_start3A_75 : memref<128x128xf32, #tpu.memory_space<vmem_shared>>) target_semaphore(%run_scoped3A_71 : memref<!tpu.dma_semaphore, #tpu.memory_space<semaphore_mem>>)
      %dma_wait3A = arith.constant 0 : i32
      %dma_wait3A_76 = tpu.memref_slice %arg11[%add3A_10, %dma_wait3A] : memref<10040x128xf32, #tpu.memory_space<vmem_shared>> -> memref<128x128xf32, #tpu.memory_space<vmem_shared>>
      %dma_wait3A_77 = arith.constant 0 : i32
      %dma_wait3A_78 = tpu.memref_slice %arg11[%add3A_10, %dma_wait3A_77] : memref<10040x128xf32, #tpu.memory_space<vmem_shared>> -> memref<128x128xf32, #tpu.memory_space<vmem_shared>>
      tpu.wait_dma2 semaphore(%run_scoped3A_71 : memref<!tpu.dma_semaphore, #tpu.memory_space<semaphore_mem>>) src(%arg8 : memref<128x128xf32, #tpu.memory_space<vmem>>) dst(%dma_wait3A_78 : memref<128x128xf32, #tpu.memory_space<vmem_shared>>)
      tpu.yield
    }) : () -> ()
    %add3A_11 = arith.constant 128 : i32
    %add3A_12 = arith.addi %mul3A_8, %add3A_11 : i32
    "tpu.region"() ({
      %run_scoped3A_71 = tpu.sem_alloc : memref<!tpu.dma_semaphore, #tpu.memory_space<semaphore_mem>>
      %dma_start3A_72 = arith.constant 0 : i32
      %dma_start3A_73 = tpu.memref_slice %arg11[%add3A_12, %dma_start3A_72] : memref<10040x128xf32, #tpu.memory_space<vmem_shared>> -> memref<128x128xf32, #tpu.memory_space<vmem_shared>>
      %dma_start3A_74 = arith.constant 0 : i32
      %dma_start3A_75 = tpu.memref_slice %arg11[%add3A_12, %dma_start3A_74] : memref<10040x128xf32, #tpu.memory_space<vmem_shared>> -> memref<128x128xf32, #tpu.memory_space<vmem_shared>>
      tpu.enqueue_dma source(%arg8 : memref<128x128xf32, #tpu.memory_space<vmem>>) target(%dma_start3A_75 : memref<128x128xf32, #tpu.memory_space<vmem_shared>>) target_semaphore(%run_scoped3A_71 : memref<!tpu.dma_semaphore, #tpu.memory_space<semaphore_mem>>)
      %dma_wait3A = arith.constant 0 : i32
      %dma_wait3A_76 = tpu.memref_slice %arg11[%add3A_12, %dma_wait3A] : memref<10040x128xf32, #tpu.memory_space<vmem_shared>> -> memref<128x128xf32, #tpu.memory_space<vmem_shared>>
      %dma_wait3A_77 = arith.constant 0 : i32
      %dma_wait3A_78 = tpu.memref_slice %arg11[%add3A_12, %dma_wait3A_77] : memref<10040x128xf32, #tpu.memory_space<vmem_shared>> -> memref<128x128xf32, #tpu.memory_space<vmem_shared>>
      tpu.wait_dma2 semaphore(%run_scoped3A_71 : memref<!tpu.dma_semaphore, #tpu.memory_space<semaphore_mem>>) src(%arg8 : memref<128x128xf32, #tpu.memory_space<vmem>>) dst(%dma_wait3A_78 : memref<128x128xf32, #tpu.memory_space<vmem_shared>>)
      tpu.yield
    }) : () -> ()
    %add3A_13 = arith.constant 256 : i32
    %add3A_14 = arith.addi %mul3A_8, %add3A_13 : i32
    "tpu.region"() ({
      %run_scoped3A_71 = tpu.sem_alloc : memref<!tpu.dma_semaphore, #tpu.memory_space<semaphore_mem>>
      %dma_start3A_72 = arith.constant 0 : i32
      %dma_start3A_73 = tpu.memref_slice %arg11[%add3A_14, %dma_start3A_72] : memref<10040x128xf32, #tpu.memory_space<vmem_shared>> -> memref<128x128xf32, #tpu.memory_space<vmem_shared>>
      %dma_start3A_74 = arith.constant 0 : i32
      %dma_start3A_75 = tpu.memref_slice %arg11[%add3A_14, %dma_start3A_74] : memref<10040x128xf32, #tpu.memory_space<vmem_shared>> -> memref<128x128xf32, #tpu.memory_space<vmem_shared>>
      tpu.enqueue_dma source(%arg8 : memref<128x128xf32, #tpu.memory_space<vmem>>) target(%dma_start3A_75 : memref<128x128xf32, #tpu.memory_space<vmem_shared>>) target_semaphore(%run_scoped3A_71 : memref<!tpu.dma_semaphore, #tpu.memory_space<semaphore_mem>>)
      %dma_wait3A = arith.constant 0 : i32
      %dma_wait3A_76 = tpu.memref_slice %arg11[%add3A_14, %dma_wait3A] : memref<10040x128xf32, #tpu.memory_space<vmem_shared>> -> memref<128x128xf32, #tpu.memory_space<vmem_shared>>
      %dma_wait3A_77 = arith.constant 0 : i32
      %dma_wait3A_78 = tpu.memref_slice %arg11[%add3A_14, %dma_wait3A_77] : memref<10040x128xf32, #tpu.memory_space<vmem_shared>> -> memref<128x128xf32, #tpu.memory_space<vmem_shared>>
      tpu.wait_dma2 semaphore(%run_scoped3A_71 : memref<!tpu.dma_semaphore, #tpu.memory_space<semaphore_mem>>) src(%arg8 : memref<128x128xf32, #tpu.memory_space<vmem>>) dst(%dma_wait3A_78 : memref<128x128xf32, #tpu.memory_space<vmem_shared>>)
      tpu.yield
    }) : () -> ()
    %add3A_15 = arith.constant 384 : i32
    %add3A_16 = arith.addi %mul3A_8, %add3A_15 : i32
    "tpu.region"() ({
      %run_scoped3A_71 = tpu.sem_alloc : memref<!tpu.dma_semaphore, #tpu.memory_space<semaphore_mem>>
      %dma_start3A_72 = arith.constant 0 : i32
      %dma_start3A_73 = tpu.memref_slice %arg11[%add3A_16, %dma_start3A_72] : memref<10040x128xf32, #tpu.memory_space<vmem_shared>> -> memref<128x128xf32, #tpu.memory_space<vmem_shared>>
      %dma_start3A_74 = arith.constant 0 : i32
      %dma_start3A_75 = tpu.memref_slice %arg11[%add3A_16, %dma_start3A_74] : memref<10040x128xf32, #tpu.memory_space<vmem_shared>> -> memref<128x128xf32, #tpu.memory_space<vmem_shared>>
      tpu.enqueue_dma source(%arg8 : memref<128x128xf32, #tpu.memory_space<vmem>>) target(%dma_start3A_75 : memref<128x128xf32, #tpu.memory_space<vmem_shared>>) target_semaphore(%run_scoped3A_71 : memref<!tpu.dma_semaphore, #tpu.memory_space<semaphore_mem>>)
      %dma_wait3A = arith.constant 0 : i32
      %dma_wait3A_76 = tpu.memref_slice %arg11[%add3A_16, %dma_wait3A] : memref<10040x128xf32, #tpu.memory_space<vmem_shared>> -> memref<128x128xf32, #tpu.memory_space<vmem_shared>>
      %dma_wait3A_77 = arith.constant 0 : i32
      %dma_wait3A_78 = tpu.memref_slice %arg11[%add3A_16, %dma_wait3A_77] : memref<10040x128xf32, #tpu.memory_space<vmem_shared>> -> memref<128x128xf32, #tpu.memory_space<vmem_shared>>
      tpu.wait_dma2 semaphore(%run_scoped3A_71 : memref<!tpu.dma_semaphore, #tpu.memory_space<semaphore_mem>>) src(%arg8 : memref<128x128xf32, #tpu.memory_space<vmem>>) dst(%dma_wait3A_78 : memref<128x128xf32, #tpu.memory_space<vmem_shared>>)
      tpu.yield
    }) : () -> ()
    %lt3A = arith.constant 15 : i32
    %lt3A_17 = arith.cmpi slt, %arg1, %lt3A : i32
    %convert_element_type3A = arith.extui %lt3A_17 : i1 to i32
    %cond3A = arith.constant 0 : i32
    %cond3A_18 = arith.cmpi ne, %convert_element_type3A, %cond3A : i32
    scf.if %cond3A_18 {
      %add3A_71 = arith.constant 512 : i32
      %add3A_72 = arith.addi %mul3A_8, %add3A_71 : i32
      "tpu.region"() ({
        %run_scoped3A_73 = tpu.sem_alloc : memref<!tpu.dma_semaphore, #tpu.memory_space<semaphore_mem>>
        %dma_start3A_74 = arith.constant 0 : i32
        %dma_start3A_75 = arith.constant 0 : i32
        %dma_start3A_76 = tpu.memref_slice %arg8[%dma_start3A_74, %dma_start3A_75] : memref<128x128xf32, #tpu.memory_space<vmem>> -> memref<120x128xf32, #tpu.memory_space<vmem>>
        %dma_start3A_77 = arith.constant 0 : i32
        %dma_start3A_78 = tpu.memref_slice %arg11[%add3A_72, %dma_start3A_77] : memref<10040x128xf32, #tpu.memory_space<vmem_shared>> -> memref<120x128xf32, #tpu.memory_space<vmem_shared>>
        %dma_start3A_79 = arith.constant 0 : i32
        %dma_start3A_80 = tpu.memref_slice %arg11[%add3A_72, %dma_start3A_79] : memref<10040x128xf32, #tpu.memory_space<vmem_shared>> -> memref<120x128xf32, #tpu.memory_space<vmem_shared>>
        %dma_start3A_81 = arith.constant 0 : i32
        %dma_start3A_82 = arith.constant 0 : i32
        %dma_start3A_83 = tpu.memref_slice %arg8[%dma_start3A_81, %dma_start3A_82] : memref<128x128xf32, #tpu.memory_space<vmem>> -> memref<120x128xf32, #tpu.memory_space<vmem>>
        tpu.enqueue_dma source(%dma_start3A_83 : memref<120x128xf32, #tpu.memory_space<vmem>>) target(%dma_start3A_80 : memref<120x128xf32, #tpu.memory_space<vmem_shared>>) target_semaphore(%run_scoped3A_73 : memref<!tpu.dma_semaphore, #tpu.memory_space<semaphore_mem>>)
        %dma_wait3A = arith.constant 0 : i32
        %dma_wait3A_84 = arith.constant 0 : i32
        %dma_wait3A_85 = tpu.memref_slice %arg8[%dma_wait3A, %dma_wait3A_84] : memref<128x128xf32, #tpu.memory_space<vmem>> -> memref<120x128xf32, #tpu.memory_space<vmem>>
        %dma_wait3A_86 = arith.constant 0 : i32
        %dma_wait3A_87 = tpu.memref_slice %arg11[%add3A_72, %dma_wait3A_86] : memref<10040x128xf32, #tpu.memory_space<vmem_shared>> -> memref<120x128xf32, #tpu.memory_space<vmem_shared>>
        %dma_wait3A_88 = arith.constant 0 : i32
        %dma_wait3A_89 = tpu.memref_slice %arg11[%add3A_72, %dma_wait3A_88] : memref<10040x128xf32, #tpu.memory_space<vmem_shared>> -> memref<120x128xf32, #tpu.memory_space<vmem_shared>>
        %dma_wait3A_90 = arith.constant 0 : i32
        %dma_wait3A_91 = arith.constant 0 : i32
        %dma_wait3A_92 = tpu.memref_slice %arg8[%dma_wait3A_90, %dma_wait3A_91] : memref<128x128xf32, #tpu.memory_space<vmem>> -> memref<120x128xf32, #tpu.memory_space<vmem>>
        tpu.wait_dma2 semaphore(%run_scoped3A_73 : memref<!tpu.dma_semaphore, #tpu.memory_space<semaphore_mem>>) src(%dma_wait3A_92 : memref<120x128xf32, #tpu.memory_space<vmem>>) dst(%dma_wait3A_89 : memref<120x128xf32, #tpu.memory_space<vmem_shared>>)
        tpu.yield
      }) : () -> ()
    } else {
    }
    %eq3A = arith.constant 15 : i32
    %eq3A_19 = arith.cmpi eq, %arg1, %eq3A : i32
    %convert_element_type3A_20 = arith.extui %eq3A_19 : i1 to i32
    %cond3A_21 = arith.constant 0 : i32
    %cond3A_22 = arith.cmpi ne, %convert_element_type3A_20, %cond3A_21 : i32
    scf.if %cond3A_22 {
      %add3A_71 = arith.constant 512 : i32
      %add3A_72 = arith.addi %mul3A_8, %add3A_71 : i32
      "tpu.region"() ({
        %run_scoped3A_73 = tpu.sem_alloc : memref<!tpu.dma_semaphore, #tpu.memory_space<semaphore_mem>>
        %dma_start3A_74 = arith.constant 0 : i32
        %dma_start3A_75 = arith.constant 0 : i32
        %dma_start3A_76 = tpu.memref_slice %arg8[%dma_start3A_74, %dma_start3A_75] : memref<128x128xf32, #tpu.memory_space<vmem>> -> memref<48x128xf32, #tpu.memory_space<vmem>>
        %dma_start3A_77 = arith.constant 0 : i32
        %dma_start3A_78 = tpu.memref_slice %arg11[%add3A_72, %dma_start3A_77] : memref<10040x128xf32, #tpu.memory_space<vmem_shared>> -> memref<48x128xf32, #tpu.memory_space<vmem_shared>>
        %dma_start3A_79 = arith.constant 0 : i32
        %dma_start3A_80 = tpu.memref_slice %arg11[%add3A_72, %dma_start3A_79] : memref<10040x128xf32, #tpu.memory_space<vmem_shared>> -> memref<48x128xf32, #tpu.memory_space<vmem_shared>>
        %dma_start3A_81 = arith.constant 0 : i32
        %dma_start3A_82 = arith.constant 0 : i32
        %dma_start3A_83 = tpu.memref_slice %arg8[%dma_start3A_81, %dma_start3A_82] : memref<128x128xf32, #tpu.memory_space<vmem>> -> memref<48x128xf32, #tpu.memory_space<vmem>>
        tpu.enqueue_dma source(%dma_start3A_83 : memref<48x128xf32, #tpu.memory_space<vmem>>) target(%dma_start3A_80 : memref<48x128xf32, #tpu.memory_space<vmem_shared>>) target_semaphore(%run_scoped3A_73 : memref<!tpu.dma_semaphore, #tpu.memory_space<semaphore_mem>>)
        %dma_wait3A = arith.constant 0 : i32
        %dma_wait3A_84 = arith.constant 0 : i32
        %dma_wait3A_85 = tpu.memref_slice %arg8[%dma_wait3A, %dma_wait3A_84] : memref<128x128xf32, #tpu.memory_space<vmem>> -> memref<48x128xf32, #tpu.memory_space<vmem>>
        %dma_wait3A_86 = arith.constant 0 : i32
        %dma_wait3A_87 = tpu.memref_slice %arg11[%add3A_72, %dma_wait3A_86] : memref<10040x128xf32, #tpu.memory_space<vmem_shared>> -> memref<48x128xf32, #tpu.memory_space<vmem_shared>>
        %dma_wait3A_88 = arith.constant 0 : i32
        %dma_wait3A_89 = tpu.memref_slice %arg11[%add3A_72, %dma_wait3A_88] : memref<10040x128xf32, #tpu.memory_space<vmem_shared>> -> memref<48x128xf32, #tpu.memory_space<vmem_shared>>
        %dma_wait3A_90 = arith.constant 0 : i32
        %dma_wait3A_91 = arith.constant 0 : i32
        %dma_wait3A_92 = tpu.memref_slice %arg8[%dma_wait3A_90, %dma_wait3A_91] : memref<128x128xf32, #tpu.memory_space<vmem>> -> memref<48x128xf32, #tpu.memory_space<vmem>>
        tpu.wait_dma2 semaphore(%run_scoped3A_73 : memref<!tpu.dma_semaphore, #tpu.memory_space<semaphore_mem>>) src(%dma_wait3A_92 : memref<48x128xf32, #tpu.memory_space<vmem>>) dst(%dma_wait3A_89 : memref<48x128xf32, #tpu.memory_space<vmem_shared>>)
        tpu.yield
      }) : () -> ()
    } else {
    }
    %barrier3A = arith.constant 0 : index
    tpu.barrier barrier_id(%barrier3A)
    %run_scoped3A = arith.constant 0 : i32
    "tpu.region"() ({
      %run_scoped3A_71 = tpu.sem_alloc : memref<!tpu.dma_semaphore, #tpu.memory_space<semaphore_mem>>
      %dma_start3A_72 = arith.constant 0 : i32
      %dma_start3A_73 = arith.constant 0 : i32
      %dma_start3A_74 = tpu.memref_slice %arg3[%add3A, %run_scoped3A, %dma_start3A_72, %dma_start3A_73] : memref<32x42x4x128xi32, #tpu.memory_space<hbm>> -> memref<1x1x4x128xi32, #tpu.memory_space<hbm>>
      %dma_start3A_75 = tpu.memref_squeeze %dma_start3A_74 : memref<1x1x4x128xi32, #tpu.memory_space<hbm>> -> memref<4x128xi32, #tpu.memory_space<hbm>>
      %dma_start3A_76 = arith.constant 0 : i32
      %dma_start3A_77 = arith.constant 0 : i32
      %dma_start3A_78 = tpu.memref_slice %arg3[%add3A, %run_scoped3A, %dma_start3A_76, %dma_start3A_77] : memref<32x42x4x128xi32, #tpu.memory_space<hbm>> -> memref<1x1x4x128xi32, #tpu.memory_space<hbm>>
      %dma_start3A_79 = tpu.memref_squeeze %dma_start3A_78 : memref<1x1x4x128xi32, #tpu.memory_space<hbm>> -> memref<4x128xi32, #tpu.memory_space<hbm>>
      tpu.enqueue_dma source(%dma_start3A_79 : memref<4x128xi32, #tpu.memory_space<hbm>>) target(%arg5 : memref<4x128xi32, #tpu.memory_space<vmem>>) target_semaphore(%run_scoped3A_71 : memref<!tpu.dma_semaphore, #tpu.memory_space<semaphore_mem>>)
      %dma_wait3A = arith.constant 0 : i32
      %dma_wait3A_80 = arith.constant 0 : i32
      %dma_wait3A_81 = tpu.memref_slice %arg3[%add3A, %run_scoped3A, %dma_wait3A, %dma_wait3A_80] : memref<32x42x4x128xi32, #tpu.memory_space<hbm>> -> memref<1x1x4x128xi32, #tpu.memory_space<hbm>>
      %dma_wait3A_82 = tpu.memref_squeeze %dma_wait3A_81 : memref<1x1x4x128xi32, #tpu.memory_space<hbm>> -> memref<4x128xi32, #tpu.memory_space<hbm>>
      %dma_wait3A_83 = arith.constant 0 : i32
      %dma_wait3A_84 = arith.constant 0 : i32
      %dma_wait3A_85 = tpu.memref_slice %arg3[%add3A, %run_scoped3A, %dma_wait3A_83, %dma_wait3A_84] : memref<32x42x4x128xi32, #tpu.memory_space<hbm>> -> memref<1x1x4x128xi32, #tpu.memory_space<hbm>>
      %dma_wait3A_86 = tpu.memref_squeeze %dma_wait3A_85 : memref<1x1x4x128xi32, #tpu.memory_space<hbm>> -> memref<4x128xi32, #tpu.memory_space<hbm>>
      tpu.wait_dma2 semaphore(%run_scoped3A_71 : memref<!tpu.dma_semaphore, #tpu.memory_space<semaphore_mem>>) src(%dma_wait3A_86 : memref<4x128xi32, #tpu.memory_space<hbm>>) dst(%arg5 : memref<4x128xi32, #tpu.memory_space<vmem>>)
      tpu.yield
    }) : () -> ()
    %dma_start3A = arith.constant 1 : i32
    %dma_start3A_23 = arith.constant 0 : i32
    %dma_start3A_24 = arith.constant 0 : i32
    %dma_start3A_25 = tpu.memref_slice %arg3[%add3A, %dma_start3A, %dma_start3A_23, %dma_start3A_24] : memref<32x42x4x128xi32, #tpu.memory_space<hbm>> -> memref<1x1x4x128xi32, #tpu.memory_space<hbm>>
    %dma_start3A_26 = tpu.memref_squeeze %dma_start3A_25 : memref<1x1x4x128xi32, #tpu.memory_space<hbm>> -> memref<4x128xi32, #tpu.memory_space<hbm>>
    %dma_start3A_27 = arith.constant 0 : i32
    %dma_start3A_28 = arith.constant 0 : i32
    %dma_start3A_29 = tpu.memref_slice %arg3[%add3A, %dma_start3A, %dma_start3A_27, %dma_start3A_28] : memref<32x42x4x128xi32, #tpu.memory_space<hbm>> -> memref<1x1x4x128xi32, #tpu.memory_space<hbm>>
    %dma_start3A_30 = tpu.memref_squeeze %dma_start3A_29 : memref<1x1x4x128xi32, #tpu.memory_space<hbm>> -> memref<4x128xi32, #tpu.memory_space<hbm>>
    tpu.enqueue_dma source(%dma_start3A_30 : memref<4x128xi32, #tpu.memory_space<hbm>>) target(%arg6 : memref<4x128xi32, #tpu.memory_space<vmem>>) target_semaphore(%arg14 : memref<!tpu.dma_semaphore, #tpu.memory_space<semaphore_mem>>)
    %dma_start3A_31 = arith.constant 2 : i32
    %dma_start3A_32 = arith.constant 0 : i32
    %dma_start3A_33 = arith.constant 0 : i32
    %dma_start3A_34 = tpu.memref_slice %arg3[%add3A, %dma_start3A_31, %dma_start3A_32, %dma_start3A_33] : memref<32x42x4x128xi32, #tpu.memory_space<hbm>> -> memref<1x1x4x128xi32, #tpu.memory_space<hbm>>
    %dma_start3A_35 = tpu.memref_squeeze %dma_start3A_34 : memref<1x1x4x128xi32, #tpu.memory_space<hbm>> -> memref<4x128xi32, #tpu.memory_space<hbm>>
    %dma_start3A_36 = arith.constant 0 : i32
    %dma_start3A_37 = arith.constant 0 : i32
    %dma_start3A_38 = tpu.memref_slice %arg3[%add3A, %dma_start3A_31, %dma_start3A_36, %dma_start3A_37] : memref<32x42x4x128xi32, #tpu.memory_space<hbm>> -> memref<1x1x4x128xi32, #tpu.memory_space<hbm>>
    %dma_start3A_39 = tpu.memref_squeeze %dma_start3A_38 : memref<1x1x4x128xi32, #tpu.memory_space<hbm>> -> memref<4x128xi32, #tpu.memory_space<hbm>>
    tpu.enqueue_dma source(%dma_start3A_39 : memref<4x128xi32, #tpu.memory_space<hbm>>) target(%arg7 : memref<4x128xi32, #tpu.memory_space<vmem>>) target_semaphore(%arg15 : memref<!tpu.dma_semaphore, #tpu.memory_space<semaphore_mem>>)
    %dma_start3A_40 = arith.constant 0 : i32
    %dma_start3A_41 = arith.constant 0 : i32
    %dma_start3A_42 = tpu.memref_slice %arg5[%dma_start3A_40, %dma_start3A_41] : memref<4x128xi32, #tpu.memory_space<vmem>> -> memref<1x128xi32, #tpu.memory_space<vmem>>
    %dma_start3A_43 = tpu.memref_squeeze %dma_start3A_42 : memref<1x128xi32, #tpu.memory_space<vmem>> -> memref<128xi32, #tpu.memory_space<vmem>>
    %dma_start3A_44 = arith.constant 0 : i32
    %dma_start3A_45 = arith.constant 0 : i32
    %dma_start3A_46 = tpu.memref_slice %arg2[%dma_start3A_44, %dma_start3A_45] : memref<10000x128xf32, #tpu.memory_space<hbm>> -> memref<10000x128xf32, #tpu.memory_space<hbm>>
    tpu.enqueue_indirect_dma source(%dma_start3A_46 : memref<10000x128xf32, #tpu.memory_space<hbm>>) target(%arg8 : memref<128x128xf32, #tpu.memory_space<vmem>>) offsets(%dma_start3A_43 : memref<128xi32, #tpu.memory_space<vmem>>) semaphore(%arg12 : memref<!tpu.dma_semaphore, #tpu.memory_space<semaphore_mem>>)
    %dma_start3A_47 = arith.constant 1 : i32
    %dma_start3A_48 = arith.constant 0 : i32
    %dma_start3A_49 = tpu.memref_slice %arg5[%dma_start3A_47, %dma_start3A_48] : memref<4x128xi32, #tpu.memory_space<vmem>> -> memref<1x128xi32, #tpu.memory_space<vmem>>
    %dma_start3A_50 = tpu.memref_squeeze %dma_start3A_49 : memref<1x128xi32, #tpu.memory_space<vmem>> -> memref<128xi32, #tpu.memory_space<vmem>>
    %dma_start3A_51 = arith.constant 0 : i32
    %dma_start3A_52 = arith.constant 0 : i32
    %dma_start3A_53 = tpu.memref_slice %arg2[%dma_start3A_51, %dma_start3A_52] : memref<10000x128xf32, #tpu.memory_space<hbm>> -> memref<10000x128xf32, #tpu.memory_space<hbm>>
    tpu.enqueue_indirect_dma source(%dma_start3A_53 : memref<10000x128xf32, #tpu.memory_space<hbm>>) target(%arg9 : memref<128x128xf32, #tpu.memory_space<vmem>>) offsets(%dma_start3A_50 : memref<128xi32, #tpu.memory_space<vmem>>) semaphore(%arg12 : memref<!tpu.dma_semaphore, #tpu.memory_space<semaphore_mem>>)
    %scan3A_54 = arith.constant 0 : i32
    %scan3A_55 = arith.constant 0 : i32
    %scan3A_56 = arith.constant 14 : i32
    %scan3A_57 = arith.addi %scan3A_55, %scan3A_56 : i32
    %scan3A_58 = arith.constant 1 : i32
    scf.for %scan3A_71 = %scan3A_55 to %scan3A_57 step %scan3A_58  : i32 {
      %dma_wait3A = arith.constant 0 : i32
      %dma_wait3A_72 = arith.constant 0 : i32
      %dma_wait3A_73 = arith.constant 0 : i32
      %dma_wait3A_74 = tpu.memref_slice %arg3[%add3A, %dma_wait3A, %dma_wait3A_72, %dma_wait3A_73] : memref<32x42x4x128xi32, #tpu.memory_space<hbm>> -> memref<1x1x4x128xi32, #tpu.memory_space<hbm>>
      %dma_wait3A_75 = tpu.memref_squeeze %dma_wait3A_74 : memref<1x1x4x128xi32, #tpu.memory_space<hbm>> -> memref<4x128xi32, #tpu.memory_space<hbm>>
      %dma_wait3A_76 = arith.constant 0 : i32
      %dma_wait3A_77 = arith.constant 0 : i32
      %dma_wait3A_78 = tpu.memref_slice %arg3[%add3A, %dma_wait3A, %dma_wait3A_76, %dma_wait3A_77] : memref<32x42x4x128xi32, #tpu.memory_space<hbm>> -> memref<1x1x4x128xi32, #tpu.memory_space<hbm>>
      %dma_wait3A_79 = tpu.memref_squeeze %dma_wait3A_78 : memref<1x1x4x128xi32, #tpu.memory_space<hbm>> -> memref<4x128xi32, #tpu.memory_space<hbm>>
      tpu.wait_dma2 semaphore(%arg14 : memref<!tpu.dma_semaphore, #tpu.memory_space<semaphore_mem>>) src(%dma_wait3A_79 : memref<4x128xi32, #tpu.memory_space<hbm>>) dst(%arg6 : memref<4x128xi32, #tpu.memory_space<vmem>>)
      %dma_wait3A_80 = arith.constant 0 : i32
      %dma_wait3A_81 = arith.constant 0 : i32
      %dma_wait3A_82 = tpu.memref_slice %arg5[%dma_wait3A_80, %dma_wait3A_81] : memref<4x128xi32, #tpu.memory_space<vmem>> -> memref<1x128xi32, #tpu.memory_space<vmem>>
      %dma_wait3A_83 = tpu.memref_squeeze %dma_wait3A_82 : memref<1x128xi32, #tpu.memory_space<vmem>> -> memref<128xi32, #tpu.memory_space<vmem>>
      %dma_wait3A_84 = arith.constant 0 : i32
      %dma_wait3A_85 = arith.constant 0 : i32
      %dma_wait3A_86 = tpu.memref_slice %arg2[%dma_wait3A_84, %dma_wait3A_85] : memref<10000x128xf32, #tpu.memory_space<hbm>> -> memref<10000x128xf32, #tpu.memory_space<hbm>>
      tpu.wait_indirect_dma semaphore(%arg12 : memref<!tpu.dma_semaphore, #tpu.memory_space<semaphore_mem>>) src(%dma_wait3A_86 : memref<10000x128xf32, #tpu.memory_space<hbm>>) dst(%arg8 : memref<128x128xf32, #tpu.memory_space<vmem>>)
      %dma_start3A_87 = arith.constant 0 : i32
      %dma_start3A_88 = arith.constant 0 : i32
      %dma_start3A_89 = tpu.memref_slice %arg6[%dma_start3A_87, %dma_start3A_88] : memref<4x128xi32, #tpu.memory_space<vmem>> -> memref<1x128xi32, #tpu.memory_space<vmem>>
      %dma_start3A_90 = tpu.memref_squeeze %dma_start3A_89 : memref<1x128xi32, #tpu.memory_space<vmem>> -> memref<128xi32, #tpu.memory_space<vmem>>
      %dma_start3A_91 = arith.constant 0 : i32
      %dma_start3A_92 = arith.constant 0 : i32
      %dma_start3A_93 = tpu.memref_slice %arg2[%dma_start3A_91, %dma_start3A_92] : memref<10000x128xf32, #tpu.memory_space<hbm>> -> memref<10000x128xf32, #tpu.memory_space<hbm>>
      tpu.enqueue_indirect_dma source(%dma_start3A_93 : memref<10000x128xf32, #tpu.memory_space<hbm>>) target(%arg10 : memref<128x128xf32, #tpu.memory_space<vmem>>) offsets(%dma_start3A_90 : memref<128xi32, #tpu.memory_space<vmem>>) semaphore(%arg12 : memref<!tpu.dma_semaphore, #tpu.memory_space<semaphore_mem>>)
      %run_scoped3A_94 = arith.constant 2 : i32
      "tpu.region"() ({
        %run_scoped3A_195 = tpu.sem_alloc : memref<!tpu.dma_semaphore, #tpu.memory_space<semaphore_mem>>
        %dma_start3A_196 = arith.constant 0 : i32
        %dma_start3A_197 = tpu.memref_slice %arg5[%run_scoped3A_94, %dma_start3A_196] : memref<4x128xi32, #tpu.memory_space<vmem>> -> memref<1x128xi32, #tpu.memory_space<vmem>>
        %dma_start3A_198 = tpu.memref_squeeze %dma_start3A_197 : memref<1x128xi32, #tpu.memory_space<vmem>> -> memref<128xi32, #tpu.memory_space<vmem>>
        %dma_start3A_199 = arith.constant 0 : i32
        %dma_start3A_200 = arith.constant 0 : i32
        %dma_start3A_201 = tpu.memref_slice %arg11[%dma_start3A_199, %dma_start3A_200] : memref<10040x128xf32, #tpu.memory_space<vmem_shared>> -> memref<10040x128xf32, #tpu.memory_space<vmem_shared>>
        tpu.enqueue_indirect_dma source(%arg8 : memref<128x128xf32, #tpu.memory_space<vmem>>) target(%dma_start3A_201 : memref<10040x128xf32, #tpu.memory_space<vmem_shared>>) offsets(%dma_start3A_198 : memref<128xi32, #tpu.memory_space<vmem>>) semaphore(%run_scoped3A_195 : memref<!tpu.dma_semaphore, #tpu.memory_space<semaphore_mem>>) {add = true}
        %dma_wait3A_202 = arith.constant 0 : i32
        %dma_wait3A_203 = tpu.memref_slice %arg5[%run_scoped3A_94, %dma_wait3A_202] : memref<4x128xi32, #tpu.memory_space<vmem>> -> memref<1x128xi32, #tpu.memory_space<vmem>>
        %dma_wait3A_204 = tpu.memref_squeeze %dma_wait3A_203 : memref<1x128xi32, #tpu.memory_space<vmem>> -> memref<128xi32, #tpu.memory_space<vmem>>
        %dma_wait3A_205 = arith.constant 0 : i32
        %dma_wait3A_206 = arith.constant 0 : i32
        %dma_wait3A_207 = tpu.memref_slice %arg11[%dma_wait3A_205, %dma_wait3A_206] : memref<10040x128xf32, #tpu.memory_space<vmem_shared>> -> memref<10040x128xf32, #tpu.memory_space<vmem_shared>>
        tpu.wait_indirect_dma semaphore(%run_scoped3A_195 : memref<!tpu.dma_semaphore, #tpu.memory_space<semaphore_mem>>) src(%arg8 : memref<128x128xf32, #tpu.memory_space<vmem>>) dst(%dma_wait3A_207 : memref<10040x128xf32, #tpu.memory_space<vmem_shared>>)
        tpu.yield
      }) : () -> ()
      %dma_wait3A_95 = arith.constant 0 : i32
      %dma_wait3A_96 = arith.constant 0 : i32
      %dma_wait3A_97 = tpu.memref_slice %arg5[%dma_wait3A_95, %dma_wait3A_96] : memref<4x128xi32, #tpu.memory_space<vmem>> -> memref<1x128xi32, #tpu.memory_space<vmem>>
      %dma_wait3A_98 = tpu.memref_squeeze %dma_wait3A_97 : memref<1x128xi32, #tpu.memory_space<vmem>> -> memref<128xi32, #tpu.memory_space<vmem>>
      %dma_wait3A_99 = arith.constant 0 : i32
      %dma_wait3A_100 = arith.constant 0 : i32
      %dma_wait3A_101 = tpu.memref_slice %arg2[%dma_wait3A_99, %dma_wait3A_100] : memref<10000x128xf32, #tpu.memory_space<hbm>> -> memref<10000x128xf32, #tpu.memory_space<hbm>>
      tpu.wait_indirect_dma semaphore(%arg12 : memref<!tpu.dma_semaphore, #tpu.memory_space<semaphore_mem>>) src(%dma_wait3A_101 : memref<10000x128xf32, #tpu.memory_space<hbm>>) dst(%arg9 : memref<128x128xf32, #tpu.memory_space<vmem>>)
      %dma_start3A_102 = arith.constant 1 : i32
      %dma_start3A_103 = arith.constant 0 : i32
      %dma_start3A_104 = tpu.memref_slice %arg6[%dma_start3A_102, %dma_start3A_103] : memref<4x128xi32, #tpu.memory_space<vmem>> -> memref<1x128xi32, #tpu.memory_space<vmem>>
      %dma_start3A_105 = tpu.memref_squeeze %dma_start3A_104 : memref<1x128xi32, #tpu.memory_space<vmem>> -> memref<128xi32, #tpu.memory_space<vmem>>
      %dma_start3A_106 = arith.constant 0 : i32
      %dma_start3A_107 = arith.constant 0 : i32
      %dma_start3A_108 = tpu.memref_slice %arg2[%dma_start3A_106, %dma_start3A_107] : memref<10000x128xf32, #tpu.memory_space<hbm>> -> memref<10000x128xf32, #tpu.memory_space<hbm>>
      tpu.enqueue_indirect_dma source(%dma_start3A_108 : memref<10000x128xf32, #tpu.memory_space<hbm>>) target(%arg8 : memref<128x128xf32, #tpu.memory_space<vmem>>) offsets(%dma_start3A_105 : memref<128xi32, #tpu.memory_space<vmem>>) semaphore(%arg12 : memref<!tpu.dma_semaphore, #tpu.memory_space<semaphore_mem>>)
      %run_scoped3A_109 = arith.constant 3 : i32
      "tpu.region"() ({
        %run_scoped3A_195 = tpu.sem_alloc : memref<!tpu.dma_semaphore, #tpu.memory_space<semaphore_mem>>
        %dma_start3A_196 = arith.constant 0 : i32
        %dma_start3A_197 = tpu.memref_slice %arg5[%run_scoped3A_109, %dma_start3A_196] : memref<4x128xi32, #tpu.memory_space<vmem>> -> memref<1x128xi32, #tpu.memory_space<vmem>>
        %dma_start3A_198 = tpu.memref_squeeze %dma_start3A_197 : memref<1x128xi32, #tpu.memory_space<vmem>> -> memref<128xi32, #tpu.memory_space<vmem>>
        %dma_start3A_199 = arith.constant 0 : i32
        %dma_start3A_200 = arith.constant 0 : i32
        %dma_start3A_201 = tpu.memref_slice %arg11[%dma_start3A_199, %dma_start3A_200] : memref<10040x128xf32, #tpu.memory_space<vmem_shared>> -> memref<10040x128xf32, #tpu.memory_space<vmem_shared>>
        tpu.enqueue_indirect_dma source(%arg9 : memref<128x128xf32, #tpu.memory_space<vmem>>) target(%dma_start3A_201 : memref<10040x128xf32, #tpu.memory_space<vmem_shared>>) offsets(%dma_start3A_198 : memref<128xi32, #tpu.memory_space<vmem>>) semaphore(%run_scoped3A_195 : memref<!tpu.dma_semaphore, #tpu.memory_space<semaphore_mem>>) {add = true}
        %dma_wait3A_202 = arith.constant 0 : i32
        %dma_wait3A_203 = tpu.memref_slice %arg5[%run_scoped3A_109, %dma_wait3A_202] : memref<4x128xi32, #tpu.memory_space<vmem>> -> memref<1x128xi32, #tpu.memory_space<vmem>>
        %dma_wait3A_204 = tpu.memref_squeeze %dma_wait3A_203 : memref<1x128xi32, #tpu.memory_space<vmem>> -> memref<128xi32, #tpu.memory_space<vmem>>
        %dma_wait3A_205 = arith.constant 0 : i32
        %dma_wait3A_206 = arith.constant 0 : i32
        %dma_wait3A_207 = tpu.memref_slice %arg11[%dma_wait3A_205, %dma_wait3A_206] : memref<10040x128xf32, #tpu.memory_space<vmem_shared>> -> memref<10040x128xf32, #tpu.memory_space<vmem_shared>>
        tpu.wait_indirect_dma semaphore(%run_scoped3A_195 : memref<!tpu.dma_semaphore, #tpu.memory_space<semaphore_mem>>) src(%arg9 : memref<128x128xf32, #tpu.memory_space<vmem>>) dst(%dma_wait3A_207 : memref<10040x128xf32, #tpu.memory_space<vmem_shared>>)
        tpu.yield
      }) : () -> ()
      %lt3A_110 = arith.constant 13 : i32
      %lt3A_111 = arith.cmpi slt, %scan3A_71, %lt3A_110 : i32
      %convert_element_type3A_112 = arith.extui %lt3A_111 : i1 to i32
      %cond3A_113 = arith.constant 0 : i32
      %cond3A_114 = arith.cmpi ne, %convert_element_type3A_112, %cond3A_113 : i32
      scf.if %cond3A_114 {
        %mul3A_195 = arith.constant 3 : i32
        %mul3A_196 = arith.muli %mul3A_195, %scan3A_71 : i32
        %add3A_197 = arith.constant 3 : i32
        %add3A_198 = arith.addi %mul3A_196, %add3A_197 : i32
        %add3A_199 = arith.constant 0 : i32
        %add3A_200 = arith.addi %add3A_198, %add3A_199 : i32
        %dma_start3A_201 = arith.constant 0 : i32
        %dma_start3A_202 = arith.constant 0 : i32
        %dma_start3A_203 = tpu.memref_slice %arg3[%add3A, %add3A_200, %dma_start3A_201, %dma_start3A_202] : memref<32x42x4x128xi32, #tpu.memory_space<hbm>> -> memref<1x1x4x128xi32, #tpu.memory_space<hbm>>
        %dma_start3A_204 = tpu.memref_squeeze %dma_start3A_203 : memref<1x1x4x128xi32, #tpu.memory_space<hbm>> -> memref<4x128xi32, #tpu.memory_space<hbm>>
        %dma_start3A_205 = arith.constant 0 : i32
        %dma_start3A_206 = arith.constant 0 : i32
        %dma_start3A_207 = tpu.memref_slice %arg3[%add3A, %add3A_200, %dma_start3A_205, %dma_start3A_206] : memref<32x42x4x128xi32, #tpu.memory_space<hbm>> -> memref<1x1x4x128xi32, #tpu.memory_space<hbm>>
        %dma_start3A_208 = tpu.memref_squeeze %dma_start3A_207 : memref<1x1x4x128xi32, #tpu.memory_space<hbm>> -> memref<4x128xi32, #tpu.memory_space<hbm>>
        tpu.enqueue_dma source(%dma_start3A_208 : memref<4x128xi32, #tpu.memory_space<hbm>>) target(%arg5 : memref<4x128xi32, #tpu.memory_space<vmem>>) target_semaphore(%arg13 : memref<!tpu.dma_semaphore, #tpu.memory_space<semaphore_mem>>)
      } else {
      }
      %dma_wait3A_115 = arith.constant 0 : i32
      %dma_wait3A_116 = arith.constant 0 : i32
      %dma_wait3A_117 = arith.constant 0 : i32
      %dma_wait3A_118 = tpu.memref_slice %arg3[%add3A, %dma_wait3A_115, %dma_wait3A_116, %dma_wait3A_117] : memref<32x42x4x128xi32, #tpu.memory_space<hbm>> -> memref<1x1x4x128xi32, #tpu.memory_space<hbm>>
      %dma_wait3A_119 = tpu.memref_squeeze %dma_wait3A_118 : memref<1x1x4x128xi32, #tpu.memory_space<hbm>> -> memref<4x128xi32, #tpu.memory_space<hbm>>
      %dma_wait3A_120 = arith.constant 0 : i32
      %dma_wait3A_121 = arith.constant 0 : i32
      %dma_wait3A_122 = tpu.memref_slice %arg3[%add3A, %dma_wait3A_115, %dma_wait3A_120, %dma_wait3A_121] : memref<32x42x4x128xi32, #tpu.memory_space<hbm>> -> memref<1x1x4x128xi32, #tpu.memory_space<hbm>>
      %dma_wait3A_123 = tpu.memref_squeeze %dma_wait3A_122 : memref<1x1x4x128xi32, #tpu.memory_space<hbm>> -> memref<4x128xi32, #tpu.memory_space<hbm>>
      tpu.wait_dma2 semaphore(%arg15 : memref<!tpu.dma_semaphore, #tpu.memory_space<semaphore_mem>>) src(%dma_wait3A_123 : memref<4x128xi32, #tpu.memory_space<hbm>>) dst(%arg7 : memref<4x128xi32, #tpu.memory_space<vmem>>)
      %dma_wait3A_124 = arith.constant 0 : i32
      %dma_wait3A_125 = arith.constant 0 : i32
      %dma_wait3A_126 = tpu.memref_slice %arg5[%dma_wait3A_124, %dma_wait3A_125] : memref<4x128xi32, #tpu.memory_space<vmem>> -> memref<1x128xi32, #tpu.memory_space<vmem>>
      %dma_wait3A_127 = tpu.memref_squeeze %dma_wait3A_126 : memref<1x128xi32, #tpu.memory_space<vmem>> -> memref<128xi32, #tpu.memory_space<vmem>>
      %dma_wait3A_128 = arith.constant 0 : i32
      %dma_wait3A_129 = arith.constant 0 : i32
      %dma_wait3A_130 = tpu.memref_slice %arg2[%dma_wait3A_128, %dma_wait3A_129] : memref<10000x128xf32, #tpu.memory_space<hbm>> -> memref<10000x128xf32, #tpu.memory_space<hbm>>
      tpu.wait_indirect_dma semaphore(%arg12 : memref<!tpu.dma_semaphore, #tpu.memory_space<semaphore_mem>>) src(%dma_wait3A_130 : memref<10000x128xf32, #tpu.memory_space<hbm>>) dst(%arg10 : memref<128x128xf32, #tpu.memory_space<vmem>>)
      %dma_start3A_131 = arith.constant 0 : i32
      %dma_start3A_132 = arith.constant 0 : i32
      %dma_start3A_133 = tpu.memref_slice %arg7[%dma_start3A_131, %dma_start3A_132] : memref<4x128xi32, #tpu.memory_space<vmem>> -> memref<1x128xi32, #tpu.memory_space<vmem>>
      %dma_start3A_134 = tpu.memref_squeeze %dma_start3A_133 : memref<1x128xi32, #tpu.memory_space<vmem>> -> memref<128xi32, #tpu.memory_space<vmem>>
      %dma_start3A_135 = arith.constant 0 : i32
      %dma_start3A_136 = arith.constant 0 : i32
      %dma_start3A_137 = tpu.memref_slice %arg2[%dma_start3A_135, %dma_start3A_136] : memref<10000x128xf32, #tpu.memory_space<hbm>> -> memref<10000x128xf32, #tpu.memory_space<hbm>>
      tpu.enqueue_indirect_dma source(%dma_start3A_137 : memref<10000x128xf32, #tpu.memory_space<hbm>>) target(%arg9 : memref<128x128xf32, #tpu.memory_space<vmem>>) offsets(%dma_start3A_134 : memref<128xi32, #tpu.memory_space<vmem>>) semaphore(%arg12 : memref<!tpu.dma_semaphore, #tpu.memory_space<semaphore_mem>>)
      %run_scoped3A_138 = arith.constant 2 : i32
      "tpu.region"() ({
        %run_scoped3A_195 = tpu.sem_alloc : memref<!tpu.dma_semaphore, #tpu.memory_space<semaphore_mem>>
        %dma_start3A_196 = arith.constant 0 : i32
        %dma_start3A_197 = tpu.memref_slice %arg6[%run_scoped3A_138, %dma_start3A_196] : memref<4x128xi32, #tpu.memory_space<vmem>> -> memref<1x128xi32, #tpu.memory_space<vmem>>
        %dma_start3A_198 = tpu.memref_squeeze %dma_start3A_197 : memref<1x128xi32, #tpu.memory_space<vmem>> -> memref<128xi32, #tpu.memory_space<vmem>>
        %dma_start3A_199 = arith.constant 0 : i32
        %dma_start3A_200 = arith.constant 0 : i32
        %dma_start3A_201 = tpu.memref_slice %arg11[%dma_start3A_199, %dma_start3A_200] : memref<10040x128xf32, #tpu.memory_space<vmem_shared>> -> memref<10040x128xf32, #tpu.memory_space<vmem_shared>>
        tpu.enqueue_indirect_dma source(%arg10 : memref<128x128xf32, #tpu.memory_space<vmem>>) target(%dma_start3A_201 : memref<10040x128xf32, #tpu.memory_space<vmem_shared>>) offsets(%dma_start3A_198 : memref<128xi32, #tpu.memory_space<vmem>>) semaphore(%run_scoped3A_195 : memref<!tpu.dma_semaphore, #tpu.memory_space<semaphore_mem>>) {add = true}
        %dma_wait3A_202 = arith.constant 0 : i32
        %dma_wait3A_203 = tpu.memref_slice %arg6[%run_scoped3A_138, %dma_wait3A_202] : memref<4x128xi32, #tpu.memory_space<vmem>> -> memref<1x128xi32, #tpu.memory_space<vmem>>
        %dma_wait3A_204 = tpu.memref_squeeze %dma_wait3A_203 : memref<1x128xi32, #tpu.memory_space<vmem>> -> memref<128xi32, #tpu.memory_space<vmem>>
        %dma_wait3A_205 = arith.constant 0 : i32
        %dma_wait3A_206 = arith.constant 0 : i32
        %dma_wait3A_207 = tpu.memref_slice %arg11[%dma_wait3A_205, %dma_wait3A_206] : memref<10040x128xf32, #tpu.memory_space<vmem_shared>> -> memref<10040x128xf32, #tpu.memory_space<vmem_shared>>
        tpu.wait_indirect_dma semaphore(%run_scoped3A_195 : memref<!tpu.dma_semaphore, #tpu.memory_space<semaphore_mem>>) src(%arg10 : memref<128x128xf32, #tpu.memory_space<vmem>>) dst(%dma_wait3A_207 : memref<10040x128xf32, #tpu.memory_space<vmem_shared>>)
        tpu.yield
      }) : () -> ()
      %dma_wait3A_139 = arith.constant 0 : i32
      %dma_wait3A_140 = arith.constant 0 : i32
      %dma_wait3A_141 = tpu.memref_slice %arg5[%dma_wait3A_139, %dma_wait3A_140] : memref<4x128xi32, #tpu.memory_space<vmem>> -> memref<1x128xi32, #tpu.memory_space<vmem>>
      %dma_wait3A_142 = tpu.memref_squeeze %dma_wait3A_141 : memref<1x128xi32, #tpu.memory_space<vmem>> -> memref<128xi32, #tpu.memory_space<vmem>>
      %dma_wait3A_143 = arith.constant 0 : i32
      %dma_wait3A_144 = arith.constant 0 : i32
      %dma_wait3A_145 = tpu.memref_slice %arg2[%dma_wait3A_143, %dma_wait3A_144] : memref<10000x128xf32, #tpu.memory_space<hbm>> -> memref<10000x128xf32, #tpu.memory_space<hbm>>
      tpu.wait_indirect_dma semaphore(%arg12 : memref<!tpu.dma_semaphore, #tpu.memory_space<semaphore_mem>>) src(%dma_wait3A_145 : memref<10000x128xf32, #tpu.memory_space<hbm>>) dst(%arg8 : memref<128x128xf32, #tpu.memory_space<vmem>>)
      %dma_start3A_146 = arith.constant 1 : i32
      %dma_start3A_147 = arith.constant 0 : i32
      %dma_start3A_148 = tpu.memref_slice %arg7[%dma_start3A_146, %dma_start3A_147] : memref<4x128xi32, #tpu.memory_space<vmem>> -> memref<1x128xi32, #tpu.memory_space<vmem>>
      %dma_start3A_149 = tpu.memref_squeeze %dma_start3A_148 : memref<1x128xi32, #tpu.memory_space<vmem>> -> memref<128xi32, #tpu.memory_space<vmem>>
      %dma_start3A_150 = arith.constant 0 : i32
      %dma_start3A_151 = arith.constant 0 : i32
      %dma_start3A_152 = tpu.memref_slice %arg2[%dma_start3A_150, %dma_start3A_151] : memref<10000x128xf32, #tpu.memory_space<hbm>> -> memref<10000x128xf32, #tpu.memory_space<hbm>>
      tpu.enqueue_indirect_dma source(%dma_start3A_152 : memref<10000x128xf32, #tpu.memory_space<hbm>>) target(%arg10 : memref<128x128xf32, #tpu.memory_space<vmem>>) offsets(%dma_start3A_149 : memref<128xi32, #tpu.memory_space<vmem>>) semaphore(%arg12 : memref<!tpu.dma_semaphore, #tpu.memory_space<semaphore_mem>>)
      %run_scoped3A_153 = arith.constant 3 : i32
      "tpu.region"() ({
        %run_scoped3A_195 = tpu.sem_alloc : memref<!tpu.dma_semaphore, #tpu.memory_space<semaphore_mem>>
        %dma_start3A_196 = arith.constant 0 : i32
        %dma_start3A_197 = tpu.memref_slice %arg6[%run_scoped3A_153, %dma_start3A_196] : memref<4x128xi32, #tpu.memory_space<vmem>> -> memref<1x128xi32, #tpu.memory_space<vmem>>
        %dma_start3A_198 = tpu.memref_squeeze %dma_start3A_197 : memref<1x128xi32, #tpu.memory_space<vmem>> -> memref<128xi32, #tpu.memory_space<vmem>>
        %dma_start3A_199 = arith.constant 0 : i32
        %dma_start3A_200 = arith.constant 0 : i32
        %dma_start3A_201 = tpu.memref_slice %arg11[%dma_start3A_199, %dma_start3A_200] : memref<10040x128xf32, #tpu.memory_space<vmem_shared>> -> memref<10040x128xf32, #tpu.memory_space<vmem_shared>>
        tpu.enqueue_indirect_dma source(%arg8 : memref<128x128xf32, #tpu.memory_space<vmem>>) target(%dma_start3A_201 : memref<10040x128xf32, #tpu.memory_space<vmem_shared>>) offsets(%dma_start3A_198 : memref<128xi32, #tpu.memory_space<vmem>>) semaphore(%run_scoped3A_195 : memref<!tpu.dma_semaphore, #tpu.memory_space<semaphore_mem>>) {add = true}
        %dma_wait3A_202 = arith.constant 0 : i32
        %dma_wait3A_203 = tpu.memref_slice %arg6[%run_scoped3A_153, %dma_wait3A_202] : memref<4x128xi32, #tpu.memory_space<vmem>> -> memref<1x128xi32, #tpu.memory_space<vmem>>
        %dma_wait3A_204 = tpu.memref_squeeze %dma_wait3A_203 : memref<1x128xi32, #tpu.memory_space<vmem>> -> memref<128xi32, #tpu.memory_space<vmem>>
        %dma_wait3A_205 = arith.constant 0 : i32
        %dma_wait3A_206 = arith.constant 0 : i32
        %dma_wait3A_207 = tpu.memref_slice %arg11[%dma_wait3A_205, %dma_wait3A_206] : memref<10040x128xf32, #tpu.memory_space<vmem_shared>> -> memref<10040x128xf32, #tpu.memory_space<vmem_shared>>
        tpu.wait_indirect_dma semaphore(%run_scoped3A_195 : memref<!tpu.dma_semaphore, #tpu.memory_space<semaphore_mem>>) src(%arg8 : memref<128x128xf32, #tpu.memory_space<vmem>>) dst(%dma_wait3A_207 : memref<10040x128xf32, #tpu.memory_space<vmem_shared>>)
        tpu.yield
      }) : () -> ()
      %lt3A_154 = arith.constant 13 : i32
      %lt3A_155 = arith.cmpi slt, %scan3A_71, %lt3A_154 : i32
      %convert_element_type3A_156 = arith.extui %lt3A_155 : i1 to i32
      %cond3A_157 = arith.constant 0 : i32
      %cond3A_158 = arith.cmpi ne, %convert_element_type3A_156, %cond3A_157 : i32
      scf.if %cond3A_158 {
        %mul3A_195 = arith.constant 3 : i32
        %mul3A_196 = arith.muli %mul3A_195, %scan3A_71 : i32
        %add3A_197 = arith.constant 3 : i32
        %add3A_198 = arith.addi %mul3A_196, %add3A_197 : i32
        %add3A_199 = arith.constant 1 : i32
        %add3A_200 = arith.addi %add3A_198, %add3A_199 : i32
        %dma_start3A_201 = arith.constant 0 : i32
        %dma_start3A_202 = arith.constant 0 : i32
        %dma_start3A_203 = tpu.memref_slice %arg3[%add3A, %add3A_200, %dma_start3A_201, %dma_start3A_202] : memref<32x42x4x128xi32, #tpu.memory_space<hbm>> -> memref<1x1x4x128xi32, #tpu.memory_space<hbm>>
        %dma_start3A_204 = tpu.memref_squeeze %dma_start3A_203 : memref<1x1x4x128xi32, #tpu.memory_space<hbm>> -> memref<4x128xi32, #tpu.memory_space<hbm>>
        %dma_start3A_205 = arith.constant 0 : i32
        %dma_start3A_206 = arith.constant 0 : i32
        %dma_start3A_207 = tpu.memref_slice %arg3[%add3A, %add3A_200, %dma_start3A_205, %dma_start3A_206] : memref<32x42x4x128xi32, #tpu.memory_space<hbm>> -> memref<1x1x4x128xi32, #tpu.memory_space<hbm>>
        %dma_start3A_208 = tpu.memref_squeeze %dma_start3A_207 : memref<1x1x4x128xi32, #tpu.memory_space<hbm>> -> memref<4x128xi32, #tpu.memory_space<hbm>>
        tpu.enqueue_dma source(%dma_start3A_208 : memref<4x128xi32, #tpu.memory_space<hbm>>) target(%arg6 : memref<4x128xi32, #tpu.memory_space<vmem>>) target_semaphore(%arg14 : memref<!tpu.dma_semaphore, #tpu.memory_space<semaphore_mem>>)
      } else {
      }
      %lt3A_159 = arith.constant 13 : i32
      %lt3A_160 = arith.cmpi slt, %scan3A_71, %lt3A_159 : i32
      %convert_element_type3A_161 = arith.extui %lt3A_160 : i1 to i32
      %cond3A_162 = arith.constant 0 : i32
      %cond3A_163 = arith.cmpi ne, %convert_element_type3A_161, %cond3A_162 : i32
      scf.if %cond3A_163 {
        %dma_wait3A_195 = arith.constant 0 : i32
        %dma_wait3A_196 = arith.constant 0 : i32
        %dma_wait3A_197 = arith.constant 0 : i32
        %dma_wait3A_198 = tpu.memref_slice %arg3[%add3A, %dma_wait3A_195, %dma_wait3A_196, %dma_wait3A_197] : memref<32x42x4x128xi32, #tpu.memory_space<hbm>> -> memref<1x1x4x128xi32, #tpu.memory_space<hbm>>
        %dma_wait3A_199 = tpu.memref_squeeze %dma_wait3A_198 : memref<1x1x4x128xi32, #tpu.memory_space<hbm>> -> memref<4x128xi32, #tpu.memory_space<hbm>>
        %dma_wait3A_200 = arith.constant 0 : i32
        %dma_wait3A_201 = arith.constant 0 : i32
        %dma_wait3A_202 = tpu.memref_slice %arg3[%add3A, %dma_wait3A_195, %dma_wait3A_200, %dma_wait3A_201] : memref<32x42x4x128xi32, #tpu.memory_space<hbm>> -> memref<1x1x4x128xi32, #tpu.memory_space<hbm>>
        %dma_wait3A_203 = tpu.memref_squeeze %dma_wait3A_202 : memref<1x1x4x128xi32, #tpu.memory_space<hbm>> -> memref<4x128xi32, #tpu.memory_space<hbm>>
        tpu.wait_dma2 semaphore(%arg13 : memref<!tpu.dma_semaphore, #tpu.memory_space<semaphore_mem>>) src(%dma_wait3A_203 : memref<4x128xi32, #tpu.memory_space<hbm>>) dst(%arg5 : memref<4x128xi32, #tpu.memory_space<vmem>>)
      } else {
      }
      %dma_wait3A_164 = arith.constant 0 : i32
      %dma_wait3A_165 = arith.constant 0 : i32
      %dma_wait3A_166 = tpu.memref_slice %arg5[%dma_wait3A_164, %dma_wait3A_165] : memref<4x128xi32, #tpu.memory_space<vmem>> -> memref<1x128xi32, #tpu.memory_space<vmem>>
      %dma_wait3A_167 = tpu.memref_squeeze %dma_wait3A_166 : memref<1x128xi32, #tpu.memory_space<vmem>> -> memref<128xi32, #tpu.memory_space<vmem>>
      %dma_wait3A_168 = arith.constant 0 : i32
      %dma_wait3A_169 = arith.constant 0 : i32
      %dma_wait3A_170 = tpu.memref_slice %arg2[%dma_wait3A_168, %dma_wait3A_169] : memref<10000x128xf32, #tpu.memory_space<hbm>> -> memref<10000x128xf32, #tpu.memory_space<hbm>>
      tpu.wait_indirect_dma semaphore(%arg12 : memref<!tpu.dma_semaphore, #tpu.memory_space<semaphore_mem>>) src(%dma_wait3A_170 : memref<10000x128xf32, #tpu.memory_space<hbm>>) dst(%arg9 : memref<128x128xf32, #tpu.memory_space<vmem>>)
      %lt3A_171 = arith.constant 13 : i32
      %lt3A_172 = arith.cmpi slt, %scan3A_71, %lt3A_171 : i32
      %convert_element_type3A_173 = arith.extui %lt3A_172 : i1 to i32
      %cond3A_174 = arith.constant 0 : i32
      %cond3A_175 = arith.cmpi ne, %convert_element_type3A_173, %cond3A_174 : i32
      scf.if %cond3A_175 {
        %dma_start3A_195 = arith.constant 0 : i32
        %dma_start3A_196 = arith.constant 0 : i32
        %dma_start3A_197 = tpu.memref_slice %arg5[%dma_start3A_195, %dma_start3A_196] : memref<4x128xi32, #tpu.memory_space<vmem>> -> memref<1x128xi32, #tpu.memory_space<vmem>>
        %dma_start3A_198 = tpu.memref_squeeze %dma_start3A_197 : memref<1x128xi32, #tpu.memory_space<vmem>> -> memref<128xi32, #tpu.memory_space<vmem>>
        %dma_start3A_199 = arith.constant 0 : i32
        %dma_start3A_200 = arith.constant 0 : i32
        %dma_start3A_201 = tpu.memref_slice %arg2[%dma_start3A_199, %dma_start3A_200] : memref<10000x128xf32, #tpu.memory_space<hbm>> -> memref<10000x128xf32, #tpu.memory_space<hbm>>
        tpu.enqueue_indirect_dma source(%dma_start3A_201 : memref<10000x128xf32, #tpu.memory_space<hbm>>) target(%arg8 : memref<128x128xf32, #tpu.memory_space<vmem>>) offsets(%dma_start3A_198 : memref<128xi32, #tpu.memory_space<vmem>>) semaphore(%arg12 : memref<!tpu.dma_semaphore, #tpu.memory_space<semaphore_mem>>)
      } else {
      }
      %run_scoped3A_176 = arith.constant 2 : i32
      "tpu.region"() ({
        %run_scoped3A_195 = tpu.sem_alloc : memref<!tpu.dma_semaphore, #tpu.memory_space<semaphore_mem>>
        %dma_start3A_196 = arith.constant 0 : i32
        %dma_start3A_197 = tpu.memref_slice %arg7[%run_scoped3A_176, %dma_start3A_196] : memref<4x128xi32, #tpu.memory_space<vmem>> -> memref<1x128xi32, #tpu.memory_space<vmem>>
        %dma_start3A_198 = tpu.memref_squeeze %dma_start3A_197 : memref<1x128xi32, #tpu.memory_space<vmem>> -> memref<128xi32, #tpu.memory_space<vmem>>
        %dma_start3A_199 = arith.constant 0 : i32
        %dma_start3A_200 = arith.constant 0 : i32
        %dma_start3A_201 = tpu.memref_slice %arg11[%dma_start3A_199, %dma_start3A_200] : memref<10040x128xf32, #tpu.memory_space<vmem_shared>> -> memref<10040x128xf32, #tpu.memory_space<vmem_shared>>
        tpu.enqueue_indirect_dma source(%arg9 : memref<128x128xf32, #tpu.memory_space<vmem>>) target(%dma_start3A_201 : memref<10040x128xf32, #tpu.memory_space<vmem_shared>>) offsets(%dma_start3A_198 : memref<128xi32, #tpu.memory_space<vmem>>) semaphore(%run_scoped3A_195 : memref<!tpu.dma_semaphore, #tpu.memory_space<semaphore_mem>>) {add = true}
        %dma_wait3A_202 = arith.constant 0 : i32
        %dma_wait3A_203 = tpu.memref_slice %arg7[%run_scoped3A_176, %dma_wait3A_202] : memref<4x128xi32, #tpu.memory_space<vmem>> -> memref<1x128xi32, #tpu.memory_space<vmem>>
        %dma_wait3A_204 = tpu.memref_squeeze %dma_wait3A_203 : memref<1x128xi32, #tpu.memory_space<vmem>> -> memref<128xi32, #tpu.memory_space<vmem>>
        %dma_wait3A_205 = arith.constant 0 : i32
        %dma_wait3A_206 = arith.constant 0 : i32
        %dma_wait3A_207 = tpu.memref_slice %arg11[%dma_wait3A_205, %dma_wait3A_206] : memref<10040x128xf32, #tpu.memory_space<vmem_shared>> -> memref<10040x128xf32, #tpu.memory_space<vmem_shared>>
        tpu.wait_indirect_dma semaphore(%run_scoped3A_195 : memref<!tpu.dma_semaphore, #tpu.memory_space<semaphore_mem>>) src(%arg9 : memref<128x128xf32, #tpu.memory_space<vmem>>) dst(%dma_wait3A_207 : memref<10040x128xf32, #tpu.memory_space<vmem_shared>>)
        tpu.yield
      }) : () -> ()
      %dma_wait3A_177 = arith.constant 0 : i32
      %dma_wait3A_178 = arith.constant 0 : i32
      %dma_wait3A_179 = tpu.memref_slice %arg5[%dma_wait3A_177, %dma_wait3A_178] : memref<4x128xi32, #tpu.memory_space<vmem>> -> memref<1x128xi32, #tpu.memory_space<vmem>>
      %dma_wait3A_180 = tpu.memref_squeeze %dma_wait3A_179 : memref<1x128xi32, #tpu.memory_space<vmem>> -> memref<128xi32, #tpu.memory_space<vmem>>
      %dma_wait3A_181 = arith.constant 0 : i32
      %dma_wait3A_182 = arith.constant 0 : i32
      %dma_wait3A_183 = tpu.memref_slice %arg2[%dma_wait3A_181, %dma_wait3A_182] : memref<10000x128xf32, #tpu.memory_space<hbm>> -> memref<10000x128xf32, #tpu.memory_space<hbm>>
      tpu.wait_indirect_dma semaphore(%arg12 : memref<!tpu.dma_semaphore, #tpu.memory_space<semaphore_mem>>) src(%dma_wait3A_183 : memref<10000x128xf32, #tpu.memory_space<hbm>>) dst(%arg10 : memref<128x128xf32, #tpu.memory_space<vmem>>)
      %lt3A_184 = arith.constant 13 : i32
      %lt3A_185 = arith.cmpi slt, %scan3A_71, %lt3A_184 : i32
      %convert_element_type3A_186 = arith.extui %lt3A_185 : i1 to i32
      %cond3A_187 = arith.constant 0 : i32
      %cond3A_188 = arith.cmpi ne, %convert_element_type3A_186, %cond3A_187 : i32
      scf.if %cond3A_188 {
        %dma_start3A_195 = arith.constant 1 : i32
        %dma_start3A_196 = arith.constant 0 : i32
        %dma_start3A_197 = tpu.memref_slice %arg5[%dma_start3A_195, %dma_start3A_196] : memref<4x128xi32, #tpu.memory_space<vmem>> -> memref<1x128xi32, #tpu.memory_space<vmem>>
        %dma_start3A_198 = tpu.memref_squeeze %dma_start3A_197 : memref<1x128xi32, #tpu.memory_space<vmem>> -> memref<128xi32, #tpu.memory_space<vmem>>
        %dma_start3A_199 = arith.constant 0 : i32
        %dma_start3A_200 = arith.constant 0 : i32
        %dma_start3A_201 = tpu.memref_slice %arg2[%dma_start3A_199, %dma_start3A_200] : memref<10000x128xf32, #tpu.memory_space<hbm>> -> memref<10000x128xf32, #tpu.memory_space<hbm>>
        tpu.enqueue_indirect_dma source(%dma_start3A_201 : memref<10000x128xf32, #tpu.memory_space<hbm>>) target(%arg9 : memref<128x128xf32, #tpu.memory_space<vmem>>) offsets(%dma_start3A_198 : memref<128xi32, #tpu.memory_space<vmem>>) semaphore(%arg12 : memref<!tpu.dma_semaphore, #tpu.memory_space<semaphore_mem>>)
      } else {
      }
      %run_scoped3A_189 = arith.constant 3 : i32
      "tpu.region"() ({
        %run_scoped3A_195 = tpu.sem_alloc : memref<!tpu.dma_semaphore, #tpu.memory_space<semaphore_mem>>
        %dma_start3A_196 = arith.constant 0 : i32
        %dma_start3A_197 = tpu.memref_slice %arg7[%run_scoped3A_189, %dma_start3A_196] : memref<4x128xi32, #tpu.memory_space<vmem>> -> memref<1x128xi32, #tpu.memory_space<vmem>>
        %dma_start3A_198 = tpu.memref_squeeze %dma_start3A_197 : memref<1x128xi32, #tpu.memory_space<vmem>> -> memref<128xi32, #tpu.memory_space<vmem>>
        %dma_start3A_199 = arith.constant 0 : i32
        %dma_start3A_200 = arith.constant 0 : i32
        %dma_start3A_201 = tpu.memref_slice %arg11[%dma_start3A_199, %dma_start3A_200] : memref<10040x128xf32, #tpu.memory_space<vmem_shared>> -> memref<10040x128xf32, #tpu.memory_space<vmem_shared>>
        tpu.enqueue_indirect_dma source(%arg10 : memref<128x128xf32, #tpu.memory_space<vmem>>) target(%dma_start3A_201 : memref<10040x128xf32, #tpu.memory_space<vmem_shared>>) offsets(%dma_start3A_198 : memref<128xi32, #tpu.memory_space<vmem>>) semaphore(%run_scoped3A_195 : memref<!tpu.dma_semaphore, #tpu.memory_space<semaphore_mem>>) {add = true}
        %dma_wait3A_202 = arith.constant 0 : i32
        %dma_wait3A_203 = tpu.memref_slice %arg7[%run_scoped3A_189, %dma_wait3A_202] : memref<4x128xi32, #tpu.memory_space<vmem>> -> memref<1x128xi32, #tpu.memory_space<vmem>>
        %dma_wait3A_204 = tpu.memref_squeeze %dma_wait3A_203 : memref<1x128xi32, #tpu.memory_space<vmem>> -> memref<128xi32, #tpu.memory_space<vmem>>
        %dma_wait3A_205 = arith.constant 0 : i32
        %dma_wait3A_206 = arith.constant 0 : i32
        %dma_wait3A_207 = tpu.memref_slice %arg11[%dma_wait3A_205, %dma_wait3A_206] : memref<10040x128xf32, #tpu.memory_space<vmem_shared>> -> memref<10040x128xf32, #tpu.memory_space<vmem_shared>>
        tpu.wait_indirect_dma semaphore(%run_scoped3A_195 : memref<!tpu.dma_semaphore, #tpu.memory_space<semaphore_mem>>) src(%arg10 : memref<128x128xf32, #tpu.memory_space<vmem>>) dst(%dma_wait3A_207 : memref<10040x128xf32, #tpu.memory_space<vmem_shared>>)
        tpu.yield
      }) : () -> ()
      %lt3A_190 = arith.constant 13 : i32
      %lt3A_191 = arith.cmpi slt, %scan3A_71, %lt3A_190 : i32
      %convert_element_type3A_192 = arith.extui %lt3A_191 : i1 to i32
      %cond3A_193 = arith.constant 0 : i32
      %cond3A_194 = arith.cmpi ne, %convert_element_type3A_192, %cond3A_193 : i32
      scf.if %cond3A_194 {
        %mul3A_195 = arith.constant 3 : i32
        %mul3A_196 = arith.muli %mul3A_195, %scan3A_71 : i32
        %add3A_197 = arith.constant 3 : i32
        %add3A_198 = arith.addi %mul3A_196, %add3A_197 : i32
        %add3A_199 = arith.constant 2 : i32
        %add3A_200 = arith.addi %add3A_198, %add3A_199 : i32
        %dma_start3A_201 = arith.constant 0 : i32
        %dma_start3A_202 = arith.constant 0 : i32
        %dma_start3A_203 = tpu.memref_slice %arg3[%add3A, %add3A_200, %dma_start3A_201, %dma_start3A_202] : memref<32x42x4x128xi32, #tpu.memory_space<hbm>> -> memref<1x1x4x128xi32, #tpu.memory_space<hbm>>
        %dma_start3A_204 = tpu.memref_squeeze %dma_start3A_203 : memref<1x1x4x128xi32, #tpu.memory_space<hbm>> -> memref<4x128xi32, #tpu.memory_space<hbm>>
        %dma_start3A_205 = arith.constant 0 : i32
        %dma_start3A_206 = arith.constant 0 : i32
        %dma_start3A_207 = tpu.memref_slice %arg3[%add3A, %add3A_200, %dma_start3A_205, %dma_start3A_206] : memref<32x42x4x128xi32, #tpu.memory_space<hbm>> -> memref<1x1x4x128xi32, #tpu.memory_space<hbm>>
        %dma_start3A_208 = tpu.memref_squeeze %dma_start3A_207 : memref<1x1x4x128xi32, #tpu.memory_space<hbm>> -> memref<4x128xi32, #tpu.memory_space<hbm>>
        tpu.enqueue_dma source(%dma_start3A_208 : memref<4x128xi32, #tpu.memory_space<hbm>>) target(%arg7 : memref<4x128xi32, #tpu.memory_space<vmem>>) target_semaphore(%arg15 : memref<!tpu.dma_semaphore, #tpu.memory_space<semaphore_mem>>)
      } else {
      }
    }
    %scan3A_59 = arith.constant 14 : i32
    %barrier3A_60 = arith.constant 0 : index
    tpu.barrier barrier_id(%barrier3A_60)
    %lt3A_61 = arith.constant 15 : i32
    %lt3A_62 = arith.cmpi slt, %arg1, %lt3A_61 : i32
    %convert_element_type3A_63 = arith.extui %lt3A_62 : i1 to i32
    %cond3A_64 = arith.constant 0 : i32
    %cond3A_65 = arith.cmpi ne, %convert_element_type3A_63, %cond3A_64 : i32
    scf.if %cond3A_65 {
      "tpu.region"() ({
        %run_scoped3A_71 = tpu.sem_alloc : memref<!tpu.dma_semaphore, #tpu.memory_space<semaphore_mem>>
        %dma_start3A_72 = arith.constant 0 : i32
        %dma_start3A_73 = tpu.memref_slice %arg4[%arg0, %mul3A_8, %dma_start3A_72] : memref<2x10040x128xf32, #tpu.memory_space<hbm>> -> memref<1x632x128xf32, #tpu.memory_space<hbm>>
        %dma_start3A_74 = tpu.memref_squeeze %dma_start3A_73 : memref<1x632x128xf32, #tpu.memory_space<hbm>> -> memref<632x128xf32, #tpu.memory_space<hbm>>
        %dma_start3A_75 = arith.constant 0 : i32
        %dma_start3A_76 = tpu.memref_slice %arg11[%mul3A_8, %dma_start3A_75] : memref<10040x128xf32, #tpu.memory_space<vmem_shared>> -> memref<632x128xf32, #tpu.memory_space<vmem_shared>>
        tpu.enqueue_dma source(%dma_start3A_76 : memref<632x128xf32, #tpu.memory_space<vmem_shared>>) target(%dma_start3A_74 : memref<632x128xf32, #tpu.memory_space<hbm>>) target_semaphore(%run_scoped3A_71 : memref<!tpu.dma_semaphore, #tpu.memory_space<semaphore_mem>>)
        %dma_wait3A = arith.constant 0 : i32
        %dma_wait3A_77 = tpu.memref_slice %arg4[%arg0, %mul3A_8, %dma_wait3A] : memref<2x10040x128xf32, #tpu.memory_space<hbm>> -> memref<1x632x128xf32, #tpu.memory_space<hbm>>
        %dma_wait3A_78 = tpu.memref_squeeze %dma_wait3A_77 : memref<1x632x128xf32, #tpu.memory_space<hbm>> -> memref<632x128xf32, #tpu.memory_space<hbm>>
        %dma_wait3A_79 = arith.constant 0 : i32
        %dma_wait3A_80 = tpu.memref_slice %arg11[%mul3A_8, %dma_wait3A_79] : memref<10040x128xf32, #tpu.memory_space<vmem_shared>> -> memref<632x128xf32, #tpu.memory_space<vmem_shared>>
        tpu.wait_dma2 semaphore(%run_scoped3A_71 : memref<!tpu.dma_semaphore, #tpu.memory_space<semaphore_mem>>) src(%dma_wait3A_80 : memref<632x128xf32, #tpu.memory_space<vmem_shared>>) dst(%dma_wait3A_78 : memref<632x128xf32, #tpu.memory_space<hbm>>)
        tpu.yield
      }) : () -> ()
    } else {
    }
    %eq3A_66 = arith.constant 15 : i32
    %eq3A_67 = arith.cmpi eq, %arg1, %eq3A_66 : i32
    %convert_element_type3A_68 = arith.extui %eq3A_67 : i1 to i32
    %cond3A_69 = arith.constant 0 : i32
    %cond3A_70 = arith.cmpi ne, %convert_element_type3A_68, %cond3A_69 : i32
    scf.if %cond3A_70 {
      "tpu.region"() ({
        %run_scoped3A_71 = tpu.sem_alloc : memref<!tpu.dma_semaphore, #tpu.memory_space<semaphore_mem>>
        %dma_start3A_72 = arith.constant 0 : i32
        %dma_start3A_73 = tpu.memref_slice %arg4[%arg0, %mul3A_8, %dma_start3A_72] : memref<2x10040x128xf32, #tpu.memory_space<hbm>> -> memref<1x560x128xf32, #tpu.memory_space<hbm>>
        %dma_start3A_74 = tpu.memref_squeeze %dma_start3A_73 : memref<1x560x128xf32, #tpu.memory_space<hbm>> -> memref<560x128xf32, #tpu.memory_space<hbm>>
        %dma_start3A_75 = arith.constant 0 : i32
        %dma_start3A_76 = tpu.memref_slice %arg11[%mul3A_8, %dma_start3A_75] : memref<10040x128xf32, #tpu.memory_space<vmem_shared>> -> memref<560x128xf32, #tpu.memory_space<vmem_shared>>
        tpu.enqueue_dma source(%dma_start3A_76 : memref<560x128xf32, #tpu.memory_space<vmem_shared>>) target(%dma_start3A_74 : memref<560x128xf32, #tpu.memory_space<hbm>>) target_semaphore(%run_scoped3A_71 : memref<!tpu.dma_semaphore, #tpu.memory_space<semaphore_mem>>)
        %dma_wait3A = arith.constant 0 : i32
        %dma_wait3A_77 = tpu.memref_slice %arg4[%arg0, %mul3A_8, %dma_wait3A] : memref<2x10040x128xf32, #tpu.memory_space<hbm>> -> memref<1x560x128xf32, #tpu.memory_space<hbm>>
        %dma_wait3A_78 = tpu.memref_squeeze %dma_wait3A_77 : memref<1x560x128xf32, #tpu.memory_space<hbm>> -> memref<560x128xf32, #tpu.memory_space<hbm>>
        %dma_wait3A_79 = arith.constant 0 : i32
        %dma_wait3A_80 = tpu.memref_slice %arg11[%mul3A_8, %dma_wait3A_79] : memref<10040x128xf32, #tpu.memory_space<vmem_shared>> -> memref<560x128xf32, #tpu.memory_space<vmem_shared>>
        tpu.wait_dma2 semaphore(%run_scoped3A_71 : memref<!tpu.dma_semaphore, #tpu.memory_space<semaphore_mem>>) src(%dma_wait3A_80 : memref<560x128xf32, #tpu.memory_space<vmem_shared>>) dst(%dma_wait3A_78 : memref<560x128xf32, #tpu.memory_space<hbm>>)
        tpu.yield
      }) : () -> ()
    } else {
    }
    return
  }
}

module attributes {stable_mosaic.version = 14 : i64} {
  func.func @_tc_layer_body(%arg0: memref<10000x128xf32, #tpu.memory_space<vmem>>, %arg1: memref<2x10040x128xf32, #tpu.memory_space<vmem>>, %arg2: memref<128x256xf32, #tpu.memory_space<vmem>>, %arg3: memref<1x256xf32, #tpu.memory_space<vmem>>, %arg4: memref<1x256xf32, #tpu.memory_space<vmem>>, %arg5: memref<1x256xf32, #tpu.memory_space<vmem>>, %arg6: memref<256x128xf32, #tpu.memory_space<vmem>>, %arg7: memref<1x128xf32, #tpu.memory_space<vmem>>, %arg8: memref<1x128xf32, #tpu.memory_space<vmem>>, %arg9: memref<1x128xf32, #tpu.memory_space<vmem>>, %arg10: memref<10000x128xf32, #tpu.memory_space<vmem>>) attributes {dimension_semantics = [], scalar_prefetch = 0 : i64, scratch_operands = 0 : i64, tpu.core_type = #tpu.core_type<tc>} {
    %get3A = arith.constant 0 : index
    %get3A_0 = arith.constant 0 : index
    %get3A_1 = vector.load %arg0[%get3A, %get3A_0] : memref<10000x128xf32, #tpu.memory_space<vmem>>, vector<10000x128xf32>
    %get3A_2 = arith.constant 0 : index
    %get3A_3 = arith.constant 0 : index
    %get3A_4 = arith.constant 0 : index
    %get3A_5 = vector.load %arg1[%get3A_2, %get3A_3, %get3A_4] : memref<2x10040x128xf32, #tpu.memory_space<vmem>>, vector<1x10000x128xf32>
    %get3A_6 = vector.shape_cast %get3A_5 : vector<1x10000x128xf32> to vector<10000x128xf32>
    %add3A = arith.addf %get3A_1, %get3A_6 : vector<10000x128xf32>
    %get3A_7 = arith.constant 1 : index
    %get3A_8 = arith.constant 0 : index
    %get3A_9 = arith.constant 0 : index
    %get3A_10 = vector.load %arg1[%get3A_7, %get3A_8, %get3A_9] : memref<2x10040x128xf32, #tpu.memory_space<vmem>>, vector<1x10000x128xf32>
    %get3A_11 = vector.shape_cast %get3A_10 : vector<1x10000x128xf32> to vector<10000x128xf32>
    %add3A_12 = arith.addf %add3A, %get3A_11 : vector<10000x128xf32>
    %get3A_13 = arith.constant 0 : index
    %get3A_14 = arith.constant 0 : index
    %get3A_15 = vector.load %arg2[%get3A_13, %get3A_14] : memref<128x256xf32, #tpu.memory_space<vmem>>, vector<128x256xf32>
    %dot_general3A = arith.constant dense<0.000000e+00> : vector<10000x256xf32>
    %dot_general3A_16 = tpu.matmul %add3A_12, %get3A_15, %dot_general3A {dimension_numbers = #tpu.dot_dimension_numbers<[1], [0], [0], [1], [0, 0, 1, 1], [], []>, transpose_lhs_hint = false} : vector<10000x128xf32>, vector<128x256xf32>, vector<10000x256xf32> -> vector<10000x256xf32>
    %get3A_17 = arith.constant 0 : index
    %get3A_18 = arith.constant 0 : index
    %get3A_19 = vector.load %arg3[%get3A_17, %get3A_18] : memref<1x256xf32, #tpu.memory_space<vmem>>, vector<1x256xf32>
    %add3A_20 = vector.broadcast %get3A_19 : vector<1x256xf32> to vector<10000x256xf32>
    %add3A_21 = arith.addf %dot_general3A_16, %add3A_20 : vector<10000x256xf32>
    %reduce_sum3A = arith.constant dense<0.000000e+00> : vector<256xf32>
    %reduce_sum3A_22 = vector.multi_reduction <add>, %add3A_21, %reduce_sum3A [0] : vector<10000x256xf32> to vector<256xf32>
    %broadcast_in_dim3A = vector.shape_cast %reduce_sum3A_22 : vector<256xf32> to vector<1x256xf32>
    %div3A = arith.constant 1.000000e+04 : f32
    %div3A_23 = vector.broadcast %div3A : f32 to vector<1x256xf32>
    %div3A_24 = arith.divf %broadcast_in_dim3A, %div3A_23 : vector<1x256xf32>
    %sub3A = vector.broadcast %div3A_24 : vector<1x256xf32> to vector<10000x256xf32>
    %sub3A_25 = arith.subf %add3A_21, %sub3A : vector<10000x256xf32>
    %sub3A_26 = vector.broadcast %div3A_24 : vector<1x256xf32> to vector<10000x256xf32>
    %sub3A_27 = arith.subf %add3A_21, %sub3A_26 : vector<10000x256xf32>
    %mul3A = arith.mulf %sub3A_25, %sub3A_27 : vector<10000x256xf32>
    %reduce_sum3A_28 = arith.constant dense<0.000000e+00> : vector<256xf32>
    %reduce_sum3A_29 = vector.multi_reduction <add>, %mul3A, %reduce_sum3A_28 [0] : vector<10000x256xf32> to vector<256xf32>
    %broadcast_in_dim3A_30 = vector.shape_cast %reduce_sum3A_29 : vector<256xf32> to vector<1x256xf32>
    %div3A_31 = arith.constant 1.000000e+04 : f32
    %div3A_32 = vector.broadcast %div3A_31 : f32 to vector<1x256xf32>
    %div3A_33 = arith.divf %broadcast_in_dim3A_30, %div3A_32 : vector<1x256xf32>
    %sub3A_34 = vector.broadcast %div3A_24 : vector<1x256xf32> to vector<10000x256xf32>
    %sub3A_35 = arith.subf %add3A_21, %sub3A_34 : vector<10000x256xf32>
    %add3A_36 = arith.constant 9.99999974E-6 : f32
    %add3A_37 = vector.broadcast %add3A_36 : f32 to vector<1x256xf32>
    %add3A_38 = arith.addf %div3A_33, %add3A_37 : vector<1x256xf32>
    %rsqrt3A = math.rsqrt %add3A_38 : vector<1x256xf32>
    %mul3A_39 = vector.broadcast %rsqrt3A : vector<1x256xf32> to vector<10000x256xf32>
    %mul3A_40 = arith.mulf %sub3A_35, %mul3A_39 : vector<10000x256xf32>
    %get3A_41 = arith.constant 0 : index
    %get3A_42 = arith.constant 0 : index
    %get3A_43 = vector.load %arg4[%get3A_41, %get3A_42] : memref<1x256xf32, #tpu.memory_space<vmem>>, vector<1x256xf32>
    %mul3A_44 = vector.broadcast %get3A_43 : vector<1x256xf32> to vector<10000x256xf32>
    %mul3A_45 = arith.mulf %mul3A_40, %mul3A_44 : vector<10000x256xf32>
    %get3A_46 = arith.constant 0 : index
    %get3A_47 = arith.constant 0 : index
    %get3A_48 = vector.load %arg5[%get3A_46, %get3A_47] : memref<1x256xf32, #tpu.memory_space<vmem>>, vector<1x256xf32>
    %add3A_49 = vector.broadcast %get3A_48 : vector<1x256xf32> to vector<10000x256xf32>
    %add3A_50 = arith.addf %mul3A_45, %add3A_49 : vector<10000x256xf32>
    %max3A = arith.constant 0.000000e+00 : f32
    %max3A_51 = vector.broadcast %max3A : f32 to vector<10000x256xf32>
    %max3A_52 = arith.maximumf %add3A_50, %max3A_51 : vector<10000x256xf32>
    %get3A_53 = arith.constant 0 : index
    %get3A_54 = arith.constant 0 : index
    %get3A_55 = vector.load %arg6[%get3A_53, %get3A_54] : memref<256x128xf32, #tpu.memory_space<vmem>>, vector<256x128xf32>
    %dot_general3A_56 = arith.constant dense<0.000000e+00> : vector<10000x128xf32>
    %dot_general3A_57 = tpu.matmul %max3A_52, %get3A_55, %dot_general3A_56 {dimension_numbers = #tpu.dot_dimension_numbers<[1], [0], [0], [1], [0, 0, 1, 1], [], []>, transpose_lhs_hint = false} : vector<10000x256xf32>, vector<256x128xf32>, vector<10000x128xf32> -> vector<10000x128xf32>
    %get3A_58 = arith.constant 0 : index
    %get3A_59 = arith.constant 0 : index
    %get3A_60 = vector.load %arg7[%get3A_58, %get3A_59] : memref<1x128xf32, #tpu.memory_space<vmem>>, vector<1x128xf32>
    %add3A_61 = vector.broadcast %get3A_60 : vector<1x128xf32> to vector<10000x128xf32>
    %add3A_62 = arith.addf %dot_general3A_57, %add3A_61 : vector<10000x128xf32>
    %reduce_sum3A_63 = arith.constant dense<0.000000e+00> : vector<128xf32>
    %reduce_sum3A_64 = vector.multi_reduction <add>, %add3A_62, %reduce_sum3A_63 [0] : vector<10000x128xf32> to vector<128xf32>
    %broadcast_in_dim3A_65 = vector.shape_cast %reduce_sum3A_64 : vector<128xf32> to vector<1x128xf32>
    %div3A_66 = arith.constant 1.000000e+04 : f32
    %div3A_67 = vector.broadcast %div3A_66 : f32 to vector<1x128xf32>
    %div3A_68 = arith.divf %broadcast_in_dim3A_65, %div3A_67 : vector<1x128xf32>
    %sub3A_69 = vector.broadcast %div3A_68 : vector<1x128xf32> to vector<10000x128xf32>
    %sub3A_70 = arith.subf %add3A_62, %sub3A_69 : vector<10000x128xf32>
    %sub3A_71 = vector.broadcast %div3A_68 : vector<1x128xf32> to vector<10000x128xf32>
    %sub3A_72 = arith.subf %add3A_62, %sub3A_71 : vector<10000x128xf32>
    %mul3A_73 = arith.mulf %sub3A_70, %sub3A_72 : vector<10000x128xf32>
    %reduce_sum3A_74 = arith.constant dense<0.000000e+00> : vector<128xf32>
    %reduce_sum3A_75 = vector.multi_reduction <add>, %mul3A_73, %reduce_sum3A_74 [0] : vector<10000x128xf32> to vector<128xf32>
    %broadcast_in_dim3A_76 = vector.shape_cast %reduce_sum3A_75 : vector<128xf32> to vector<1x128xf32>
    %div3A_77 = arith.constant 1.000000e+04 : f32
    %div3A_78 = vector.broadcast %div3A_77 : f32 to vector<1x128xf32>
    %div3A_79 = arith.divf %broadcast_in_dim3A_76, %div3A_78 : vector<1x128xf32>
    %sub3A_80 = vector.broadcast %div3A_68 : vector<1x128xf32> to vector<10000x128xf32>
    %sub3A_81 = arith.subf %add3A_62, %sub3A_80 : vector<10000x128xf32>
    %add3A_82 = arith.constant 9.99999974E-6 : f32
    %add3A_83 = vector.broadcast %add3A_82 : f32 to vector<1x128xf32>
    %add3A_84 = arith.addf %div3A_79, %add3A_83 : vector<1x128xf32>
    %rsqrt3A_85 = math.rsqrt %add3A_84 : vector<1x128xf32>
    %mul3A_86 = vector.broadcast %rsqrt3A_85 : vector<1x128xf32> to vector<10000x128xf32>
    %mul3A_87 = arith.mulf %sub3A_81, %mul3A_86 : vector<10000x128xf32>
    %get3A_88 = arith.constant 0 : index
    %get3A_89 = arith.constant 0 : index
    %get3A_90 = vector.load %arg8[%get3A_88, %get3A_89] : memref<1x128xf32, #tpu.memory_space<vmem>>, vector<1x128xf32>
    %mul3A_91 = vector.broadcast %get3A_90 : vector<1x128xf32> to vector<10000x128xf32>
    %mul3A_92 = arith.mulf %mul3A_87, %mul3A_91 : vector<10000x128xf32>
    %get3A_93 = arith.constant 0 : index
    %get3A_94 = arith.constant 0 : index
    %get3A_95 = vector.load %arg9[%get3A_93, %get3A_94] : memref<1x128xf32, #tpu.memory_space<vmem>>, vector<1x128xf32>
    %add3A_96 = vector.broadcast %get3A_95 : vector<1x128xf32> to vector<10000x128xf32>
    %add3A_97 = arith.addf %mul3A_92, %add3A_96 : vector<10000x128xf32>
    %max3A_98 = arith.constant 0.000000e+00 : f32
    %max3A_99 = vector.broadcast %max3A_98 : f32 to vector<10000x128xf32>
    %max3A_100 = arith.maximumf %add3A_97, %max3A_99 : vector<10000x128xf32>
    %swap3A = arith.constant 0 : index
    %swap3A_101 = arith.constant 0 : index
    %swap3A_102 = vector.load %arg10[%swap3A, %swap3A_101] : memref<10000x128xf32, #tpu.memory_space<vmem>>, vector<10000x128xf32>
    tpu.vector_store %arg10[%swap3A, %swap3A_101], %max3A_100 {strides = array<i32>} : memref<10000x128xf32, #tpu.memory_space<vmem>>, vector<10000x128xf32>,
    return
  }
}

module attributes {stable_mosaic.version = 14 : i64} {
  func.func @_tc_final_body(%arg0: memref<10000x128xf32, #tpu.memory_space<vmem>>, %arg1: memref<2x10040x128xf32, #tpu.memory_space<vmem>>, %arg2: memref<128x256xf32, #tpu.memory_space<vmem>>, %arg3: memref<1x256xf32, #tpu.memory_space<vmem>>, %arg4: memref<1x256xf32, #tpu.memory_space<vmem>>, %arg5: memref<1x256xf32, #tpu.memory_space<vmem>>, %arg6: memref<256x128xf32, #tpu.memory_space<vmem>>, %arg7: memref<1x128xf32, #tpu.memory_space<vmem>>, %arg8: memref<1x128xf32, #tpu.memory_space<vmem>>, %arg9: memref<1x128xf32, #tpu.memory_space<vmem>>, %arg10: memref<10000x1xi32, #tpu.memory_space<vmem>>, %arg11: memref<128x10xf32, #tpu.memory_space<vmem>>, %arg12: memref<1x10xf32, #tpu.memory_space<vmem>>, %arg13: memref<64x10xf32, #tpu.memory_space<vmem>>) attributes {dimension_semantics = [], scalar_prefetch = 0 : i64, scratch_operands = 0 : i64, tpu.core_type = #tpu.core_type<tc>} {
    %get3A = arith.constant 0 : index
    %get3A_0 = arith.constant 0 : index
    %get3A_1 = vector.load %arg0[%get3A, %get3A_0] : memref<10000x128xf32, #tpu.memory_space<vmem>>, vector<10000x128xf32>
    %get3A_2 = arith.constant 0 : index
    %get3A_3 = arith.constant 0 : index
    %get3A_4 = arith.constant 0 : index
    %get3A_5 = vector.load %arg1[%get3A_2, %get3A_3, %get3A_4] : memref<2x10040x128xf32, #tpu.memory_space<vmem>>, vector<1x10000x128xf32>
    %get3A_6 = vector.shape_cast %get3A_5 : vector<1x10000x128xf32> to vector<10000x128xf32>
    %add3A = arith.addf %get3A_1, %get3A_6 : vector<10000x128xf32>
    %get3A_7 = arith.constant 1 : index
    %get3A_8 = arith.constant 0 : index
    %get3A_9 = arith.constant 0 : index
    %get3A_10 = vector.load %arg1[%get3A_7, %get3A_8, %get3A_9] : memref<2x10040x128xf32, #tpu.memory_space<vmem>>, vector<1x10000x128xf32>
    %get3A_11 = vector.shape_cast %get3A_10 : vector<1x10000x128xf32> to vector<10000x128xf32>
    %add3A_12 = arith.addf %add3A, %get3A_11 : vector<10000x128xf32>
    %get3A_13 = arith.constant 0 : index
    %get3A_14 = arith.constant 0 : index
    %get3A_15 = vector.load %arg2[%get3A_13, %get3A_14] : memref<128x256xf32, #tpu.memory_space<vmem>>, vector<128x256xf32>
    %dot_general3A = arith.constant dense<0.000000e+00> : vector<10000x256xf32>
    %dot_general3A_16 = tpu.matmul %add3A_12, %get3A_15, %dot_general3A {dimension_numbers = #tpu.dot_dimension_numbers<[1], [0], [0], [1], [0, 0, 1, 1], [], []>, transpose_lhs_hint = false} : vector<10000x128xf32>, vector<128x256xf32>, vector<10000x256xf32> -> vector<10000x256xf32>
    %get3A_17 = arith.constant 0 : index
    %get3A_18 = arith.constant 0 : index
    %get3A_19 = vector.load %arg3[%get3A_17, %get3A_18] : memref<1x256xf32, #tpu.memory_space<vmem>>, vector<1x256xf32>
    %add3A_20 = vector.broadcast %get3A_19 : vector<1x256xf32> to vector<10000x256xf32>
    %add3A_21 = arith.addf %dot_general3A_16, %add3A_20 : vector<10000x256xf32>
    %reduce_sum3A = arith.constant dense<0.000000e+00> : vector<256xf32>
    %reduce_sum3A_22 = vector.multi_reduction <add>, %add3A_21, %reduce_sum3A [0] : vector<10000x256xf32> to vector<256xf32>
    %broadcast_in_dim3A = vector.shape_cast %reduce_sum3A_22 : vector<256xf32> to vector<1x256xf32>
    %div3A = arith.constant 1.000000e+04 : f32
    %div3A_23 = vector.broadcast %div3A : f32 to vector<1x256xf32>
    %div3A_24 = arith.divf %broadcast_in_dim3A, %div3A_23 : vector<1x256xf32>
    %sub3A = vector.broadcast %div3A_24 : vector<1x256xf32> to vector<10000x256xf32>
    %sub3A_25 = arith.subf %add3A_21, %sub3A : vector<10000x256xf32>
    %sub3A_26 = vector.broadcast %div3A_24 : vector<1x256xf32> to vector<10000x256xf32>
    %sub3A_27 = arith.subf %add3A_21, %sub3A_26 : vector<10000x256xf32>
    %mul3A = arith.mulf %sub3A_25, %sub3A_27 : vector<10000x256xf32>
    %reduce_sum3A_28 = arith.constant dense<0.000000e+00> : vector<256xf32>
    %reduce_sum3A_29 = vector.multi_reduction <add>, %mul3A, %reduce_sum3A_28 [0] : vector<10000x256xf32> to vector<256xf32>
    %broadcast_in_dim3A_30 = vector.shape_cast %reduce_sum3A_29 : vector<256xf32> to vector<1x256xf32>
    %div3A_31 = arith.constant 1.000000e+04 : f32
    %div3A_32 = vector.broadcast %div3A_31 : f32 to vector<1x256xf32>
    %div3A_33 = arith.divf %broadcast_in_dim3A_30, %div3A_32 : vector<1x256xf32>
    %sub3A_34 = vector.broadcast %div3A_24 : vector<1x256xf32> to vector<10000x256xf32>
    %sub3A_35 = arith.subf %add3A_21, %sub3A_34 : vector<10000x256xf32>
    %add3A_36 = arith.constant 9.99999974E-6 : f32
    %add3A_37 = vector.broadcast %add3A_36 : f32 to vector<1x256xf32>
    %add3A_38 = arith.addf %div3A_33, %add3A_37 : vector<1x256xf32>
    %rsqrt3A = math.rsqrt %add3A_38 : vector<1x256xf32>
    %mul3A_39 = vector.broadcast %rsqrt3A : vector<1x256xf32> to vector<10000x256xf32>
    %mul3A_40 = arith.mulf %sub3A_35, %mul3A_39 : vector<10000x256xf32>
    %get3A_41 = arith.constant 0 : index
    %get3A_42 = arith.constant 0 : index
    %get3A_43 = vector.load %arg4[%get3A_41, %get3A_42] : memref<1x256xf32, #tpu.memory_space<vmem>>, vector<1x256xf32>
    %mul3A_44 = vector.broadcast %get3A_43 : vector<1x256xf32> to vector<10000x256xf32>
    %mul3A_45 = arith.mulf %mul3A_40, %mul3A_44 : vector<10000x256xf32>
    %get3A_46 = arith.constant 0 : index
    %get3A_47 = arith.constant 0 : index
    %get3A_48 = vector.load %arg5[%get3A_46, %get3A_47] : memref<1x256xf32, #tpu.memory_space<vmem>>, vector<1x256xf32>
    %add3A_49 = vector.broadcast %get3A_48 : vector<1x256xf32> to vector<10000x256xf32>
    %add3A_50 = arith.addf %mul3A_45, %add3A_49 : vector<10000x256xf32>
    %max3A = arith.constant 0.000000e+00 : f32
    %max3A_51 = vector.broadcast %max3A : f32 to vector<10000x256xf32>
    %max3A_52 = arith.maximumf %add3A_50, %max3A_51 : vector<10000x256xf32>
    %get3A_53 = arith.constant 0 : index
    %get3A_54 = arith.constant 0 : index
    %get3A_55 = vector.load %arg6[%get3A_53, %get3A_54] : memref<256x128xf32, #tpu.memory_space<vmem>>, vector<256x128xf32>
    %dot_general3A_56 = arith.constant dense<0.000000e+00> : vector<10000x128xf32>
    %dot_general3A_57 = tpu.matmul %max3A_52, %get3A_55, %dot_general3A_56 {dimension_numbers = #tpu.dot_dimension_numbers<[1], [0], [0], [1], [0, 0, 1, 1], [], []>, transpose_lhs_hint = false} : vector<10000x256xf32>, vector<256x128xf32>, vector<10000x128xf32> -> vector<10000x128xf32>
    %get3A_58 = arith.constant 0 : index
    %get3A_59 = arith.constant 0 : index
    %get3A_60 = vector.load %arg7[%get3A_58, %get3A_59] : memref<1x128xf32, #tpu.memory_space<vmem>>, vector<1x128xf32>
    %add3A_61 = vector.broadcast %get3A_60 : vector<1x128xf32> to vector<10000x128xf32>
    %add3A_62 = arith.addf %dot_general3A_57, %add3A_61 : vector<10000x128xf32>
    %reduce_sum3A_63 = arith.constant dense<0.000000e+00> : vector<128xf32>
    %reduce_sum3A_64 = vector.multi_reduction <add>, %add3A_62, %reduce_sum3A_63 [0] : vector<10000x128xf32> to vector<128xf32>
    %broadcast_in_dim3A_65 = vector.shape_cast %reduce_sum3A_64 : vector<128xf32> to vector<1x128xf32>
    %div3A_66 = arith.constant 1.000000e+04 : f32
    %div3A_67 = vector.broadcast %div3A_66 : f32 to vector<1x128xf32>
    %div3A_68 = arith.divf %broadcast_in_dim3A_65, %div3A_67 : vector<1x128xf32>
    %sub3A_69 = vector.broadcast %div3A_68 : vector<1x128xf32> to vector<10000x128xf32>
    %sub3A_70 = arith.subf %add3A_62, %sub3A_69 : vector<10000x128xf32>
    %sub3A_71 = vector.broadcast %div3A_68 : vector<1x128xf32> to vector<10000x128xf32>
    %sub3A_72 = arith.subf %add3A_62, %sub3A_71 : vector<10000x128xf32>
    %mul3A_73 = arith.mulf %sub3A_70, %sub3A_72 : vector<10000x128xf32>
    %reduce_sum3A_74 = arith.constant dense<0.000000e+00> : vector<128xf32>
    %reduce_sum3A_75 = vector.multi_reduction <add>, %mul3A_73, %reduce_sum3A_74 [0] : vector<10000x128xf32> to vector<128xf32>
    %broadcast_in_dim3A_76 = vector.shape_cast %reduce_sum3A_75 : vector<128xf32> to vector<1x128xf32>
    %div3A_77 = arith.constant 1.000000e+04 : f32
    %div3A_78 = vector.broadcast %div3A_77 : f32 to vector<1x128xf32>
    %div3A_79 = arith.divf %broadcast_in_dim3A_76, %div3A_78 : vector<1x128xf32>
    %sub3A_80 = vector.broadcast %div3A_68 : vector<1x128xf32> to vector<10000x128xf32>
    %sub3A_81 = arith.subf %add3A_62, %sub3A_80 : vector<10000x128xf32>
    %add3A_82 = arith.constant 9.99999974E-6 : f32
    %add3A_83 = vector.broadcast %add3A_82 : f32 to vector<1x128xf32>
    %add3A_84 = arith.addf %div3A_79, %add3A_83 : vector<1x128xf32>
    %rsqrt3A_85 = math.rsqrt %add3A_84 : vector<1x128xf32>
    %mul3A_86 = vector.broadcast %rsqrt3A_85 : vector<1x128xf32> to vector<10000x128xf32>
    %mul3A_87 = arith.mulf %sub3A_81, %mul3A_86 : vector<10000x128xf32>
    %get3A_88 = arith.constant 0 : index
    %get3A_89 = arith.constant 0 : index
    %get3A_90 = vector.load %arg8[%get3A_88, %get3A_89] : memref<1x128xf32, #tpu.memory_space<vmem>>, vector<1x128xf32>
    %mul3A_91 = vector.broadcast %get3A_90 : vector<1x128xf32> to vector<10000x128xf32>
    %mul3A_92 = arith.mulf %mul3A_87, %mul3A_91 : vector<10000x128xf32>
    %get3A_93 = arith.constant 0 : index
    %get3A_94 = arith.constant 0 : index
    %get3A_95 = vector.load %arg9[%get3A_93, %get3A_94] : memref<1x128xf32, #tpu.memory_space<vmem>>, vector<1x128xf32>
    %add3A_96 = vector.broadcast %get3A_95 : vector<1x128xf32> to vector<10000x128xf32>
    %add3A_97 = arith.addf %mul3A_92, %add3A_96 : vector<10000x128xf32>
    %iota3A = tpu.iota {dimensions = array<i32: 1>} : vector<10000x64xi32>
    %get3A_98 = arith.constant 0 : index
    %get3A_99 = arith.constant 0 : index
    %get3A_100 = vector.load %arg10[%get3A_98, %get3A_99] : memref<10000x1xi32, #tpu.memory_space<vmem>>, vector<10000x1xi32>
    %eq3A = vector.broadcast %get3A_100 : vector<10000x1xi32> to vector<10000x64xi32>
    %eq3A_101 = arith.cmpi eq, %eq3A, %iota3A : vector<10000x64xi32>
    %convert_element_type3A = arith.extui %eq3A_101 : vector<10000x64xi1> to vector<10000x64xi32>
    %convert_element_type3A_102 = arith.sitofp %convert_element_type3A : vector<10000x64xi32> to vector<10000x64xf32>
    %dot_general3A_103 = arith.constant dense<0.000000e+00> : vector<64x128xf32>
    %dot_general3A_104 = tpu.matmul %convert_element_type3A_102, %add3A_97, %dot_general3A_103 {dimension_numbers = #tpu.dot_dimension_numbers<[0], [0], [1], [1], [0, 1, 1, 1], [], []>, transpose_lhs_hint = false} : vector<10000x64xf32>, vector<10000x128xf32>, vector<64x128xf32> -> vector<64x128xf32>
    %reduce_sum3A_105 = arith.constant dense<0.000000e+00> : vector<64xf32>
    %reduce_sum3A_106 = vector.multi_reduction <add>, %convert_element_type3A_102, %reduce_sum3A_105 [0] : vector<10000x64xf32> to vector<64xf32>
    %broadcast_in_dim3A_107 = vector.shape_cast %reduce_sum3A_106 : vector<64xf32> to vector<1x64xf32>
    %max3A_108 = arith.constant 1.000000e+00 : f32
    %max3A_109 = vector.broadcast %max3A_108 : f32 to vector<1x64xf32>
    %max3A_110 = arith.maximumf %broadcast_in_dim3A_107, %max3A_109 : vector<1x64xf32>
    %reshape3A = vector.shape_cast %max3A_110 : vector<1x64xf32> to vector<64x1xf32>
    %div3A_111 = vector.broadcast %reshape3A : vector<64x1xf32> to vector<64x128xf32>
    %div3A_112 = arith.divf %dot_general3A_104, %div3A_111 : vector<64x128xf32>
    %get3A_113 = arith.constant 0 : index
    %get3A_114 = arith.constant 0 : index
    %get3A_115 = vector.load %arg11[%get3A_113, %get3A_114] : memref<128x10xf32, #tpu.memory_space<vmem>>, vector<128x10xf32>
    %dot_general3A_116 = arith.constant dense<0.000000e+00> : vector<64x10xf32>
    %dot_general3A_117 = tpu.matmul %div3A_112, %get3A_115, %dot_general3A_116 {dimension_numbers = #tpu.dot_dimension_numbers<[1], [0], [0], [1], [0, 0, 1, 1], [], []>, transpose_lhs_hint = false} : vector<64x128xf32>, vector<128x10xf32>, vector<64x10xf32> -> vector<64x10xf32>
    %get3A_118 = arith.constant 0 : index
    %get3A_119 = arith.constant 0 : index
    %get3A_120 = vector.load %arg12[%get3A_118, %get3A_119] : memref<1x10xf32, #tpu.memory_space<vmem>>, vector<1x10xf32>
    %add3A_121 = vector.broadcast %get3A_120 : vector<1x10xf32> to vector<64x10xf32>
    %add3A_122 = arith.addf %dot_general3A_117, %add3A_121 : vector<64x10xf32>
    %swap3A = arith.constant 0 : index
    %swap3A_123 = arith.constant 0 : index
    %swap3A_124 = vector.load %arg13[%swap3A, %swap3A_123] : memref<64x10xf32, #tpu.memory_space<vmem>>, vector<64x10xf32>
    tpu.vector_store %arg13[%swap3A, %swap3A_123], %add3A_122 {strides = array<i32>} : memref<64x10xf32, #tpu.memory_space<vmem>>, vector<64x10xf32>,
    return
  }
}

</mosaic_0001>

<sc_bundles>
// kernel: kernel.11.cloned.1.call-start
scs
__scs_entry_jumppad:
0x0: {  	(pc) =	sbr.rel $0x88, $3  }
0x1: {  	(tag) =	ssettag $0x0;
	lr =	simm.s32 $0x1  }
0x2: {  	[smem:$0x3F84] =	sst lr;
	_ =	strace $0xD0000000  }
0x3: {  	_ = 	snop  }
0x4: {  	_ = 	snop  }
0x5: {  	_ = 	snop  }
0x6: {  	_ = 	snop  }
0x7: {  	_ = 	snop  }
__scs_overlays_trampoline_lowered:
0x8: {  	[smem:$0x3F93] =	sst s0  }
0x9: {  	[smem:$0x3F94] =	sst s1  }
0xa: {  	[smem:$0x3F95] =	sst s2  }
0xb: {  	[smem:$0x3F96] =	sst s3  }
0xc: {  	[smem:$0x3F97] =	sst s4  }
0xd: {  	[smem:$0x3F98] =	sst s5  }
0xe: {  	[smem:$0x3F99] =	sst s6  }
0xf: {  	[smem:$0x3F9A] =	sst s7  }
0x10: {  	[smem:$0x3F9B] =	sst s8  }
0x11: {  	[smem:$0x3F9C] =	sst s9;
	s0 =	simm.s32 @!p0 $0x0  }
0x12: {  	s1 =	sld [smem:$0x3F82];
	s0 =	simm.s32 @p0 $0x1  }
0x13: {  	[smem:$0x3F9D] =	sst s0;
	s0 =	simm.s32 @!p1 $0x0  }
0x14: {  	s2 =	sld [smem:$0x3F81];
	s0 =	simm.s32 @p1 $0x1  }
0x15: {  	[smem:$0x3F9E] =	sst s0;
	s0 =	simm.s32 @!p2 $0x0  }
0x16: {  	s3 =	sld [smem:$0x3FDB];
	s0 =	simm.s32 @p2 $0x1  }
0x17: {  	s4 =	simm.s32 $0x1BF5;
	[smem:$0x3FA0] =	sst s0  }
0x18: {  	s0 =	sld [smem:$0x3F83];
	_ =	swait.ge [sflag:s4], $0x0  }
0x19: {  	s7 =	sld [smem:$0x3F84]  }
0x1a: {  	s8 =	sadd.s32 $0xFFFFE003, lr  }
0x1b: {  	s9 =	sadd.s32 $0xFFFFFEF7, lr;
	s5 =	simm.s32 $0xFFFFFFFF;
	p2 =	slt.u32 s8, $0xFFFFF086  }
0x1c: {  	p1 =	slt.u32 s9, $0xF7A;
	s5 =	simm.s32 @!p2 $0x0  }
0x1d: {  	s5 =	simm.s32 @p1 $0x1;
	p0 =	seq.s32 s7, s2  }
0x1e: {  	s7 =	smul.u32 @!p0 $0xF7A, s2;
	p2 =	seq.s32 @!p0 s5, $0x0  }
0x1f: {  	s9 =	smul.u32 $0xF7A, s1;
	s8 =	simm.s32 @!p0 $0x1BF5;
	p2 =	por !p2, p0  }
0x20: {  	[sflag:s8] =	ssyncset.s32 @!p0 $0xFFFFF086;
	s6 =	sadd.s32 @!p0 s3, s7;
	s7 =	simm.s32 @!p0 $0x108  }
0x21: {  	s3 =	sadd.s32 s3, s9;
	s6 =	sadd.s32 @!p0 $0x88, s6;
	s7 =	simm.s32 @p2 $0x1082  }
0x22: {  	[simem:s7], [sflag:s8] =	dma.local @!p0 [hbm:s6], $0xF7A  }
0x23: {  	s9 =	sor.u32 $0xD0000000, s2;
	s6 =	simm.s32 $0x108;
	_ =	swait.ge @!p0 [sflag:s8], $0x0  }
0x24: {  	s3 =	sadd.s32 $0x88, s3;
	s6 =	simm.s32 @!p1 $0x1082;
	[sflag:s4] =	ssyncset.s32 $0xFFFFF086  }
0x25: {  	[simem:s6], [sflag:s4] =	dma.local [hbm:s3], $0xF7A  }
0x26: {  	[smem:$0x3F84] =	sst s1;
	(tag) =	ssettag s2;
	_ =	strace s9  }
0x27: {  	s1 =	sld [smem:$0x3F94]  }
0x28: {  	s2 =	sld [smem:$0x3F95]  }
0x29: {  	s4 =	sld [smem:$0x3F97]  }
0x2a: {  	p0 =	seq.s32 s5, $0x0;
	s5 =	sld [smem:$0x3F98]  }
0x2b: {  	s6 =	sld [smem:$0x3F99]  }
0x2c: {  	s7 =	sld [smem:$0x3F9A]  }
0x2d: {  	s3 =	simm.s32 $0x108;
	s8 =	sld [smem:$0x3F9B]  }
0x2e: {  	s3 =	simm.s32 @!p0 $0x1082;
	s9 =	sld [smem:$0x3F9C]  }
0x2f: {  	lr =	sadd.s32 s0, s3;
	s0 =	sld [smem:$0x3F93]  }
0x30: {  	s3 =	sld [smem:$0x3F96]  }
0x31: {  	[smem:$0x3F9F] =	sst s10  }
0x32: {  	s10 =	sld [smem:$0x3F9D];
	_ =	sdelay $0x3  }
0x33: {  	p0 =	seq.s32 s10, $0x1;
	s10 =	sld [smem:$0x3F9F];
	_ =	sdelay $0x3  }
0x34: {  	[smem:$0x3F9F] =	sst s10  }
0x35: {  	s10 =	sld [smem:$0x3F9E];
	_ =	sdelay $0x3  }
0x36: {  	p1 =	seq.s32 s10, $0x1;
	s10 =	sld [smem:$0x3F9F];
	_ =	sdelay $0x3  }
0x37: {  	[smem:$0x3F9F] =	sst s10  }
0x38: {  	s10 =	sld [smem:$0x3FA0]  }
0x39: {  	_ = 	snop;
	(pc) =	sbr.ind lr, $3  }
0x3a: {  	_ = 	snop  }
0x3b: {  	_ = 	snop  }
0x3c: {  	p2 =	seq.s32 s10, $0x1;
	s10 =	sld [smem:$0x3F9F]  }
0x3d: {  	_ =	shalt  }
0x3e: {  	_ =	shalt  }
0x3f: {  	_ =	shalt  }
0x40: {  	_ =	shalt  }
0x41: {  	_ =	shalt  }
0x42: {  	_ =	shalt  }
0x43: {  	_ =	shalt  }
0x44: {  	_ =	shalt  }
0x45: {  	_ =	shalt  }
0x46: {  	_ =	shalt  }
0x47: {  	_ =	shalt  }
0x48: {  	_ =	shalt  }
0x49: {  	_ =	shalt  }
0x4a: {  	_ =	shalt  }
0x4b: {  	_ =	shalt  }
0x4c: {  	_ =	shalt  }
0x4d: {  	_ =	shalt  }
0x4e: {  	_ =	shalt  }
0x4f: {  	_ =	shalt  }
0x50: {  	_ =	shalt  }
0x51: {  	_ =	shalt  }
0x52: {  	_ =	shalt  }
0x53: {  	_ =	shalt  }
0x54: {  	_ =	shalt  }
0x55: {  	_ =	shalt  }
0x56: {  	_ =	shalt  }
0x57: {  	_ =	shalt  }
0x58: {  	_ =	shalt  }
0x59: {  	_ =	shalt  }
0x5a: {  	_ =	shalt  }
0x5b: {  	_ =	shalt  }
0x5c: {  	_ =	shalt  }
0x5d: {  	_ =	shalt  }
0x5e: {  	_ =	shalt  }
0x5f: {  	_ =	shalt  }
0x60: {  	_ =	shalt  }
0x61: {  	_ =	shalt  }
0x62: {  	_ =	shalt  }
0x63: {  	_ =	shalt  }
0x64: {  	_ =	shalt  }
0x65: {  	_ =	shalt  }
0x66: {  	_ =	shalt  }
0x67: {  	_ =	shalt  }
0x68: {  	_ =	shalt  }
0x69: {  	_ =	shalt  }
0x6a: {  	_ =	shalt  }
0x6b: {  	_ =	shalt  }
0x6c: {  	_ =	shalt  }
0x6d: {  	_ =	shalt  }
0x6e: {  	_ =	shalt  }
0x6f: {  	_ =	shalt  }
0x70: {  	_ =	shalt  }
0x71: {  	_ =	shalt  }
0x72: {  	_ =	shalt  }
0x73: {  	_ =	shalt  }
0x74: {  	_ =	shalt  }
0x75: {  	_ =	shalt  }
0x76: {  	_ =	shalt  }
0x77: {  	_ =	shalt  }
0x78: {  	_ =	shalt  }
0x79: {  	_ =	shalt  }
0x7a: {  	_ =	shalt  }
0x7b: {  	_ =	shalt  }
0x7c: {  	_ =	shalt  }
0x7d: {  	_ =	shalt  }
0x7e: {  	_ =	shalt  }
0x7f: {  	_ =	shalt  }
0x80: {  	_ =	shalt  }
0x81: {  	_ =	shalt  }
0x82: {  	_ =	shalt  }
0x83: {  	_ =	shalt  }
0x84: {  	_ =	shalt  }
0x85: {  	_ =	shalt  }
0x86: {  	_ =	shalt  }
0x87: {  	_ =	shalt  }
.Lfunc_end0:
.L_simem_size_0:
called_computation.1_lowered:
.L_overlay_start_0:
0x88: {  	s2 =	sld [smem:$0x3FD9]  }
0x89: {  	s3 =	sld [smem:$0x3FFE];
	_ =	sdelay $0x1  }
0x8a: {  	s1 =	srdreg.scid  }
0x8b: {  	s0 =	sand.u32 $0x1, s1  }
0x8c: {  	s16 =	sshll.u32 s0, $0xA;
	s2 =	sadd.s32 s3, s2  }
0x8d: {  	s2 =	sadd.s32 s2, s16  }
0x8e: {  	[smem:$0x3FAB] =	sst s2  }
0x8f: {  	_ = 	snop  }
0x90: {  	(tm) =	ssettm $0x1  }
0x91: {  	s17 =	sld [smem:$0x3FFB];
	_ =	sdelay $0x3  }
0x92: {  	_ =	strace s17  }
0x93: {  	s2 =	sld [smem:$0x3FFC];
	_ =	sdelay $0x3  }
0x94: {  	_ =	strace s2  }
0x95: {  	s2 =	sld [smem:$0x3FFD];
	_ =	sdelay $0x3  }
0x96: {  	_ =	strace s2  }
0x97: {  	_ =	strace $0x8FFFFFFF  }
0x98: {  	s18 =	sld [smem:$0x3FDB];
	_ =	sdelay $0x1  }
0x99: {  	s19 =	simm.s32 $_scs_section_size  }
0x9a: {  	s4 =	simm.s32 $_size__tile_overlayer_lowered;
	s5 =	simm.s32 $_tile_overlayer_lowered  }
0x9b: {  	s22 =	simm.s32 $0x1BFF;
	s21 =	sshll.u32 s5, $0x1;
	s2 =	sadd.s32 s19, s18  }
0x9c: {  	s6 =	simm.s32 $0x0;
	s20 =	sshll.u32 s4, $0x1;
	s4 =	sadd.s32 s21, s2  }
0x9d: {  	[timem:s6], [sflag:s22] =	dma.local [hbm:s4], s20  }
0x9e: {  	_ =	swait.ge [sflag:s22], s20  }
0x9f: {  	s3 =	ssub.s32 $0x0, s20;
	[sflag:s22] =	ssyncset.done $0x0  }
0xa0: {  	[sflag:s22] =	ssyncadd.s32 s3;
	_ =	sdelay $0x1  }
0xa1: {  	s23 =	simm.s32 $0x1B8B  }
0xa2: {  	_ =	swait.ge [sflag:s23], $0x1  }
0xa3: {  	[sflag:s23] =	ssyncset.done $0x0  }
0xa4: {  	s25 =	simm.s32 $0x1B8E;
	s24 =	sld [smem:$0x3FFE];
	[sflag:s23] =	ssyncadd.s32 $0xFFFFFFFF  }
0xa5: {  	s26 =	simm.s32 $execute0_lowered;
	[smem:$0x3FD2] =	sst s25  }
0xa6: {  	s4 =	sshll.u32 s26, $0x1;
	_ =	strace $0x80000049;
	[dreg:$0x1] =	wrdreg $0xFFFFFFFF  }
0xa7: {  	s28 =	simm.s32 $_size_execute0_lowered;
	s2 =	sadd.s32 s2, s4;
	[dreg:$0x0] =	wrdreg $0x0  }
0xa8: {  	s4 =	sshll.u32 s28, $0x1;
	[dreg:$0x2] =	wrdreg s2  }
0xa9: {  	[dreg:$0x3] =	wrdreg s4  }
0xaa: {  	[dreg:$0x4] =	wrdreg $0xC0  }
0xab: {  	_ =	task [dreg:s6], $0x5FFFF  }
0xac: {  	[dreg:$0x1] =	wrdreg $0xFFFFFFFF  }
0xad: {  	[dreg:$0x0] =	wrdreg $0x60  }
0xae: {  	[dreg:$0x2] =	wrdreg s24  }
0xaf: {  	[dreg:$0x3] =	wrdreg $0xC6000  }
0xb0: {  	[dreg:$0x4] =	wrdreg $0x9  }
0xb1: {  	_ =	task.clear_ibuf [dreg:s6], $0x5FFFF;
	_ =	strace $0x90000049  }
0xb2: {  	s29 =	simm.s32 $0x9;
	_ =	strace $0x8000004B  }
0xb3: {  	_ =	swait.ge [sflag:s29], $0x1  }
0xb4: {  	[sflag:s29] =	ssyncadd.s32 $0xFFFFFFFF  }
0xb5: {  	_ =	strace $0x9000004B  }
0xb6: {  	_ =	sfence  }
0xb7: {  	s30 =	sld [smem:$0x0];
	_ =	sdelay $0x2  }
0xb8: {  	s31 =	sshll.u32 s1, $0xD;
	s1 =	sshrl.u32 s1, $0x2  }
0xb9: {  	s3 =	sand.u32 $0x4000, s31;
	s1 =	sadd.s32 s1, s30  }
0xba: {  	s0 =	sor.u32 s3, s0;
	s1 =	sshll.u32 s1, $0x11  }
0xbb: {  	s0 =	sor.u32 s1, s0  }
0xbc: {  	s0 =	sadd.s32 $0x8F2B, s0  }
0xbd: {  	[sflag:s0] =	ssyncadd.remote.s32 $0x1  }
0xbe: {  	_ =	sfence.sel $0xFFFF  }
0xbf: {  	[dreg:$0x0] =	wrdreg $0xFFFFFFFF;
	(pc) =	sbr.abs _section_cstart, $3  }
0xc0: {  	[dreg:$0x1] =	wrdreg $0xFFFFFFFF  }
0xc1: {  	_ =	task.clear_ibuf [dreg:s6], $0x2FFFF;
	_ =	strace $0x9FFFFFFF  }
0xc2: {  	(tm) =	ssettm $0x7FFFFFFF  }
0xc3: {  	_ =	shalt  }
tec
execute0_lowered:
.L_overlay_start_1:
0x0: {  	(tag) =	ssettag $0x1  }
0x1: {  	s0 =	rddreg [dreg:$0x0]  }
0x2: {  	s1 =	rddreg [dreg:$0x1];
	s2 =	simm.s32 $0x0  }
0x3: {  	s3 =	srdreg.scid;
	s11 =	stileid.u32;
	s28 =	simm.s32 $0x3  }
0x4: {  	s29 =	simm.s32 $0x1;
	s30 =	simm.s32 $0x8600;
	s31 =	simm.s32 $0x100  }
0x5: {  	[smem:$0x7FF] =	sst s2;
	s4 =	sadd.s32 $0x1A200, s0;
	s6 =	smul.u32 $0x4F000, s11  }
0x6: {  	s5 =	sadd.s32 $0x5200, s0;
	s3 =	sand.u32 $0x1, s3;
	s17 =	smul.u32 $0x13C00, s11  }
0x7: {  	s0 =	sadd.s32 $0x41400, s0;
	s12 =	sadd.s32 $0x138400, s1;
	s20 =	smul.u32 $0x5400, s11  }
0x8: {  	p0 =	seq.s32 s11, $0xF;
	_ =	strace $0x8000004A;
	s7 =	ssub.s32 $0x2, s3  }
0x9: {  	s8 =	sshll.u32 s3, $0x4;
	s15 =	smul.u32 $0x139C00, s3;
	[dreg:$0x7] =	wrdreg s12  }
0xa: {  	s3 =	smul.u32 $0x54000, s3;
	s9 =	sshrl.u32 s7, $0x1;
	s8 =	sor.u32 s11, s8  }
0xb: {  	s6 =	sshrl.u32 s6, $0x2;
	s11 =	simm.s32 $0x500;
	s7 =	ssub.s32 s7, s9  }
0xc: {  	s6 =	sadd.s32 s6, s1;
	s8 =	smul.u32 $0x5400, s8;
	s19 =	sadd.s32 s17, s15  }
0xd: {  	s21 =	sshrl.u32 s15, $0x3;
	s3 =	sadd.s32 s20, s3;
	s13 =	sadd.s32 $0x4000, s6  }
0xe: {  	s9 =	simm.s32 $0x480;
	s14 =	sadd.s32 $0x8000, s6;
	[dreg:$0x3] =	wrdreg s13  }
0xf: {  	s10 =	sadd.s32 $0xC000, s6;
	s16 =	sadd.s32 $0x10000, s6;
	[dreg:$0x4] =	wrdreg s14  }
0x10: {  	s22 =	sadd.s32 $0xA00, s3;
	s23 =	sadd.s32 $0x800, s3;
	[dreg:$0x5] =	wrdreg s10  }
0x11: {  	s7 =	smax.u32 s7, $0x1;
	s26 =	sadd.s32 $0x600, s3;
	[dreg:$0x6] =	wrdreg s16  }
0x12: {  	s3 =	simm.s32 $0x180;
	s8 =	sshrl.u32 s8, $0x3;
	[dreg:$0xd] =	wrdreg s7  }
0x13: {  	s24 =	sshrl.u32 s22, $0x3;
	s25 =	sshrl.u32 s23, $0x3;
	[dreg:$0xe] =	wrdreg s26  }
0x14: {  	s22 =	simm.s32 $0x5;
	s23 =	simm.s32 $0x200;
	s26 =	simm.s32 $0x4600  }
0x15: {  	s7 =	simm.s32 $0x4;
	s10 =	simm.s32 $0x380;
	s14 =	simm.s32 $0x0  }
0x16: {  	s18 =	sadd.s32 s5, s8;
	s8 =	sshrl.u32 s19, $0x3;
	s19 =	sadd.s32 s25, s5  }
0x17: {  	s25 =	simm.s32 $0x80;
	s13 =	sadd.s32 $0x40, s18;
	[dreg:$0x8] =	wrdreg s18  }
.Ltmp0:
0x18: {  	s12 =	sadd.s32 $0x80, s18;
	s8 =	sadd.s32 s0, s8;
	(pc) =	sbr.rel .LBB2_1-.Ltmp0, $4  }
0x19: {  	s0 =	sadd.s32 s0, s21;
	s18 =	sadd.s32 s24, s5;
	[dreg:$0x9] =	wrdreg s13  }
0x1a: {  	s21 =	simm.s32 $0x600;
	s24 =	simm.s32 $0x400;
	[dreg:$0xa] =	wrdreg s12  }
0x1b: {  	[dreg:$0xb] =	wrdreg s8;
	s0 =	sadd.s32 $0x25080, s0;
	s8 =	simm.s32 $0x300  }
0x1c: {  	v0 =	vimm.f32 $0.0e+00;
	s13 =	simm.s32 $0x580;
	[dreg:$0xc] =	wrdreg s0;
	s0 =	simm.s32 $0x280  }
.LBB2_6:
0x1d: {  	[spmem:s1] =	stream.indirect.scatter.add.f32 [tilespmem:s30], [sflag:$0x5], $0x80, s13, s25, $0xb8;
	v63 =	vld [tilespmem:$0x0]  }
0x1e: {  	_ =	swait.ge [sflag:s22], $0x4000  }
0x1f: {  	[sflag:s22] =	ssyncset.done $0x0  }
0x20: {  	[sflag:s22] =	ssyncadd.s32 $0xFFFFC000  }
0x21: {  	[bflag:$0x0] =	sbarrier.arrive $0xFFFF  }
0x22: {  	s12 =	sshrl.u32 @p0 s6, $0x3;
	s15 =	simm.s32 @p0 $0x1FC5;
	s16 =	rddreg [dreg:$0xc]  }
0x23: {  	[hbm:s16], [sflag:s15] =	dma.local @p0 [spmem:s12], $0x2300  }
0x24: {  	s12 =	simm.s32 @p0 $0x5  }
0x25: {  	s15 =	stileid.u32;
	_ =	swait.ge @p0 [sflag:s12], $0x2300  }
0x26: {  	s15 =	sshll.u32 @!p0 s15, $0x6;
	[sflag:s12] =	ssyncset.done @p0 $0x0;
	s16 =	rddreg [dreg:$0xb]  }
0x27: {  	[sflag:s12] =	ssyncadd.s32 @p0 $0xFFFFDD00;
	s12 =	sor.u32 @!p0 $0x1C05, s15;
	s15 =	sshrl.u32 @!p0 s6, $0x3  }
0x28: {  	[hbm:s16], [sflag:s12] =	dma.local @!p0 [spmem:s15], $0x2780  }
0x29: {  	s12 =	simm.s32 @!p0 $0x5  }
0x2a: {  	_ =	swait.ge @!p0 [sflag:s12], $0x2780  }
0x2b: {  	s14 =	sadd.s32 $0x1, s14;
	s20 =	rddreg [dreg:$0xd]  }
0x2c: {  	p1 =	sne.s32 s14, s20  }
.Ltmp1:
0x2d: {  	_ = 	snop;
	(pc) =	sbr.rel @!p1 .LBB2_7-.Ltmp1, $3  }
0x2e: {  	_ =	sdelay $0x1  }
0x2f: {  	[sflag:s12] =	ssyncset.done @!p0 $0x0  }
0x30: {  	[sflag:s12] =	ssyncadd.s32 @!p0 $0xFFFFD880  }
.LBB2_1:
0x31: {  	s15 =	simm.s32 $0x0;
	s20 =	simm.s32 $0x200  }
.LBB2_2:
0x32: {  	p1 =	sne.s32 s20, $0xFE00;
	[tilespmem:s15+$0x670] =	vst v0  }
0x33: {  	[tilespmem:s15+$0x600] =	vst v0  }
0x34: {  	[tilespmem:s15+$0x610] =	vst v0  }
.Ltmp2:
0x35: {  	[tilespmem:s15+$0x620] =	vst v0;
	(pc) =	sbr.rel @p1 .LBB2_2-.Ltmp2, $4  }
0x36: {  	[tilespmem:s15+$0x630] =	vst v0  }
0x37: {  	[tilespmem:s15+$0x640] =	vst v0  }
0x38: {  	[tilespmem:s15+$0x650] =	vst v0  }
0x39: {  	[tilespmem:s15+$0x660] =	vst v0;
	s15 =	sshra.s32 s20, $0x2;
	s20 =	sadd.s32 $0x200, s20  }
0x3a: {  	[tilespmem:s15+$0x670] =	vst v0  }
0x3b: {  	[tilespmem:s15+$0x600] =	vst v0  }
0x3c: {  	[tilespmem:s15+$0x610] =	vst v0  }
0x3d: {  	[tilespmem:s15+$0x620] =	vst v0  }
0x3e: {  	[tilespmem:s15+$0x630] =	vst v0  }
0x3f: {  	[tilespmem:s15+$0x640] =	vst v0  }
0x40: {  	[tilespmem:s15+$0x650] =	vst v0  }
0x41: {  	[tilespmem:s15+$0x660] =	vst v0  }
0x42: {  	[spmem:s6] =	stream.linear.scatter [tilespmem:s21], [sflag:$0x5], $0x4000, $0x38;
	v63 =	vld [tilespmem:$0x0]  }
0x43: {  	_ =	swait.ge [sflag:s22], $0x4000  }
0x44: {  	[sflag:s22] =	ssyncset.done $0x0  }
0x45: {  	s12 =	rddreg [dreg:$0x3];
	[sflag:s22] =	ssyncadd.s32 $0xFFFFC000  }
0x46: {  	[spmem:s12] =	stream.linear.scatter [tilespmem:s21], [sflag:$0x5], $0x4000, $0x38;
	v63 =	vld [tilespmem:$0x0]  }
0x47: {  	_ =	swait.ge [sflag:s22], $0x4000  }
0x48: {  	[sflag:s22] =	ssyncset.done $0x0  }
0x49: {  	s20 =	rddreg [dreg:$0x4];
	[sflag:s22] =	ssyncadd.s32 $0xFFFFC000  }
0x4a: {  	[spmem:s20] =	stream.linear.scatter [tilespmem:s21], [sflag:$0x5], $0x4000, $0x38;
	v63 =	vld [tilespmem:$0x0]  }
0x4b: {  	_ =	swait.ge [sflag:s22], $0x4000  }
0x4c: {  	[sflag:s22] =	ssyncset.done $0x0  }
0x4d: {  	s15 =	rddreg [dreg:$0x5];
	[sflag:s22] =	ssyncadd.s32 $0xFFFFC000  }
0x4e: {  	[spmem:s15] =	stream.linear.scatter [tilespmem:s21], [sflag:$0x5], $0x4000, $0x38;
	v63 =	vld [tilespmem:$0x0]  }
0x4f: {  	_ =	swait.ge [sflag:s22], $0x4000  }
0x50: {  	[sflag:s22] =	ssyncset.done $0x0  }
0x51: {  	s15 =	simm.s32 @p0 $0x600;
	s12 =	rddreg [dreg:$0x7];
	[sflag:s22] =	ssyncadd.s32 $0xFFFFC000  }
0x52: {  	[spmem:s12] =	stream.linear.scatter @p0 [tilespmem:s15], [sflag:$0x5], $0x1800, $0x38;
	v63 =	vld [tilespmem:$0x0]  }
0x53: {  	s15 =	simm.s32 @p0 $0x5  }
0x54: {  	_ =	swait.ge @p0 [sflag:s15], $0x1800  }
0x55: {  	[sflag:s15] =	ssyncset.done @p0 $0x0  }
0x56: {  	s12 =	rddreg [dreg:$0x6];
	[sflag:s15] =	ssyncadd.s32 @p0 $0xFFFFE800;
	s15 =	simm.s32 @!p0 $0x600  }
0x57: {  	[spmem:s12] =	stream.linear.scatter @!p0 [tilespmem:s15], [sflag:$0x5], $0x3C00, $0x38;
	v63 =	vld [tilespmem:$0x0]  }
0x58: {  	s15 =	simm.s32 @!p0 $0x5  }
0x59: {  	_ =	swait.ge @!p0 [sflag:s15], $0x3C00  }
0x5a: {  	[sflag:s15] =	ssyncset.done @!p0 $0x0  }
0x5b: {  	[sflag:s15] =	ssyncadd.s32 @!p0 $0xFFFFC400  }
0x5c: {  	[bflag:$0x0] =	sbarrier.arrive $0xFFFF  }
0x5d: {  	s15 =	simm.s32 $0x0;
	s16 =	rddreg [dreg:$0x8]  }
0x5e: {  	[tilespmem:s15], [sflag:$0x5] =	stream.linear.gather [hbm4b:s16+s15], $0x200, $0x38;
	v63 =	vld [tilespmem:$0x0]  }
0x5f: {  	_ =	swait.ge [sflag:s22], $0x200  }
0x60: {  	[sflag:s22] =	ssyncset.done $0x0  }
0x61: {  	s17 =	rddreg [dreg:$0x9];
	[sflag:s22] =	ssyncadd.s32 $0xFFFFFE00  }
0x62: {  	[tilespmem:s23], [sflag:$0x3] =	stream.linear.gather [hbm4b:s17+s15], $0x200, $0x38;
	v63 =	vld [tilespmem:$0x0]  }
0x63: {  	s20 =	rddreg [dreg:$0xa]  }
0x64: {  	[tilespmem:s24], [sflag:$0x4] =	stream.linear.gather [hbm4b:s20+s15], $0x200, $0x38;
	v63 =	vld [tilespmem:$0x0]  }
0x65: {  	_ = 	snop  }
0x66: {  	[tilespmem:s21], [sflag:$0x1] =	stream.indirect.gather [hbm4b:s4+s25], $0x80, s15, s25, $0xb8;
	v63 =	vld [tilespmem:$0x0]  }
0x67: {  	s20 =	rddreg [dreg:$0xe]  }
0x68: {  	[tilespmem:s26], [sflag:$0x1] =	stream.indirect.gather [hbm4b:s4+s25], $0x80, s25, s25, $0xb8;
	v63 =	vld [tilespmem:$0x0]  }
.LBB2_4:
0x69: {  	_ =	swait.ge [sflag:s28], $0x200  }
0x6a: {  	[sflag:s28] =	ssyncset.done $0x0  }
0x6b: {  	[sflag:s28] =	ssyncadd.s32 $0xFFFFFE00  }
0x6c: {  	_ =	swait.ge [sflag:s29], $0x4000  }
0x6d: {  	[sflag:s29] =	ssyncset.done $0x0  }
0x6e: {  	[sflag:s29] =	ssyncadd.s32 $0xFFFFC000  }
0x6f: {  	[tilespmem:s30], [sflag:$0x1] =	stream.indirect.gather [hbm4b:s4+s25], $0x80, s23, s25, $0xb8;
	v63 =	vld [tilespmem:$0x0]  }
0x70: {  	_ = 	snop  }
0x71: {  	[spmem:s1] =	stream.indirect.scatter.add.f32 [tilespmem:s21], [sflag:$0x5], $0x80, s31, s25, $0xb8;
	v63 =	vld [tilespmem:$0x0]  }
0x72: {  	_ =	swait.ge [sflag:s22], $0x4000  }
0x73: {  	[sflag:s22] =	ssyncset.done $0x0  }
0x74: {  	[sflag:s22] =	ssyncadd.s32 $0xFFFFC000  }
0x75: {  	_ =	swait.ge [sflag:s29], $0x4000  }
0x76: {  	[sflag:s29] =	ssyncset.done $0x0  }
0x77: {  	[sflag:s29] =	ssyncadd.s32 $0xFFFFC000  }
0x78: {  	[tilespmem:s21], [sflag:$0x1] =	stream.indirect.gather [hbm4b:s4+s25], $0x80, s0, s25, $0xb8;
	v63 =	vld [tilespmem:$0x0]  }
0x79: {  	_ = 	snop  }
0x7a: {  	[spmem:s1] =	stream.indirect.scatter.add.f32 [tilespmem:s26], [sflag:$0x5], $0x80, s3, s25, $0xb8;
	v63 =	vld [tilespmem:$0x0]  }
0x7b: {  	p1 =	seq.s32 s15, $0x9C0;
	_ =	swait.ge [sflag:s22], $0x4000  }
0x7c: {  	s12 =	sshrl.u32 @!p1 s20, $0x3;
	[sflag:s22] =	ssyncset.done $0x0  }
0x7d: {  	s17 =	simm.s32 @!p1 $0x0;
	s12 =	sadd.s32 @!p1 s5, s12;
	[sflag:s22] =	ssyncadd.s32 $0xFFFFC000  }
0x7e: {  	[tilespmem:s17], [sflag:$0x2] =	stream.linear.gather @!p1 [hbm4b:s12+s17], $0x200, $0x38;
	v63 =	vld [tilespmem:$0x0]  }
0x7f: {  	_ =	swait.ge [sflag:s7], $0x200  }
0x80: {  	[sflag:s7] =	ssyncset.done $0x0  }
0x81: {  	[sflag:s7] =	ssyncadd.s32 $0xFFFFFE00  }
0x82: {  	_ =	swait.ge [sflag:s29], $0x4000  }
0x83: {  	[sflag:s29] =	ssyncset.done $0x0  }
0x84: {  	[sflag:s29] =	ssyncadd.s32 $0xFFFFC000  }
0x85: {  	[tilespmem:s26], [sflag:$0x1] =	stream.indirect.gather [hbm4b:s4+s25], $0x80, s24, s25, $0xb8;
	v63 =	vld [tilespmem:$0x0]  }
0x86: {  	_ = 	snop  }
0x87: {  	[spmem:s1] =	stream.indirect.scatter.add.f32 [tilespmem:s30], [sflag:$0x5], $0x80, s8, s25, $0xb8;
	v63 =	vld [tilespmem:$0x0]  }
0x88: {  	_ =	swait.ge [sflag:s22], $0x4000  }
0x89: {  	[sflag:s22] =	ssyncset.done $0x0  }
0x8a: {  	[sflag:s22] =	ssyncadd.s32 $0xFFFFC000  }
0x8b: {  	_ =	swait.ge [sflag:s29], $0x4000  }
0x8c: {  	[sflag:s29] =	ssyncset.done $0x0  }
0x8d: {  	[sflag:s29] =	ssyncadd.s32 $0xFFFFC000  }
0x8e: {  	[tilespmem:s30], [sflag:$0x1] =	stream.indirect.gather [hbm4b:s4+s25], $0x80, s9, s25, $0xb8;
	v63 =	vld [tilespmem:$0x0]  }
0x8f: {  	_ = 	snop  }
0x90: {  	[spmem:s1] =	stream.indirect.scatter.add.f32 [tilespmem:s21], [sflag:$0x5], $0x80, s10, s25, $0xb8;
	v63 =	vld [tilespmem:$0x0]  }
0x91: {  	_ =	swait.ge [sflag:s22], $0x4000  }
0x92: {  	[sflag:s22] =	ssyncset.done $0x0  }
0x93: {  	s12 =	simm.s32 @p1 $0x1;
	[sflag:s22] =	ssyncadd.s32 $0xFFFFC000  }
0x94: {  	_ =	swait.ge @p1 [sflag:s12], $0x4000  }
0x95: {  	[sflag:s12] =	ssyncset.done @p1 $0x0  }
0x96: {  	s16 =	simm.s32 @!p1 $0x200;
	[sflag:s12] =	ssyncadd.s32 @p1 $0xFFFFC000;
	s12 =	sadd.s32 @!p1 s15, s19  }
0x97: {  	[tilespmem:s16], [sflag:$0x3] =	stream.linear.gather @!p1 [hbm4b:s12+s17], $0x200, $0x38;
	v63 =	vld [tilespmem:$0x0]  }
0x98: {  	s12 =	simm.s32 @!p1 $0x2  }
0x99: {  	_ =	swait.ge @!p1 [sflag:s12], $0x200  }
0x9a: {  	[sflag:s12] =	ssyncset.done @!p1 $0x0  }
0x9b: {  	[sflag:s12] =	ssyncadd.s32 @!p1 $0xFFFFFE00;
	s12 =	simm.s32 @!p1 $0x1  }
0x9c: {  	_ =	swait.ge @!p1 [sflag:s12], $0x4000  }
0x9d: {  	[sflag:s12] =	ssyncset.done @!p1 $0x0  }
0x9e: {  	s16 =	simm.s32 @!p1 $0x600;
	[sflag:s12] =	ssyncadd.s32 @!p1 $0xFFFFC000;
	s12 =	simm.s32 @!p1 $0x80  }
0x9f: {  	[tilespmem:s16], [sflag:$0x1] =	stream.indirect.gather @!p1 [hbm4b:s4+s12], $0x80, s17, s12, $0xb8;
	v63 =	vld [tilespmem:$0x0]  }
0xa0: {  	_ = 	snop  }
0xa1: {  	[spmem:s1] =	stream.indirect.scatter.add.f32 [tilespmem:s26], [sflag:$0x5], $0x80, s11, s25, $0xb8;
	v63 =	vld [tilespmem:$0x0]  }
0xa2: {  	_ =	swait.ge [sflag:s22], $0x4000  }
.Ltmp3:
0xa3: {  	[sflag:s22] =	ssyncset.done $0x0;
	(pc) =	sbr.rel @p1 .LBB2_6-.Ltmp3, $4  }
0xa4: {  	[sflag:s22] =	ssyncadd.s32 $0xFFFFC000  }
0xa5: {  	_ =	swait.ge [sflag:s29], $0x4000  }
0xa6: {  	[sflag:s29] =	ssyncset.done $0x0  }
0xa7: {  	[sflag:s29] =	ssyncadd.s32 $0xFFFFC000  }
0xa8: {  	[tilespmem:s26], [sflag:$0x1] =	stream.indirect.gather [hbm4b:s4+s25], $0x80, s25, s25, $0xb8;
	v63 =	vld [tilespmem:$0x0]  }
0xa9: {  	_ = 	snop  }
0xaa: {  	[spmem:s1] =	stream.indirect.scatter.add.f32 [tilespmem:s30], [sflag:$0x5], $0x80, s13, s25, $0xb8;
	v63 =	vld [tilespmem:$0x0]  }
.Ltmp4:
0xab: {  	_ = 	snop;
	(pc) =	sbr.rel .LBB2_4-.Ltmp4, $4  }
0xac: {  	_ =	swait.ge [sflag:s22], $0x4000  }
0xad: {  	s12 =	sadd.s32 s15, s18;
	[sflag:s22] =	ssyncset.done $0x0  }
0xae: {  	s15 =	sadd.s32 $0xC0, s15;
	s20 =	sadd.s32 $0x600, s20;
	[sflag:s22] =	ssyncadd.s32 $0xFFFFC000  }
0xaf: {  	[tilespmem:s24], [sflag:$0x4] =	stream.linear.gather [hbm4b:s12+s2], $0x200, $0x38;
	v63 =	vld [tilespmem:$0x0]  }
.LBB2_7:
0xb0: {  	_ =	sfence.sel $0x180000  }
0xb1: {  	[bflag:$0x0] =	sbarrier.arrive $0xFFFF  }
0xb2: {  	_ =	strace $0x9000004A  }
0xb3: {  	s0 =	stileid.u32;
	[bflag:$0x2] =	sbarrier.arrive $0xFFFF  }
0xb4: {  	p0 =	sne.s32 s0, $0x0;
	s0 =	rddreg [dreg:$0x2]  }
0xb5: {  	s0 =	sadd.s32 @!p0 $0x100000, s0  }
0xb6: {  	[sflag:s0] =	ssyncadd.tile.s32 @!p0 $0x1;
	_ =	shalt  }
.Lfunc_end2:
_tile_overlayer_lowered:
.L_overlay_start_2:
0xb7: {  	(tag) =	ssettag $0x2  }
0xb8: {  	s0 =	rddreg [dreg:$0x0];
	s2 =	stileid.u32  }
0xb9: {  	s1 =	rddreg [dreg:$0x1];
	p0 =	sne.s32 s2, $0x0  }
0xba: {  	s3 =	rddreg [dreg:$0x2];
	[bflag:$0x3] =	sbarrier.arrive $0xFFFF;
	s2 =	simm.s32 @!p0 $0x1C05  }
0xbb: {  	[timem:s3], [sflag:s2] =	dma.local @!p0 [hbm:s0], s1  }
0xbc: {  	s0 =	simm.s32 @!p0 $0x5  }
0xbd: {  	_ =	swait.ge @!p0 [sflag:s0], s1  }
0xbe: {  	s1 =	ssub.s32 @!p0 $0x0, s1;
	[sflag:s0] =	ssyncset.done @!p0 $0x0  }
0xbf: {  	[sflag:s0] =	ssyncadd.s32 @!p0 s1  }
0xc0: {  	[bflag:$0x3] =	sbarrier.arrive $0xFFFF  }
0xc1: {  	_ =	shalt  }

// kernel: kernel.14.cloned.1.call-start
scs
__scs_entry_jumppad:
0x0: {  	(pc) =	sbr.rel $0x88, $3  }
0x1: {  	(tag) =	ssettag $0x0;
	lr =	simm.s32 $0x1  }
0x2: {  	[smem:$0x3F84] =	sst lr;
	_ =	strace $0xD0000000  }
0x3: {  	_ = 	snop  }
0x4: {  	_ = 	snop  }
0x5: {  	_ = 	snop  }
0x6: {  	_ = 	snop  }
0x7: {  	_ = 	snop  }
__scs_overlays_trampoline_lowered:
0x8: {  	[smem:$0x3F93] =	sst s0  }
0x9: {  	[smem:$0x3F94] =	sst s1  }
0xa: {  	[smem:$0x3F95] =	sst s2  }
0xb: {  	[smem:$0x3F96] =	sst s3  }
0xc: {  	[smem:$0x3F97] =	sst s4  }
0xd: {  	[smem:$0x3F98] =	sst s5  }
0xe: {  	[smem:$0x3F99] =	sst s6  }
0xf: {  	[smem:$0x3F9A] =	sst s7  }
0x10: {  	[smem:$0x3F9B] =	sst s8  }
0x11: {  	[smem:$0x3F9C] =	sst s9;
	s0 =	simm.s32 @!p0 $0x0  }
0x12: {  	s1 =	sld [smem:$0x3F82];
	s0 =	simm.s32 @p0 $0x1  }
0x13: {  	[smem:$0x3F9D] =	sst s0;
	s0 =	simm.s32 @!p1 $0x0  }
0x14: {  	s2 =	sld [smem:$0x3F81];
	s0 =	simm.s32 @p1 $0x1  }
0x15: {  	[smem:$0x3F9E] =	sst s0;
	s0 =	simm.s32 @!p2 $0x0  }
0x16: {  	s3 =	sld [smem:$0x3FDB];
	s0 =	simm.s32 @p2 $0x1  }
0x17: {  	s4 =	simm.s32 $0x1BF5;
	[smem:$0x3FA0] =	sst s0  }
0x18: {  	s0 =	sld [smem:$0x3F83];
	_ =	swait.ge [sflag:s4], $0x0  }
0x19: {  	s7 =	sld [smem:$0x3F84]  }
0x1a: {  	s8 =	sadd.s32 $0xFFFFE003, lr  }
0x1b: {  	s9 =	sadd.s32 $0xFFFFFEF7, lr;
	s5 =	simm.s32 $0xFFFFFFFF;
	p2 =	slt.u32 s8, $0xFFFFF086  }
0x1c: {  	p1 =	slt.u32 s9, $0xF7A;
	s5 =	simm.s32 @!p2 $0x0  }
0x1d: {  	s5 =	simm.s32 @p1 $0x1;
	p0 =	seq.s32 s7, s2  }
0x1e: {  	s7 =	smul.u32 @!p0 $0xF7A, s2;
	p2 =	seq.s32 @!p0 s5, $0x0  }
0x1f: {  	s9 =	smul.u32 $0xF7A, s1;
	s8 =	simm.s32 @!p0 $0x1BF5;
	p2 =	por !p2, p0  }
0x20: {  	[sflag:s8] =	ssyncset.s32 @!p0 $0xFFFFF086;
	s6 =	sadd.s32 @!p0 s3, s7;
	s7 =	simm.s32 @!p0 $0x108  }
0x21: {  	s3 =	sadd.s32 s3, s9;
	s6 =	sadd.s32 @!p0 $0x88, s6;
	s7 =	simm.s32 @p2 $0x1082  }
0x22: {  	[simem:s7], [sflag:s8] =	dma.local @!p0 [hbm:s6], $0xF7A  }
0x23: {  	s9 =	sor.u32 $0xD0000000, s2;
	s6 =	simm.s32 $0x108;
	_ =	swait.ge @!p0 [sflag:s8], $0x0  }
0x24: {  	s3 =	sadd.s32 $0x88, s3;
	s6 =	simm.s32 @!p1 $0x1082;
	[sflag:s4] =	ssyncset.s32 $0xFFFFF086  }
0x25: {  	[simem:s6], [sflag:s4] =	dma.local [hbm:s3], $0xF7A  }
0x26: {  	[smem:$0x3F84] =	sst s1;
	(tag) =	ssettag s2;
	_ =	strace s9  }
0x27: {  	s1 =	sld [smem:$0x3F94]  }
0x28: {  	s2 =	sld [smem:$0x3F95]  }
0x29: {  	s4 =	sld [smem:$0x3F97]  }
0x2a: {  	p0 =	seq.s32 s5, $0x0;
	s5 =	sld [smem:$0x3F98]  }
0x2b: {  	s6 =	sld [smem:$0x3F99]  }
0x2c: {  	s7 =	sld [smem:$0x3F9A]  }
0x2d: {  	s3 =	simm.s32 $0x108;
	s8 =	sld [smem:$0x3F9B]  }
0x2e: {  	s3 =	simm.s32 @!p0 $0x1082;
	s9 =	sld [smem:$0x3F9C]  }
0x2f: {  	lr =	sadd.s32 s0, s3;
	s0 =	sld [smem:$0x3F93]  }
0x30: {  	s3 =	sld [smem:$0x3F96]  }
0x31: {  	[smem:$0x3F9F] =	sst s10  }
0x32: {  	s10 =	sld [smem:$0x3F9D];
	_ =	sdelay $0x3  }
0x33: {  	p0 =	seq.s32 s10, $0x1;
	s10 =	sld [smem:$0x3F9F];
	_ =	sdelay $0x3  }
0x34: {  	[smem:$0x3F9F] =	sst s10  }
0x35: {  	s10 =	sld [smem:$0x3F9E];
	_ =	sdelay $0x3  }
0x36: {  	p1 =	seq.s32 s10, $0x1;
	s10 =	sld [smem:$0x3F9F];
	_ =	sdelay $0x3  }
0x37: {  	[smem:$0x3F9F] =	sst s10  }
0x38: {  	s10 =	sld [smem:$0x3FA0]  }
0x39: {  	_ = 	snop;
	(pc) =	sbr.ind lr, $3  }
0x3a: {  	_ = 	snop  }
0x3b: {  	_ = 	snop  }
0x3c: {  	p2 =	seq.s32 s10, $0x1;
	s10 =	sld [smem:$0x3F9F]  }
0x3d: {  	_ =	shalt  }
0x3e: {  	_ =	shalt  }
0x3f: {  	_ =	shalt  }
0x40: {  	_ =	shalt  }
0x41: {  	_ =	shalt  }
0x42: {  	_ =	shalt  }
0x43: {  	_ =	shalt  }
0x44: {  	_ =	shalt  }
0x45: {  	_ =	shalt  }
0x46: {  	_ =	shalt  }
0x47: {  	_ =	shalt  }
0x48: {  	_ =	shalt  }
0x49: {  	_ =	shalt  }
0x4a: {  	_ =	shalt  }
0x4b: {  	_ =	shalt  }
0x4c: {  	_ =	shalt  }
0x4d: {  	_ =	shalt  }
0x4e: {  	_ =	shalt  }
0x4f: {  	_ =	shalt  }
0x50: {  	_ =	shalt  }
0x51: {  	_ =	shalt  }
0x52: {  	_ =	shalt  }
0x53: {  	_ =	shalt  }
0x54: {  	_ =	shalt  }
0x55: {  	_ =	shalt  }
0x56: {  	_ =	shalt  }
0x57: {  	_ =	shalt  }
0x58: {  	_ =	shalt  }
0x59: {  	_ =	shalt  }
0x5a: {  	_ =	shalt  }
0x5b: {  	_ =	shalt  }
0x5c: {  	_ =	shalt  }
0x5d: {  	_ =	shalt  }
0x5e: {  	_ =	shalt  }
0x5f: {  	_ =	shalt  }
0x60: {  	_ =	shalt  }
0x61: {  	_ =	shalt  }
0x62: {  	_ =	shalt  }
0x63: {  	_ =	shalt  }
0x64: {  	_ =	shalt  }
0x65: {  	_ =	shalt  }
0x66: {  	_ =	shalt  }
0x67: {  	_ =	shalt  }
0x68: {  	_ =	shalt  }
0x69: {  	_ =	shalt  }
0x6a: {  	_ =	shalt  }
0x6b: {  	_ =	shalt  }
0x6c: {  	_ =	shalt  }
0x6d: {  	_ =	shalt  }
0x6e: {  	_ =	shalt  }
0x6f: {  	_ =	shalt  }
0x70: {  	_ =	shalt  }
0x71: {  	_ =	shalt  }
0x72: {  	_ =	shalt  }
0x73: {  	_ =	shalt  }
0x74: {  	_ =	shalt  }
0x75: {  	_ =	shalt  }
0x76: {  	_ =	shalt  }
0x77: {  	_ =	shalt  }
0x78: {  	_ =	shalt  }
0x79: {  	_ =	shalt  }
0x7a: {  	_ =	shalt  }
0x7b: {  	_ =	shalt  }
0x7c: {  	_ =	shalt  }
0x7d: {  	_ =	shalt  }
0x7e: {  	_ =	shalt  }
0x7f: {  	_ =	shalt  }
0x80: {  	_ =	shalt  }
0x81: {  	_ =	shalt  }
0x82: {  	_ =	shalt  }
0x83: {  	_ =	shalt  }
0x84: {  	_ =	shalt  }
0x85: {  	_ =	shalt  }
0x86: {  	_ =	shalt  }
0x87: {  	_ =	shalt  }
.Lfunc_end0:
.L_simem_size_0:
called_computation.2_lowered:
.L_overlay_start_0:
0x88: {  	s2 =	sld [smem:$0x3FD9]  }
0x89: {  	s3 =	sld [smem:$0x3FFE];
	_ =	sdelay $0x1  }
0x8a: {  	s1 =	srdreg.scid  }
0x8b: {  	s0 =	sand.u32 $0x1, s1  }
0x8c: {  	s16 =	sshll.u32 s0, $0xA;
	s2 =	sadd.s32 s3, s2  }
0x8d: {  	s2 =	sadd.s32 s2, s16  }
0x8e: {  	[smem:$0x3FAB] =	sst s2  }
0x8f: {  	_ = 	snop  }
0x90: {  	(tm) =	ssettm $0x1  }
0x91: {  	s17 =	sld [smem:$0x3FFB];
	_ =	sdelay $0x3  }
0x92: {  	_ =	strace s17  }
0x93: {  	s2 =	sld [smem:$0x3FFC];
	_ =	sdelay $0x3  }
0x94: {  	_ =	strace s2  }
0x95: {  	s2 =	sld [smem:$0x3FFD];
	_ =	sdelay $0x3  }
0x96: {  	_ =	strace s2  }
0x97: {  	_ =	strace $0x8FFFFFFF  }
0x98: {  	s18 =	sld [smem:$0x3FDB];
	_ =	sdelay $0x1  }
0x99: {  	s19 =	simm.s32 $_scs_section_size  }
0x9a: {  	s4 =	simm.s32 $_size__tile_overlayer_lowered;
	s5 =	simm.s32 $_tile_overlayer_lowered  }
0x9b: {  	s22 =	simm.s32 $0x1BFF;
	s21 =	sshll.u32 s5, $0x1;
	s2 =	sadd.s32 s19, s18  }
0x9c: {  	s6 =	simm.s32 $0x0;
	s20 =	sshll.u32 s4, $0x1;
	s4 =	sadd.s32 s21, s2  }
0x9d: {  	[timem:s6], [sflag:s22] =	dma.local [hbm:s4], s20  }
0x9e: {  	_ =	swait.ge [sflag:s22], s20  }
0x9f: {  	s3 =	ssub.s32 $0x0, s20;
	[sflag:s22] =	ssyncset.done $0x0  }
0xa0: {  	[sflag:s22] =	ssyncadd.s32 s3;
	_ =	sdelay $0x1  }
0xa1: {  	s23 =	simm.s32 $0x1B8B  }
0xa2: {  	_ =	swait.ge [sflag:s23], $0x1  }
0xa3: {  	[sflag:s23] =	ssyncset.done $0x0  }
0xa4: {  	s25 =	simm.s32 $0x1B8E;
	s24 =	sld [smem:$0x3FFE];
	[sflag:s23] =	ssyncadd.s32 $0xFFFFFFFF  }
0xa5: {  	s26 =	simm.s32 $execute0_lowered;
	[smem:$0x3FD2] =	sst s25  }
0xa6: {  	s4 =	sshll.u32 s26, $0x1;
	_ =	strace $0x8000004C;
	[dreg:$0x1] =	wrdreg $0xFFFFFFFF  }
0xa7: {  	s28 =	simm.s32 $_size_execute0_lowered;
	s2 =	sadd.s32 s2, s4;
	[dreg:$0x0] =	wrdreg $0x0  }
0xa8: {  	s4 =	sshll.u32 s28, $0x1;
	[dreg:$0x2] =	wrdreg s2  }
0xa9: {  	[dreg:$0x3] =	wrdreg s4  }
0xaa: {  	[dreg:$0x4] =	wrdreg $0xC0  }
0xab: {  	_ =	task [dreg:s6], $0x5FFFF  }
0xac: {  	[dreg:$0x1] =	wrdreg $0xFFFFFFFF  }
0xad: {  	[dreg:$0x0] =	wrdreg $0x60  }
0xae: {  	[dreg:$0x2] =	wrdreg s24  }
0xaf: {  	[dreg:$0x3] =	wrdreg $0xC6000  }
0xb0: {  	[dreg:$0x4] =	wrdreg $0x9  }
0xb1: {  	_ =	task.clear_ibuf [dreg:s6], $0x5FFFF;
	_ =	strace $0x9000004C  }
0xb2: {  	s29 =	simm.s32 $0x9;
	_ =	strace $0x8000004E  }
0xb3: {  	_ =	swait.ge [sflag:s29], $0x1  }
0xb4: {  	[sflag:s29] =	ssyncadd.s32 $0xFFFFFFFF  }
0xb5: {  	_ =	strace $0x9000004E  }
0xb6: {  	_ =	sfence  }
0xb7: {  	s30 =	sld [smem:$0x0];
	_ =	sdelay $0x2  }
0xb8: {  	s31 =	sshll.u32 s1, $0xD;
	s1 =	sshrl.u32 s1, $0x2  }
0xb9: {  	s3 =	sand.u32 $0x4000, s31;
	s1 =	sadd.s32 s1, s30  }
0xba: {  	s0 =	sor.u32 s3, s0;
	s1 =	sshll.u32 s1, $0x11  }
0xbb: {  	s0 =	sor.u32 s1, s0  }
0xbc: {  	s0 =	sadd.s32 $0x8F2B, s0  }
0xbd: {  	[sflag:s0] =	ssyncadd.remote.s32 $0x1  }
0xbe: {  	_ =	sfence.sel $0xFFFF  }
0xbf: {  	[dreg:$0x0] =	wrdreg $0xFFFFFFFF;
	(pc) =	sbr.abs _section_cstart, $3  }
0xc0: {  	[dreg:$0x1] =	wrdreg $0xFFFFFFFF  }
0xc1: {  	_ =	task.clear_ibuf [dreg:s6], $0x2FFFF;
	_ =	strace $0x9FFFFFFF  }
0xc2: {  	(tm) =	ssettm $0x7FFFFFFF  }
0xc3: {  	_ =	shalt  }
tec
execute0_lowered:
.L_overlay_start_1:
0x0: {  	(tag) =	ssettag $0x1  }
0x1: {  	s0 =	rddreg [dreg:$0x0]  }
0x2: {  	s1 =	rddreg [dreg:$0x1];
	s2 =	simm.s32 $0x0  }
0x3: {  	s3 =	srdreg.scid;
	s11 =	stileid.u32;
	s28 =	simm.s32 $0x3  }
0x4: {  	s29 =	simm.s32 $0x1;
	s30 =	simm.s32 $0x8600;
	s31 =	simm.s32 $0x100  }
0x5: {  	[smem:$0x7FF] =	sst s2;
	s4 =	sadd.s32 $0x1A200, s0;
	s6 =	smul.u32 $0x4F000, s11  }
0x6: {  	s5 =	sadd.s32 $0x5200, s0;
	s3 =	sand.u32 $0x1, s3;
	s17 =	smul.u32 $0x13C00, s11  }
0x7: {  	s0 =	sadd.s32 $0x41400, s0;
	s12 =	sadd.s32 $0x138400, s1;
	s20 =	smul.u32 $0x5400, s11  }
0x8: {  	p0 =	seq.s32 s11, $0xF;
	_ =	strace $0x8000004D;
	s7 =	ssub.s32 $0x2, s3  }
0x9: {  	s8 =	sshll.u32 s3, $0x4;
	s15 =	smul.u32 $0x139C00, s3;
	[dreg:$0x7] =	wrdreg s12  }
0xa: {  	s3 =	smul.u32 $0x54000, s3;
	s9 =	sshrl.u32 s7, $0x1;
	s8 =	sor.u32 s11, s8  }
0xb: {  	s6 =	sshrl.u32 s6, $0x2;
	s11 =	simm.s32 $0x500;
	s7 =	ssub.s32 s7, s9  }
0xc: {  	s6 =	sadd.s32 s6, s1;
	s8 =	smul.u32 $0x5400, s8;
	s19 =	sadd.s32 s17, s15  }
0xd: {  	s21 =	sshrl.u32 s15, $0x3;
	s3 =	sadd.s32 s20, s3;
	s13 =	sadd.s32 $0x4000, s6  }
0xe: {  	s9 =	simm.s32 $0x480;
	s14 =	sadd.s32 $0x8000, s6;
	[dreg:$0x3] =	wrdreg s13  }
0xf: {  	s10 =	sadd.s32 $0xC000, s6;
	s16 =	sadd.s32 $0x10000, s6;
	[dreg:$0x4] =	wrdreg s14  }
0x10: {  	s22 =	sadd.s32 $0xA00, s3;
	s23 =	sadd.s32 $0x800, s3;
	[dreg:$0x5] =	wrdreg s10  }
0x11: {  	s7 =	smax.u32 s7, $0x1;
	s26 =	sadd.s32 $0x600, s3;
	[dreg:$0x6] =	wrdreg s16  }
0x12: {  	s3 =	simm.s32 $0x180;
	s8 =	sshrl.u32 s8, $0x3;
	[dreg:$0xd] =	wrdreg s7  }
0x13: {  	s24 =	sshrl.u32 s22, $0x3;
	s25 =	sshrl.u32 s23, $0x3;
	[dreg:$0xe] =	wrdreg s26  }
0x14: {  	s22 =	simm.s32 $0x5;
	s23 =	simm.s32 $0x200;
	s26 =	simm.s32 $0x4600  }
0x15: {  	s7 =	simm.s32 $0x4;
	s10 =	simm.s32 $0x380;
	s14 =	simm.s32 $0x0  }
0x16: {  	s18 =	sadd.s32 s5, s8;
	s8 =	sshrl.u32 s19, $0x3;
	s19 =	sadd.s32 s25, s5  }
0x17: {  	s25 =	simm.s32 $0x80;
	s13 =	sadd.s32 $0x40, s18;
	[dreg:$0x8] =	wrdreg s18  }
.Ltmp0:
0x18: {  	s12 =	sadd.s32 $0x80, s18;
	s8 =	sadd.s32 s0, s8;
	(pc) =	sbr.rel .LBB2_1-.Ltmp0, $4  }
0x19: {  	s0 =	sadd.s32 s0, s21;
	s18 =	sadd.s32 s24, s5;
	[dreg:$0x9] =	wrdreg s13  }
0x1a: {  	s21 =	simm.s32 $0x600;
	s24 =	simm.s32 $0x400;
	[dreg:$0xa] =	wrdreg s12  }
0x1b: {  	[dreg:$0xb] =	wrdreg s8;
	s0 =	sadd.s32 $0x25080, s0;
	s8 =	simm.s32 $0x300  }
0x1c: {  	v0 =	vimm.f32 $0.0e+00;
	s13 =	simm.s32 $0x580;
	[dreg:$0xc] =	wrdreg s0;
	s0 =	simm.s32 $0x280  }
.LBB2_6:
0x1d: {  	[spmem:s1] =	stream.indirect.scatter.add.f32 [tilespmem:s30], [sflag:$0x5], $0x80, s13, s25, $0xb8;
	v63 =	vld [tilespmem:$0x0]  }
0x1e: {  	_ =	swait.ge [sflag:s22], $0x4000  }
0x1f: {  	[sflag:s22] =	ssyncset.done $0x0  }
0x20: {  	[sflag:s22] =	ssyncadd.s32 $0xFFFFC000  }
0x21: {  	[bflag:$0x0] =	sbarrier.arrive $0xFFFF  }
0x22: {  	s12 =	sshrl.u32 @p0 s6, $0x3;
	s15 =	simm.s32 @p0 $0x1FC5;
	s16 =	rddreg [dreg:$0xc]  }
0x23: {  	[hbm:s16], [sflag:s15] =	dma.local @p0 [spmem:s12], $0x2300  }
0x24: {  	s12 =	simm.s32 @p0 $0x5  }
0x25: {  	s15 =	stileid.u32;
	_ =	swait.ge @p0 [sflag:s12], $0x2300  }
0x26: {  	s15 =	sshll.u32 @!p0 s15, $0x6;
	[sflag:s12] =	ssyncset.done @p0 $0x0;
	s16 =	rddreg [dreg:$0xb]  }
0x27: {  	[sflag:s12] =	ssyncadd.s32 @p0 $0xFFFFDD00;
	s12 =	sor.u32 @!p0 $0x1C05, s15;
	s15 =	sshrl.u32 @!p0 s6, $0x3  }
0x28: {  	[hbm:s16], [sflag:s12] =	dma.local @!p0 [spmem:s15], $0x2780  }
0x29: {  	s12 =	simm.s32 @!p0 $0x5  }
0x2a: {  	_ =	swait.ge @!p0 [sflag:s12], $0x2780  }
0x2b: {  	s14 =	sadd.s32 $0x1, s14;
	s20 =	rddreg [dreg:$0xd]  }
0x2c: {  	p1 =	sne.s32 s14, s20  }
.Ltmp1:
0x2d: {  	_ = 	snop;
	(pc) =	sbr.rel @!p1 .LBB2_7-.Ltmp1, $3  }
0x2e: {  	_ =	sdelay $0x1  }
0x2f: {  	[sflag:s12] =	ssyncset.done @!p0 $0x0  }
0x30: {  	[sflag:s12] =	ssyncadd.s32 @!p0 $0xFFFFD880  }
.LBB2_1:
0x31: {  	s15 =	simm.s32 $0x0;
	s20 =	simm.s32 $0x200  }
.LBB2_2:
0x32: {  	p1 =	sne.s32 s20, $0xFE00;
	[tilespmem:s15+$0x670] =	vst v0  }
0x33: {  	[tilespmem:s15+$0x600] =	vst v0  }
0x34: {  	[tilespmem:s15+$0x610] =	vst v0  }
.Ltmp2:
0x35: {  	[tilespmem:s15+$0x620] =	vst v0;
	(pc) =	sbr.rel @p1 .LBB2_2-.Ltmp2, $4  }
0x36: {  	[tilespmem:s15+$0x630] =	vst v0  }
0x37: {  	[tilespmem:s15+$0x640] =	vst v0  }
0x38: {  	[tilespmem:s15+$0x650] =	vst v0  }
0x39: {  	[tilespmem:s15+$0x660] =	vst v0;
	s15 =	sshra.s32 s20, $0x2;
	s20 =	sadd.s32 $0x200, s20  }
0x3a: {  	[tilespmem:s15+$0x670] =	vst v0  }
0x3b: {  	[tilespmem:s15+$0x600] =	vst v0  }
0x3c: {  	[tilespmem:s15+$0x610] =	vst v0  }
0x3d: {  	[tilespmem:s15+$0x620] =	vst v0  }
0x3e: {  	[tilespmem:s15+$0x630] =	vst v0  }
0x3f: {  	[tilespmem:s15+$0x640] =	vst v0  }
0x40: {  	[tilespmem:s15+$0x650] =	vst v0  }
0x41: {  	[tilespmem:s15+$0x660] =	vst v0  }
0x42: {  	[spmem:s6] =	stream.linear.scatter [tilespmem:s21], [sflag:$0x5], $0x4000, $0x38;
	v63 =	vld [tilespmem:$0x0]  }
0x43: {  	_ =	swait.ge [sflag:s22], $0x4000  }
0x44: {  	[sflag:s22] =	ssyncset.done $0x0  }
0x45: {  	s12 =	rddreg [dreg:$0x3];
	[sflag:s22] =	ssyncadd.s32 $0xFFFFC000  }
0x46: {  	[spmem:s12] =	stream.linear.scatter [tilespmem:s21], [sflag:$0x5], $0x4000, $0x38;
	v63 =	vld [tilespmem:$0x0]  }
0x47: {  	_ =	swait.ge [sflag:s22], $0x4000  }
0x48: {  	[sflag:s22] =	ssyncset.done $0x0  }
0x49: {  	s20 =	rddreg [dreg:$0x4];
	[sflag:s22] =	ssyncadd.s32 $0xFFFFC000  }
0x4a: {  	[spmem:s20] =	stream.linear.scatter [tilespmem:s21], [sflag:$0x5], $0x4000, $0x38;
	v63 =	vld [tilespmem:$0x0]  }
0x4b: {  	_ =	swait.ge [sflag:s22], $0x4000  }
0x4c: {  	[sflag:s22] =	ssyncset.done $0x0  }
0x4d: {  	s15 =	rddreg [dreg:$0x5];
	[sflag:s22] =	ssyncadd.s32 $0xFFFFC000  }
0x4e: {  	[spmem:s15] =	stream.linear.scatter [tilespmem:s21], [sflag:$0x5], $0x4000, $0x38;
	v63 =	vld [tilespmem:$0x0]  }
0x4f: {  	_ =	swait.ge [sflag:s22], $0x4000  }
0x50: {  	[sflag:s22] =	ssyncset.done $0x0  }
0x51: {  	s15 =	simm.s32 @p0 $0x600;
	s12 =	rddreg [dreg:$0x7];
	[sflag:s22] =	ssyncadd.s32 $0xFFFFC000  }
0x52: {  	[spmem:s12] =	stream.linear.scatter @p0 [tilespmem:s15], [sflag:$0x5], $0x1800, $0x38;
	v63 =	vld [tilespmem:$0x0]  }
0x53: {  	s15 =	simm.s32 @p0 $0x5  }
0x54: {  	_ =	swait.ge @p0 [sflag:s15], $0x1800  }
0x55: {  	[sflag:s15] =	ssyncset.done @p0 $0x0  }
0x56: {  	s12 =	rddreg [dreg:$0x6];
	[sflag:s15] =	ssyncadd.s32 @p0 $0xFFFFE800;
	s15 =	simm.s32 @!p0 $0x600  }
0x57: {  	[spmem:s12] =	stream.linear.scatter @!p0 [tilespmem:s15], [sflag:$0x5], $0x3C00, $0x38;
	v63 =	vld [tilespmem:$0x0]  }
0x58: {  	s15 =	simm.s32 @!p0 $0x5  }
0x59: {  	_ =	swait.ge @!p0 [sflag:s15], $0x3C00  }
0x5a: {  	[sflag:s15] =	ssyncset.done @!p0 $0x0  }
0x5b: {  	[sflag:s15] =	ssyncadd.s32 @!p0 $0xFFFFC400  }
0x5c: {  	[bflag:$0x0] =	sbarrier.arrive $0xFFFF  }
0x5d: {  	s15 =	simm.s32 $0x0;
	s16 =	rddreg [dreg:$0x8]  }
0x5e: {  	[tilespmem:s15], [sflag:$0x5] =	stream.linear.gather [hbm4b:s16+s15], $0x200, $0x38;
	v63 =	vld [tilespmem:$0x0]  }
0x5f: {  	_ =	swait.ge [sflag:s22], $0x200  }
0x60: {  	[sflag:s22] =	ssyncset.done $0x0  }
0x61: {  	s17 =	rddreg [dreg:$0x9];
	[sflag:s22] =	ssyncadd.s32 $0xFFFFFE00  }
0x62: {  	[tilespmem:s23], [sflag:$0x3] =	stream.linear.gather [hbm4b:s17+s15], $0x200, $0x38;
	v63 =	vld [tilespmem:$0x0]  }
0x63: {  	s20 =	rddreg [dreg:$0xa]  }
0x64: {  	[tilespmem:s24], [sflag:$0x4] =	stream.linear.gather [hbm4b:s20+s15], $0x200, $0x38;
	v63 =	vld [tilespmem:$0x0]  }
0x65: {  	_ = 	snop  }
0x66: {  	[tilespmem:s21], [sflag:$0x1] =	stream.indirect.gather [hbm4b:s4+s25], $0x80, s15, s25, $0xb8;
	v63 =	vld [tilespmem:$0x0]  }
0x67: {  	s20 =	rddreg [dreg:$0xe]  }
0x68: {  	[tilespmem:s26], [sflag:$0x1] =	stream.indirect.gather [hbm4b:s4+s25], $0x80, s25, s25, $0xb8;
	v63 =	vld [tilespmem:$0x0]  }
.LBB2_4:
0x69: {  	_ =	swait.ge [sflag:s28], $0x200  }
0x6a: {  	[sflag:s28] =	ssyncset.done $0x0  }
0x6b: {  	[sflag:s28] =	ssyncadd.s32 $0xFFFFFE00  }
0x6c: {  	_ =	swait.ge [sflag:s29], $0x4000  }
0x6d: {  	[sflag:s29] =	ssyncset.done $0x0  }
0x6e: {  	[sflag:s29] =	ssyncadd.s32 $0xFFFFC000  }
0x6f: {  	[tilespmem:s30], [sflag:$0x1] =	stream.indirect.gather [hbm4b:s4+s25], $0x80, s23, s25, $0xb8;
	v63 =	vld [tilespmem:$0x0]  }
0x70: {  	_ = 	snop  }
0x71: {  	[spmem:s1] =	stream.indirect.scatter.add.f32 [tilespmem:s21], [sflag:$0x5], $0x80, s31, s25, $0xb8;
	v63 =	vld [tilespmem:$0x0]  }
0x72: {  	_ =	swait.ge [sflag:s22], $0x4000  }
0x73: {  	[sflag:s22] =	ssyncset.done $0x0  }
0x74: {  	[sflag:s22] =	ssyncadd.s32 $0xFFFFC000  }
0x75: {  	_ =	swait.ge [sflag:s29], $0x4000  }
0x76: {  	[sflag:s29] =	ssyncset.done $0x0  }
0x77: {  	[sflag:s29] =	ssyncadd.s32 $0xFFFFC000  }
0x78: {  	[tilespmem:s21], [sflag:$0x1] =	stream.indirect.gather [hbm4b:s4+s25], $0x80, s0, s25, $0xb8;
	v63 =	vld [tilespmem:$0x0]  }
0x79: {  	_ = 	snop  }
0x7a: {  	[spmem:s1] =	stream.indirect.scatter.add.f32 [tilespmem:s26], [sflag:$0x5], $0x80, s3, s25, $0xb8;
	v63 =	vld [tilespmem:$0x0]  }
0x7b: {  	p1 =	seq.s32 s15, $0x9C0;
	_ =	swait.ge [sflag:s22], $0x4000  }
0x7c: {  	s12 =	sshrl.u32 @!p1 s20, $0x3;
	[sflag:s22] =	ssyncset.done $0x0  }
0x7d: {  	s17 =	simm.s32 @!p1 $0x0;
	s12 =	sadd.s32 @!p1 s5, s12;
	[sflag:s22] =	ssyncadd.s32 $0xFFFFC000  }
0x7e: {  	[tilespmem:s17], [sflag:$0x2] =	stream.linear.gather @!p1 [hbm4b:s12+s17], $0x200, $0x38;
	v63 =	vld [tilespmem:$0x0]  }
0x7f: {  	_ =	swait.ge [sflag:s7], $0x200  }
0x80: {  	[sflag:s7] =	ssyncset.done $0x0  }
0x81: {  	[sflag:s7] =	ssyncadd.s32 $0xFFFFFE00  }
0x82: {  	_ =	swait.ge [sflag:s29], $0x4000  }
0x83: {  	[sflag:s29] =	ssyncset.done $0x0  }
0x84: {  	[sflag:s29] =	ssyncadd.s32 $0xFFFFC000  }
0x85: {  	[tilespmem:s26], [sflag:$0x1] =	stream.indirect.gather [hbm4b:s4+s25], $0x80, s24, s25, $0xb8;
	v63 =	vld [tilespmem:$0x0]  }
0x86: {  	_ = 	snop  }
0x87: {  	[spmem:s1] =	stream.indirect.scatter.add.f32 [tilespmem:s30], [sflag:$0x5], $0x80, s8, s25, $0xb8;
	v63 =	vld [tilespmem:$0x0]  }
0x88: {  	_ =	swait.ge [sflag:s22], $0x4000  }
0x89: {  	[sflag:s22] =	ssyncset.done $0x0  }
0x8a: {  	[sflag:s22] =	ssyncadd.s32 $0xFFFFC000  }
0x8b: {  	_ =	swait.ge [sflag:s29], $0x4000  }
0x8c: {  	[sflag:s29] =	ssyncset.done $0x0  }
0x8d: {  	[sflag:s29] =	ssyncadd.s32 $0xFFFFC000  }
0x8e: {  	[tilespmem:s30], [sflag:$0x1] =	stream.indirect.gather [hbm4b:s4+s25], $0x80, s9, s25, $0xb8;
	v63 =	vld [tilespmem:$0x0]  }
0x8f: {  	_ = 	snop  }
0x90: {  	[spmem:s1] =	stream.indirect.scatter.add.f32 [tilespmem:s21], [sflag:$0x5], $0x80, s10, s25, $0xb8;
	v63 =	vld [tilespmem:$0x0]  }
0x91: {  	_ =	swait.ge [sflag:s22], $0x4000  }
0x92: {  	[sflag:s22] =	ssyncset.done $0x0  }
0x93: {  	s12 =	simm.s32 @p1 $0x1;
	[sflag:s22] =	ssyncadd.s32 $0xFFFFC000  }
0x94: {  	_ =	swait.ge @p1 [sflag:s12], $0x4000  }
0x95: {  	[sflag:s12] =	ssyncset.done @p1 $0x0  }
0x96: {  	s16 =	simm.s32 @!p1 $0x200;
	[sflag:s12] =	ssyncadd.s32 @p1 $0xFFFFC000;
	s12 =	sadd.s32 @!p1 s15, s19  }
0x97: {  	[tilespmem:s16], [sflag:$0x3] =	stream.linear.gather @!p1 [hbm4b:s12+s17], $0x200, $0x38;
	v63 =	vld [tilespmem:$0x0]  }
0x98: {  	s12 =	simm.s32 @!p1 $0x2  }
0x99: {  	_ =	swait.ge @!p1 [sflag:s12], $0x200  }
0x9a: {  	[sflag:s12] =	ssyncset.done @!p1 $0x0  }
0x9b: {  	[sflag:s12] =	ssyncadd.s32 @!p1 $0xFFFFFE00;
	s12 =	simm.s32 @!p1 $0x1  }
0x9c: {  	_ =	swait.ge @!p1 [sflag:s12], $0x4000  }
0x9d: {  	[sflag:s12] =	ssyncset.done @!p1 $0x0  }
0x9e: {  	s16 =	simm.s32 @!p1 $0x600;
	[sflag:s12] =	ssyncadd.s32 @!p1 $0xFFFFC000;
	s12 =	simm.s32 @!p1 $0x80  }
0x9f: {  	[tilespmem:s16], [sflag:$0x1] =	stream.indirect.gather @!p1 [hbm4b:s4+s12], $0x80, s17, s12, $0xb8;
	v63 =	vld [tilespmem:$0x0]  }
0xa0: {  	_ = 	snop  }
0xa1: {  	[spmem:s1] =	stream.indirect.scatter.add.f32 [tilespmem:s26], [sflag:$0x5], $0x80, s11, s25, $0xb8;
	v63 =	vld [tilespmem:$0x0]  }
0xa2: {  	_ =	swait.ge [sflag:s22], $0x4000  }
.Ltmp3:
0xa3: {  	[sflag:s22] =	ssyncset.done $0x0;
	(pc) =	sbr.rel @p1 .LBB2_6-.Ltmp3, $4  }
0xa4: {  	[sflag:s22] =	ssyncadd.s32 $0xFFFFC000  }
0xa5: {  	_ =	swait.ge [sflag:s29], $0x4000  }
0xa6: {  	[sflag:s29] =	ssyncset.done $0x0  }
0xa7: {  	[sflag:s29] =	ssyncadd.s32 $0xFFFFC000  }
0xa8: {  	[tilespmem:s26], [sflag:$0x1] =	stream.indirect.gather [hbm4b:s4+s25], $0x80, s25, s25, $0xb8;
	v63 =	vld [tilespmem:$0x0]  }
0xa9: {  	_ = 	snop  }
0xaa: {  	[spmem:s1] =	stream.indirect.scatter.add.f32 [tilespmem:s30], [sflag:$0x5], $0x80, s13, s25, $0xb8;
	v63 =	vld [tilespmem:$0x0]  }
.Ltmp4:
0xab: {  	_ = 	snop;
	(pc) =	sbr.rel .LBB2_4-.Ltmp4, $4  }
0xac: {  	_ =	swait.ge [sflag:s22], $0x4000  }
0xad: {  	s12 =	sadd.s32 s15, s18;
	[sflag:s22] =	ssyncset.done $0x0  }
0xae: {  	s15 =	sadd.s32 $0xC0, s15;
	s20 =	sadd.s32 $0x600, s20;
	[sflag:s22] =	ssyncadd.s32 $0xFFFFC000  }
0xaf: {  	[tilespmem:s24], [sflag:$0x4] =	stream.linear.gather [hbm4b:s12+s2], $0x200, $0x38;
	v63 =	vld [tilespmem:$0x0]  }
.LBB2_7:
0xb0: {  	_ =	sfence.sel $0x180000  }
0xb1: {  	[bflag:$0x0] =	sbarrier.arrive $0xFFFF  }
0xb2: {  	_ =	strace $0x9000004D  }
0xb3: {  	s0 =	stileid.u32;
	[bflag:$0x2] =	sbarrier.arrive $0xFFFF  }
0xb4: {  	p0 =	sne.s32 s0, $0x0;
	s0 =	rddreg [dreg:$0x2]  }
0xb5: {  	s0 =	sadd.s32 @!p0 $0x100000, s0  }
0xb6: {  	[sflag:s0] =	ssyncadd.tile.s32 @!p0 $0x1;
	_ =	shalt  }
.Lfunc_end2:
_tile_overlayer_lowered:
.L_overlay_start_2:
0xb7: {  	(tag) =	ssettag $0x2  }
0xb8: {  	s0 =	rddreg [dreg:$0x0];
	s2 =	stileid.u32  }
0xb9: {  	s1 =	rddreg [dreg:$0x1];
	p0 =	sne.s32 s2, $0x0  }
0xba: {  	s3 =	rddreg [dreg:$0x2];
	[bflag:$0x3] =	sbarrier.arrive $0xFFFF;
	s2 =	simm.s32 @!p0 $0x1C05  }
0xbb: {  	[timem:s3], [sflag:s2] =	dma.local @!p0 [hbm:s0], s1  }
0xbc: {  	s0 =	simm.s32 @!p0 $0x5  }
0xbd: {  	_ =	swait.ge @!p0 [sflag:s0], s1  }
0xbe: {  	s1 =	ssub.s32 @!p0 $0x0, s1;
	[sflag:s0] =	ssyncset.done @!p0 $0x0  }
0xbf: {  	[sflag:s0] =	ssyncadd.s32 @!p0 s1  }
0xc0: {  	[bflag:$0x3] =	sbarrier.arrive $0xFFFF  }
0xc1: {  	_ =	shalt  }

// kernel: kernel.8.cloned.1.call-start
scs
__scs_entry_jumppad:
0x0: {  	(pc) =	sbr.rel $0x88, $3  }
0x1: {  	(tag) =	ssettag $0x0;
	lr =	simm.s32 $0x1  }
0x2: {  	[smem:$0x3F84] =	sst lr;
	_ =	strace $0xD0000000  }
0x3: {  	_ = 	snop  }
0x4: {  	_ = 	snop  }
0x5: {  	_ = 	snop  }
0x6: {  	_ = 	snop  }
0x7: {  	_ = 	snop  }
__scs_overlays_trampoline_lowered:
0x8: {  	[smem:$0x3F93] =	sst s0  }
0x9: {  	[smem:$0x3F94] =	sst s1  }
0xa: {  	[smem:$0x3F95] =	sst s2  }
0xb: {  	[smem:$0x3F96] =	sst s3  }
0xc: {  	[smem:$0x3F97] =	sst s4  }
0xd: {  	[smem:$0x3F98] =	sst s5  }
0xe: {  	[smem:$0x3F99] =	sst s6  }
0xf: {  	[smem:$0x3F9A] =	sst s7  }
0x10: {  	[smem:$0x3F9B] =	sst s8  }
0x11: {  	[smem:$0x3F9C] =	sst s9;
	s0 =	simm.s32 @!p0 $0x0  }
0x12: {  	s1 =	sld [smem:$0x3F82];
	s0 =	simm.s32 @p0 $0x1  }
0x13: {  	[smem:$0x3F9D] =	sst s0;
	s0 =	simm.s32 @!p1 $0x0  }
0x14: {  	s2 =	sld [smem:$0x3F81];
	s0 =	simm.s32 @p1 $0x1  }
0x15: {  	[smem:$0x3F9E] =	sst s0;
	s0 =	simm.s32 @!p2 $0x0  }
0x16: {  	s3 =	sld [smem:$0x3FDB];
	s0 =	simm.s32 @p2 $0x1  }
0x17: {  	s4 =	simm.s32 $0x1BF5;
	[smem:$0x3FA0] =	sst s0  }
0x18: {  	s0 =	sld [smem:$0x3F83];
	_ =	swait.ge [sflag:s4], $0x0  }
0x19: {  	s7 =	sld [smem:$0x3F84]  }
0x1a: {  	s8 =	sadd.s32 $0xFFFFE003, lr  }
0x1b: {  	s9 =	sadd.s32 $0xFFFFFEF7, lr;
	s5 =	simm.s32 $0xFFFFFFFF;
	p2 =	slt.u32 s8, $0xFFFFF086  }
0x1c: {  	p1 =	slt.u32 s9, $0xF7A;
	s5 =	simm.s32 @!p2 $0x0  }
0x1d: {  	s5 =	simm.s32 @p1 $0x1;
	p0 =	seq.s32 s7, s2  }
0x1e: {  	s7 =	smul.u32 @!p0 $0xF7A, s2;
	p2 =	seq.s32 @!p0 s5, $0x0  }
0x1f: {  	s9 =	smul.u32 $0xF7A, s1;
	s8 =	simm.s32 @!p0 $0x1BF5;
	p2 =	por !p2, p0  }
0x20: {  	[sflag:s8] =	ssyncset.s32 @!p0 $0xFFFFF086;
	s6 =	sadd.s32 @!p0 s3, s7;
	s7 =	simm.s32 @!p0 $0x108  }
0x21: {  	s3 =	sadd.s32 s3, s9;
	s6 =	sadd.s32 @!p0 $0x88, s6;
	s7 =	simm.s32 @p2 $0x1082  }
0x22: {  	[simem:s7], [sflag:s8] =	dma.local @!p0 [hbm:s6], $0xF7A  }
0x23: {  	s9 =	sor.u32 $0xD0000000, s2;
	s6 =	simm.s32 $0x108;
	_ =	swait.ge @!p0 [sflag:s8], $0x0  }
0x24: {  	s3 =	sadd.s32 $0x88, s3;
	s6 =	simm.s32 @!p1 $0x1082;
	[sflag:s4] =	ssyncset.s32 $0xFFFFF086  }
0x25: {  	[simem:s6], [sflag:s4] =	dma.local [hbm:s3], $0xF7A  }
0x26: {  	[smem:$0x3F84] =	sst s1;
	(tag) =	ssettag s2;
	_ =	strace s9  }
0x27: {  	s1 =	sld [smem:$0x3F94]  }
0x28: {  	s2 =	sld [smem:$0x3F95]  }
0x29: {  	s4 =	sld [smem:$0x3F97]  }
0x2a: {  	p0 =	seq.s32 s5, $0x0;
	s5 =	sld [smem:$0x3F98]  }
0x2b: {  	s6 =	sld [smem:$0x3F99]  }
0x2c: {  	s7 =	sld [smem:$0x3F9A]  }
0x2d: {  	s3 =	simm.s32 $0x108;
	s8 =	sld [smem:$0x3F9B]  }
0x2e: {  	s3 =	simm.s32 @!p0 $0x1082;
	s9 =	sld [smem:$0x3F9C]  }
0x2f: {  	lr =	sadd.s32 s0, s3;
	s0 =	sld [smem:$0x3F93]  }
0x30: {  	s3 =	sld [smem:$0x3F96]  }
0x31: {  	[smem:$0x3F9F] =	sst s10  }
0x32: {  	s10 =	sld [smem:$0x3F9D];
	_ =	sdelay $0x3  }
0x33: {  	p0 =	seq.s32 s10, $0x1;
	s10 =	sld [smem:$0x3F9F];
	_ =	sdelay $0x3  }
0x34: {  	[smem:$0x3F9F] =	sst s10  }
0x35: {  	s10 =	sld [smem:$0x3F9E];
	_ =	sdelay $0x3  }
0x36: {  	p1 =	seq.s32 s10, $0x1;
	s10 =	sld [smem:$0x3F9F];
	_ =	sdelay $0x3  }
0x37: {  	[smem:$0x3F9F] =	sst s10  }
0x38: {  	s10 =	sld [smem:$0x3FA0]  }
0x39: {  	_ = 	snop;
	(pc) =	sbr.ind lr, $3  }
0x3a: {  	_ = 	snop  }
0x3b: {  	_ = 	snop  }
0x3c: {  	p2 =	seq.s32 s10, $0x1;
	s10 =	sld [smem:$0x3F9F]  }
0x3d: {  	_ =	shalt  }
0x3e: {  	_ =	shalt  }
0x3f: {  	_ =	shalt  }
0x40: {  	_ =	shalt  }
0x41: {  	_ =	shalt  }
0x42: {  	_ =	shalt  }
0x43: {  	_ =	shalt  }
0x44: {  	_ =	shalt  }
0x45: {  	_ =	shalt  }
0x46: {  	_ =	shalt  }
0x47: {  	_ =	shalt  }
0x48: {  	_ =	shalt  }
0x49: {  	_ =	shalt  }
0x4a: {  	_ =	shalt  }
0x4b: {  	_ =	shalt  }
0x4c: {  	_ =	shalt  }
0x4d: {  	_ =	shalt  }
0x4e: {  	_ =	shalt  }
0x4f: {  	_ =	shalt  }
0x50: {  	_ =	shalt  }
0x51: {  	_ =	shalt  }
0x52: {  	_ =	shalt  }
0x53: {  	_ =	shalt  }
0x54: {  	_ =	shalt  }
0x55: {  	_ =	shalt  }
0x56: {  	_ =	shalt  }
0x57: {  	_ =	shalt  }
0x58: {  	_ =	shalt  }
0x59: {  	_ =	shalt  }
0x5a: {  	_ =	shalt  }
0x5b: {  	_ =	shalt  }
0x5c: {  	_ =	shalt  }
0x5d: {  	_ =	shalt  }
0x5e: {  	_ =	shalt  }
0x5f: {  	_ =	shalt  }
0x60: {  	_ =	shalt  }
0x61: {  	_ =	shalt  }
0x62: {  	_ =	shalt  }
0x63: {  	_ =	shalt  }
0x64: {  	_ =	shalt  }
0x65: {  	_ =	shalt  }
0x66: {  	_ =	shalt  }
0x67: {  	_ =	shalt  }
0x68: {  	_ =	shalt  }
0x69: {  	_ =	shalt  }
0x6a: {  	_ =	shalt  }
0x6b: {  	_ =	shalt  }
0x6c: {  	_ =	shalt  }
0x6d: {  	_ =	shalt  }
0x6e: {  	_ =	shalt  }
0x6f: {  	_ =	shalt  }
0x70: {  	_ =	shalt  }
0x71: {  	_ =	shalt  }
0x72: {  	_ =	shalt  }
0x73: {  	_ =	shalt  }
0x74: {  	_ =	shalt  }
0x75: {  	_ =	shalt  }
0x76: {  	_ =	shalt  }
0x77: {  	_ =	shalt  }
0x78: {  	_ =	shalt  }
0x79: {  	_ =	shalt  }
0x7a: {  	_ =	shalt  }
0x7b: {  	_ =	shalt  }
0x7c: {  	_ =	shalt  }
0x7d: {  	_ =	shalt  }
0x7e: {  	_ =	shalt  }
0x7f: {  	_ =	shalt  }
0x80: {  	_ =	shalt  }
0x81: {  	_ =	shalt  }
0x82: {  	_ =	shalt  }
0x83: {  	_ =	shalt  }
0x84: {  	_ =	shalt  }
0x85: {  	_ =	shalt  }
0x86: {  	_ =	shalt  }
0x87: {  	_ =	shalt  }
.Lfunc_end0:
.L_simem_size_0:
called_computation_lowered:
.L_overlay_start_0:
0x88: {  	s2 =	sld [smem:$0x3FD9]  }
0x89: {  	s3 =	sld [smem:$0x3FFE];
	_ =	sdelay $0x1  }
0x8a: {  	s1 =	srdreg.scid  }
0x8b: {  	s0 =	sand.u32 $0x1, s1  }
0x8c: {  	s17 =	sshll.u32 s0, $0xA;
	s2 =	sadd.s32 s3, s2  }
0x8d: {  	s2 =	sadd.s32 s2, s17  }
0x8e: {  	[smem:$0x3FAB] =	sst s2  }
0x8f: {  	_ = 	snop  }
0x90: {  	s2 =	sld [smem:$0x3FC9];
	(tm) =	ssettm $0x1  }
0x91: {  	s18 =	sld [smem:$0x3FFB];
	_ =	sdelay $0x3  }
0x92: {  	_ =	strace s18  }
0x93: {  	s3 =	sld [smem:$0x3FFC];
	_ =	sdelay $0x3  }
0x94: {  	_ =	strace s3  }
0x95: {  	s3 =	sld [smem:$0x3FFD];
	_ =	sdelay $0x3  }
0x96: {  	_ =	strace s3  }
0x97: {  	_ =	strace $0x8FFFFFFF  }
0x98: {  	s19 =	sld [smem:$0x3FDB];
	_ =	sdelay $0x1  }
0x99: {  	s4 =	simm.s32 $_scs_section_size  }
0x9a: {  	s5 =	simm.s32 $_size__tile_overlayer_lowered;
	s6 =	simm.s32 $_tile_overlayer_lowered  }
0x9b: {  	s22 =	simm.s32 $0x1BFF;
	s21 =	sshll.u32 s6, $0x1;
	s3 =	sadd.s32 s4, s19  }
0x9c: {  	s7 =	simm.s32 $0x0;
	s20 =	sshll.u32 s5, $0x1;
	s5 =	sadd.s32 s21, s3  }
0x9d: {  	[timem:s7], [sflag:s22] =	dma.local [hbm:s5], s20  }
0x9e: {  	_ =	swait.ge [sflag:s22], s20  }
0x9f: {  	s4 =	ssub.s32 $0x0, s20;
	[sflag:s22] =	ssyncset.done $0x0  }
0xa0: {  	[sflag:s22] =	ssyncadd.s32 s4;
	_ =	sdelay $0x1  }
0xa1: {  	s23 =	simm.s32 $0x1B8B  }
0xa2: {  	_ =	swait.ge [sflag:s23], $0x1  }
0xa3: {  	[sflag:s23] =	ssyncset.done $0x0  }
0xa4: {  	s25 =	simm.s32 $0x1B8E;
	s24 =	sld [smem:$0x3FFE];
	[sflag:s23] =	ssyncadd.s32 $0xFFFFFFFF  }
0xa5: {  	s26 =	simm.s32 $execute0_lowered;
	[smem:$0x3FD2] =	sst s25  }
0xa6: {  	s5 =	sshll.u32 s26, $0x1;
	_ =	strace $0x80000046;
	[dreg:$0x1] =	wrdreg $0xFFFFFFFF  }
0xa7: {  	s28 =	simm.s32 $_size_execute0_lowered;
	s3 =	sadd.s32 s3, s5;
	[dreg:$0x0] =	wrdreg $0x0  }
0xa8: {  	s5 =	sshll.u32 s28, $0x1;
	[dreg:$0x2] =	wrdreg s3  }
0xa9: {  	[dreg:$0x3] =	wrdreg s5  }
0xaa: {  	[dreg:$0x4] =	wrdreg $0xC0  }
0xab: {  	_ =	task [dreg:s7], $0x5FFFF  }
0xac: {  	[dreg:$0x1] =	wrdreg $0xFFFFFFFF  }
0xad: {  	[dreg:$0x0] =	wrdreg $0x60  }
0xae: {  	[dreg:$0x2] =	wrdreg s2  }
0xaf: {  	[dreg:$0x3] =	wrdreg s24  }
0xb0: {  	[dreg:$0x4] =	wrdreg $0xC6000  }
0xb1: {  	[dreg:$0x5] =	wrdreg $0x9  }
0xb2: {  	_ =	task.clear_ibuf [dreg:s7], $0x6FFFF;
	_ =	strace $0x90000046  }
0xb3: {  	s29 =	simm.s32 $0x9;
	_ =	strace $0x80000048  }
0xb4: {  	_ =	swait.ge [sflag:s29], $0x1  }
0xb5: {  	[sflag:s29] =	ssyncadd.s32 $0xFFFFFFFF  }
0xb6: {  	_ =	strace $0x90000048  }
0xb7: {  	_ =	sfence  }
0xb8: {  	s30 =	sld [smem:$0x0];
	_ =	sdelay $0x2  }
0xb9: {  	s31 =	sshll.u32 s1, $0xD;
	s1 =	sshrl.u32 s1, $0x2  }
0xba: {  	s3 =	sand.u32 $0x4000, s31;
	s1 =	sadd.s32 s1, s30  }
0xbb: {  	s0 =	sor.u32 s3, s0;
	s1 =	sshll.u32 s1, $0x11  }
0xbc: {  	s0 =	sor.u32 s1, s0  }
0xbd: {  	s0 =	sadd.s32 $0x8F2B, s0  }
0xbe: {  	[sflag:s0] =	ssyncadd.remote.s32 $0x1  }
0xbf: {  	_ =	sfence.sel $0xFFFF  }
0xc0: {  	[dreg:$0x0] =	wrdreg $0xFFFFFFFF;
	(pc) =	sbr.abs _section_cstart, $3  }
0xc1: {  	[dreg:$0x1] =	wrdreg $0xFFFFFFFF  }
0xc2: {  	_ =	task.clear_ibuf [dreg:s7], $0x2FFFF;
	_ =	strace $0x9FFFFFFF  }
0xc3: {  	(tm) =	ssettm $0x7FFFFFFF  }
tec
execute0_lowered:
.L_overlay_start_1:
0x0: {  	(tag) =	ssettag $0x1  }
0x1: {  	s1 =	rddreg [dreg:$0x0]  }
0x2: {  	s0 =	rddreg [dreg:$0x1]  }
0x3: {  	s2 =	rddreg [dreg:$0x2]  }
0x4: {  	s4 =	simm.s32 $0x0;
	s3 =	srdreg.scid;
	s11 =	stileid.u32  }
0x5: {  	s28 =	simm.s32 $0x3;
	s29 =	simm.s32 $0x1;
	s30 =	simm.s32 $0x8600  }
0x6: {  	s31 =	simm.s32 $0x100;
	[smem:$0x7FF] =	sst s4;
	s6 =	smul.u32 $0x4F000, s11  }
0x7: {  	s5 =	sadd.s32 $0x5200, s0;
	s3 =	sand.u32 $0x1, s3;
	s17 =	smul.u32 $0x13C00, s11  }
0x8: {  	s0 =	sadd.s32 $0x1A200, s0;
	s12 =	sadd.s32 $0x138400, s2;
	s20 =	smul.u32 $0x5400, s11  }
0x9: {  	p0 =	seq.s32 s11, $0xF;
	_ =	strace $0x80000047;
	s7 =	ssub.s32 $0x2, s3  }
0xa: {  	s8 =	sshll.u32 s3, $0x4;
	s15 =	smul.u32 $0x139C00, s3;
	[dreg:$0x8] =	wrdreg s12  }
0xb: {  	s3 =	smul.u32 $0x54000, s3;
	s9 =	sshrl.u32 s7, $0x1;
	s8 =	sor.u32 s11, s8  }
0xc: {  	s6 =	sshrl.u32 s6, $0x2;
	s11 =	simm.s32 $0x500;
	s7 =	ssub.s32 s7, s9  }
0xd: {  	s6 =	sadd.s32 s6, s2;
	s8 =	smul.u32 $0x5400, s8;
	s19 =	sadd.s32 s17, s15  }
0xe: {  	s21 =	sshrl.u32 s15, $0x3;
	s3 =	sadd.s32 s20, s3;
	s13 =	sadd.s32 $0x4000, s6  }
0xf: {  	s9 =	simm.s32 $0x480;
	s14 =	sadd.s32 $0x8000, s6;
	[dreg:$0x4] =	wrdreg s13  }
0x10: {  	s10 =	sadd.s32 $0xC000, s6;
	s16 =	sadd.s32 $0x10000, s6;
	[dreg:$0x5] =	wrdreg s14  }
0x11: {  	s22 =	sadd.s32 $0xA00, s3;
	s23 =	sadd.s32 $0x800, s3;
	[dreg:$0x6] =	wrdreg s10  }
0x12: {  	s7 =	smax.u32 s7, $0x1;
	s26 =	sadd.s32 $0x600, s3;
	[dreg:$0x7] =	wrdreg s16  }
0x13: {  	s3 =	simm.s32 $0x180;
	s8 =	sshrl.u32 s8, $0x3;
	[dreg:$0xe] =	wrdreg s7  }
0x14: {  	s24 =	sshrl.u32 s22, $0x3;
	s25 =	sshrl.u32 s23, $0x3;
	[dreg:$0xf] =	wrdreg s26  }
0x15: {  	s22 =	simm.s32 $0x5;
	s23 =	simm.s32 $0x200;
	s26 =	simm.s32 $0x4600  }
0x16: {  	s7 =	simm.s32 $0x4;
	s10 =	simm.s32 $0x380;
	s14 =	simm.s32 $0x0  }
0x17: {  	s18 =	sadd.s32 s5, s8;
	s8 =	sshrl.u32 s19, $0x3;
	s19 =	sadd.s32 s25, s5  }
0x18: {  	s25 =	simm.s32 $0x80;
	s13 =	sadd.s32 $0x40, s18;
	[dreg:$0x9] =	wrdreg s18  }
.Ltmp0:
0x19: {  	s12 =	sadd.s32 $0x80, s18;
	s8 =	sadd.s32 s0, s8;
	(pc) =	sbr.rel .LBB2_1-.Ltmp0, $4  }
0x1a: {  	s0 =	sadd.s32 s0, s21;
	s18 =	sadd.s32 s24, s5;
	[dreg:$0xa] =	wrdreg s13  }
0x1b: {  	s21 =	simm.s32 $0x600;
	s24 =	simm.s32 $0x400;
	[dreg:$0xb] =	wrdreg s12  }
0x1c: {  	[dreg:$0xc] =	wrdreg s8;
	s0 =	sadd.s32 $0x25080, s0;
	s8 =	simm.s32 $0x300  }
0x1d: {  	v0 =	vimm.f32 $0.0e+00;
	s13 =	simm.s32 $0x580;
	[dreg:$0xd] =	wrdreg s0;
	s0 =	simm.s32 $0x280  }
.LBB2_6:
0x1e: {  	[spmem:s2] =	stream.indirect.scatter.add.f32 [tilespmem:s30], [sflag:$0x5], $0x80, s13, s25, $0xb8;
	v63 =	vld [tilespmem:$0x0]  }
0x1f: {  	_ =	swait.ge [sflag:s22], $0x4000  }
0x20: {  	[sflag:s22] =	ssyncset.done $0x0  }
0x21: {  	[sflag:s22] =	ssyncadd.s32 $0xFFFFC000  }
0x22: {  	[bflag:$0x0] =	sbarrier.arrive $0xFFFF  }
0x23: {  	s12 =	sshrl.u32 @p0 s6, $0x3;
	s15 =	simm.s32 @p0 $0x1FC5;
	s16 =	rddreg [dreg:$0xd]  }
0x24: {  	[hbm:s16], [sflag:s15] =	dma.local @p0 [spmem:s12], $0x2300  }
0x25: {  	s12 =	simm.s32 @p0 $0x5  }
0x26: {  	s15 =	stileid.u32;
	_ =	swait.ge @p0 [sflag:s12], $0x2300  }
0x27: {  	s15 =	sshll.u32 @!p0 s15, $0x6;
	[sflag:s12] =	ssyncset.done @p0 $0x0;
	s16 =	rddreg [dreg:$0xc]  }
0x28: {  	[sflag:s12] =	ssyncadd.s32 @p0 $0xFFFFDD00;
	s12 =	sor.u32 @!p0 $0x1C05, s15;
	s15 =	sshrl.u32 @!p0 s6, $0x3  }
0x29: {  	[hbm:s16], [sflag:s12] =	dma.local @!p0 [spmem:s15], $0x2780  }
0x2a: {  	s12 =	simm.s32 @!p0 $0x5  }
0x2b: {  	_ =	swait.ge @!p0 [sflag:s12], $0x2780  }
0x2c: {  	s14 =	sadd.s32 $0x1, s14;
	s20 =	rddreg [dreg:$0xe]  }
0x2d: {  	p1 =	sne.s32 s14, s20  }
.Ltmp1:
0x2e: {  	_ = 	snop;
	(pc) =	sbr.rel @!p1 .LBB2_7-.Ltmp1, $3  }
0x2f: {  	_ =	sdelay $0x1  }
0x30: {  	[sflag:s12] =	ssyncset.done @!p0 $0x0  }
0x31: {  	[sflag:s12] =	ssyncadd.s32 @!p0 $0xFFFFD880  }
.LBB2_1:
0x32: {  	s15 =	simm.s32 $0x0;
	s20 =	simm.s32 $0x200  }
.LBB2_2:
0x33: {  	p1 =	sne.s32 s20, $0xFE00;
	[tilespmem:s15+$0x670] =	vst v0  }
0x34: {  	[tilespmem:s15+$0x600] =	vst v0  }
0x35: {  	[tilespmem:s15+$0x610] =	vst v0  }
.Ltmp2:
0x36: {  	[tilespmem:s15+$0x620] =	vst v0;
	(pc) =	sbr.rel @p1 .LBB2_2-.Ltmp2, $4  }
0x37: {  	[tilespmem:s15+$0x630] =	vst v0  }
0x38: {  	[tilespmem:s15+$0x640] =	vst v0  }
0x39: {  	[tilespmem:s15+$0x650] =	vst v0  }
0x3a: {  	[tilespmem:s15+$0x660] =	vst v0;
	s15 =	sshra.s32 s20, $0x2;
	s20 =	sadd.s32 $0x200, s20  }
0x3b: {  	[tilespmem:s15+$0x670] =	vst v0  }
0x3c: {  	[tilespmem:s15+$0x600] =	vst v0  }
0x3d: {  	[tilespmem:s15+$0x610] =	vst v0  }
0x3e: {  	[tilespmem:s15+$0x620] =	vst v0  }
0x3f: {  	[tilespmem:s15+$0x630] =	vst v0  }
0x40: {  	[tilespmem:s15+$0x640] =	vst v0  }
0x41: {  	[tilespmem:s15+$0x650] =	vst v0  }
0x42: {  	[tilespmem:s15+$0x660] =	vst v0  }
0x43: {  	[spmem:s6] =	stream.linear.scatter [tilespmem:s21], [sflag:$0x5], $0x4000, $0x38;
	v63 =	vld [tilespmem:$0x0]  }
0x44: {  	_ =	swait.ge [sflag:s22], $0x4000  }
0x45: {  	[sflag:s22] =	ssyncset.done $0x0  }
0x46: {  	s12 =	rddreg [dreg:$0x4];
	[sflag:s22] =	ssyncadd.s32 $0xFFFFC000  }
0x47: {  	[spmem:s12] =	stream.linear.scatter [tilespmem:s21], [sflag:$0x5], $0x4000, $0x38;
	v63 =	vld [tilespmem:$0x0]  }
0x48: {  	_ =	swait.ge [sflag:s22], $0x4000  }
0x49: {  	[sflag:s22] =	ssyncset.done $0x0  }
0x4a: {  	s20 =	rddreg [dreg:$0x5];
	[sflag:s22] =	ssyncadd.s32 $0xFFFFC000  }
0x4b: {  	[spmem:s20] =	stream.linear.scatter [tilespmem:s21], [sflag:$0x5], $0x4000, $0x38;
	v63 =	vld [tilespmem:$0x0]  }
0x4c: {  	_ =	swait.ge [sflag:s22], $0x4000  }
0x4d: {  	[sflag:s22] =	ssyncset.done $0x0  }
0x4e: {  	s15 =	rddreg [dreg:$0x6];
	[sflag:s22] =	ssyncadd.s32 $0xFFFFC000  }
0x4f: {  	[spmem:s15] =	stream.linear.scatter [tilespmem:s21], [sflag:$0x5], $0x4000, $0x38;
	v63 =	vld [tilespmem:$0x0]  }
0x50: {  	_ =	swait.ge [sflag:s22], $0x4000  }
0x51: {  	[sflag:s22] =	ssyncset.done $0x0  }
0x52: {  	s15 =	simm.s32 @p0 $0x600;
	s12 =	rddreg [dreg:$0x8];
	[sflag:s22] =	ssyncadd.s32 $0xFFFFC000  }
0x53: {  	[spmem:s12] =	stream.linear.scatter @p0 [tilespmem:s15], [sflag:$0x5], $0x1800, $0x38;
	v63 =	vld [tilespmem:$0x0]  }
0x54: {  	s15 =	simm.s32 @p0 $0x5  }
0x55: {  	_ =	swait.ge @p0 [sflag:s15], $0x1800  }
0x56: {  	[sflag:s15] =	ssyncset.done @p0 $0x0  }
0x57: {  	s12 =	rddreg [dreg:$0x7];
	[sflag:s15] =	ssyncadd.s32 @p0 $0xFFFFE800;
	s15 =	simm.s32 @!p0 $0x600  }
0x58: {  	[spmem:s12] =	stream.linear.scatter @!p0 [tilespmem:s15], [sflag:$0x5], $0x3C00, $0x38;
	v63 =	vld [tilespmem:$0x0]  }
0x59: {  	s15 =	simm.s32 @!p0 $0x5  }
0x5a: {  	_ =	swait.ge @!p0 [sflag:s15], $0x3C00  }
0x5b: {  	[sflag:s15] =	ssyncset.done @!p0 $0x0  }
0x5c: {  	[sflag:s15] =	ssyncadd.s32 @!p0 $0xFFFFC400  }
0x5d: {  	[bflag:$0x0] =	sbarrier.arrive $0xFFFF  }
0x5e: {  	s15 =	simm.s32 $0x0;
	s16 =	rddreg [dreg:$0x9]  }
0x5f: {  	[tilespmem:s15], [sflag:$0x5] =	stream.linear.gather [hbm4b:s16+s15], $0x200, $0x38;
	v63 =	vld [tilespmem:$0x0]  }
0x60: {  	_ =	swait.ge [sflag:s22], $0x200  }
0x61: {  	[sflag:s22] =	ssyncset.done $0x0  }
0x62: {  	s17 =	rddreg [dreg:$0xa];
	[sflag:s22] =	ssyncadd.s32 $0xFFFFFE00  }
0x63: {  	[tilespmem:s23], [sflag:$0x3] =	stream.linear.gather [hbm4b:s17+s15], $0x200, $0x38;
	v63 =	vld [tilespmem:$0x0]  }
0x64: {  	s20 =	rddreg [dreg:$0xb]  }
0x65: {  	[tilespmem:s24], [sflag:$0x4] =	stream.linear.gather [hbm4b:s20+s15], $0x200, $0x38;
	v63 =	vld [tilespmem:$0x0]  }
0x66: {  	_ = 	snop  }
0x67: {  	[tilespmem:s21], [sflag:$0x1] =	stream.indirect.gather [hbm4b:s1+s25], $0x80, s15, s25, $0xb8;
	v63 =	vld [tilespmem:$0x0]  }
0x68: {  	s20 =	rddreg [dreg:$0xf]  }
0x69: {  	[tilespmem:s26], [sflag:$0x1] =	stream.indirect.gather [hbm4b:s1+s25], $0x80, s25, s25, $0xb8;
	v63 =	vld [tilespmem:$0x0]  }
.LBB2_4:
0x6a: {  	_ =	swait.ge [sflag:s28], $0x200  }
0x6b: {  	[sflag:s28] =	ssyncset.done $0x0  }
0x6c: {  	[sflag:s28] =	ssyncadd.s32 $0xFFFFFE00  }
0x6d: {  	_ =	swait.ge [sflag:s29], $0x4000  }
0x6e: {  	[sflag:s29] =	ssyncset.done $0x0  }
0x6f: {  	[sflag:s29] =	ssyncadd.s32 $0xFFFFC000  }
0x70: {  	[tilespmem:s30], [sflag:$0x1] =	stream.indirect.gather [hbm4b:s1+s25], $0x80, s23, s25, $0xb8;
	v63 =	vld [tilespmem:$0x0]  }
0x71: {  	_ = 	snop  }
0x72: {  	[spmem:s2] =	stream.indirect.scatter.add.f32 [tilespmem:s21], [sflag:$0x5], $0x80, s31, s25, $0xb8;
	v63 =	vld [tilespmem:$0x0]  }
0x73: {  	_ =	swait.ge [sflag:s22], $0x4000  }
0x74: {  	[sflag:s22] =	ssyncset.done $0x0  }
0x75: {  	[sflag:s22] =	ssyncadd.s32 $0xFFFFC000  }
0x76: {  	_ =	swait.ge [sflag:s29], $0x4000  }
0x77: {  	[sflag:s29] =	ssyncset.done $0x0  }
0x78: {  	[sflag:s29] =	ssyncadd.s32 $0xFFFFC000  }
0x79: {  	[tilespmem:s21], [sflag:$0x1] =	stream.indirect.gather [hbm4b:s1+s25], $0x80, s0, s25, $0xb8;
	v63 =	vld [tilespmem:$0x0]  }
0x7a: {  	_ = 	snop  }
0x7b: {  	[spmem:s2] =	stream.indirect.scatter.add.f32 [tilespmem:s26], [sflag:$0x5], $0x80, s3, s25, $0xb8;
	v63 =	vld [tilespmem:$0x0]  }
0x7c: {  	p1 =	seq.s32 s15, $0x9C0;
	_ =	swait.ge [sflag:s22], $0x4000  }
0x7d: {  	s12 =	sshrl.u32 @!p1 s20, $0x3;
	[sflag:s22] =	ssyncset.done $0x0  }
0x7e: {  	s17 =	simm.s32 @!p1 $0x0;
	s12 =	sadd.s32 @!p1 s5, s12;
	[sflag:s22] =	ssyncadd.s32 $0xFFFFC000  }
0x7f: {  	[tilespmem:s17], [sflag:$0x2] =	stream.linear.gather @!p1 [hbm4b:s12+s17], $0x200, $0x38;
	v63 =	vld [tilespmem:$0x0]  }
0x80: {  	_ =	swait.ge [sflag:s7], $0x200  }
0x81: {  	[sflag:s7] =	ssyncset.done $0x0  }
0x82: {  	[sflag:s7] =	ssyncadd.s32 $0xFFFFFE00  }
0x83: {  	_ =	swait.ge [sflag:s29], $0x4000  }
0x84: {  	[sflag:s29] =	ssyncset.done $0x0  }
0x85: {  	[sflag:s29] =	ssyncadd.s32 $0xFFFFC000  }
0x86: {  	[tilespmem:s26], [sflag:$0x1] =	stream.indirect.gather [hbm4b:s1+s25], $0x80, s24, s25, $0xb8;
	v63 =	vld [tilespmem:$0x0]  }
0x87: {  	_ = 	snop  }
0x88: {  	[spmem:s2] =	stream.indirect.scatter.add.f32 [tilespmem:s30], [sflag:$0x5], $0x80, s8, s25, $0xb8;
	v63 =	vld [tilespmem:$0x0]  }
0x89: {  	_ =	swait.ge [sflag:s22], $0x4000  }
0x8a: {  	[sflag:s22] =	ssyncset.done $0x0  }
0x8b: {  	[sflag:s22] =	ssyncadd.s32 $0xFFFFC000  }
0x8c: {  	_ =	swait.ge [sflag:s29], $0x4000  }
0x8d: {  	[sflag:s29] =	ssyncset.done $0x0  }
0x8e: {  	[sflag:s29] =	ssyncadd.s32 $0xFFFFC000  }
0x8f: {  	[tilespmem:s30], [sflag:$0x1] =	stream.indirect.gather [hbm4b:s1+s25], $0x80, s9, s25, $0xb8;
	v63 =	vld [tilespmem:$0x0]  }
0x90: {  	_ = 	snop  }
0x91: {  	[spmem:s2] =	stream.indirect.scatter.add.f32 [tilespmem:s21], [sflag:$0x5], $0x80, s10, s25, $0xb8;
	v63 =	vld [tilespmem:$0x0]  }
0x92: {  	_ =	swait.ge [sflag:s22], $0x4000  }
0x93: {  	[sflag:s22] =	ssyncset.done $0x0  }
0x94: {  	s12 =	simm.s32 @p1 $0x1;
	[sflag:s22] =	ssyncadd.s32 $0xFFFFC000  }
0x95: {  	_ =	swait.ge @p1 [sflag:s12], $0x4000  }
0x96: {  	[sflag:s12] =	ssyncset.done @p1 $0x0  }
0x97: {  	s16 =	simm.s32 @!p1 $0x200;
	[sflag:s12] =	ssyncadd.s32 @p1 $0xFFFFC000;
	s12 =	sadd.s32 @!p1 s15, s19  }
0x98: {  	[tilespmem:s16], [sflag:$0x3] =	stream.linear.gather @!p1 [hbm4b:s12+s17], $0x200, $0x38;
	v63 =	vld [tilespmem:$0x0]  }
0x99: {  	s12 =	simm.s32 @!p1 $0x2  }
0x9a: {  	_ =	swait.ge @!p1 [sflag:s12], $0x200  }
0x9b: {  	[sflag:s12] =	ssyncset.done @!p1 $0x0  }
0x9c: {  	[sflag:s12] =	ssyncadd.s32 @!p1 $0xFFFFFE00;
	s12 =	simm.s32 @!p1 $0x1  }
0x9d: {  	_ =	swait.ge @!p1 [sflag:s12], $0x4000  }
0x9e: {  	[sflag:s12] =	ssyncset.done @!p1 $0x0  }
0x9f: {  	s16 =	simm.s32 @!p1 $0x600;
	[sflag:s12] =	ssyncadd.s32 @!p1 $0xFFFFC000;
	s12 =	simm.s32 @!p1 $0x80  }
0xa0: {  	[tilespmem:s16], [sflag:$0x1] =	stream.indirect.gather @!p1 [hbm4b:s1+s12], $0x80, s17, s12, $0xb8;
	v63 =	vld [tilespmem:$0x0]  }
0xa1: {  	_ = 	snop  }
0xa2: {  	[spmem:s2] =	stream.indirect.scatter.add.f32 [tilespmem:s26], [sflag:$0x5], $0x80, s11, s25, $0xb8;
	v63 =	vld [tilespmem:$0x0]  }
0xa3: {  	_ =	swait.ge [sflag:s22], $0x4000  }
.Ltmp3:
0xa4: {  	[sflag:s22] =	ssyncset.done $0x0;
	(pc) =	sbr.rel @p1 .LBB2_6-.Ltmp3, $4  }
0xa5: {  	[sflag:s22] =	ssyncadd.s32 $0xFFFFC000  }
0xa6: {  	_ =	swait.ge [sflag:s29], $0x4000  }
0xa7: {  	[sflag:s29] =	ssyncset.done $0x0  }
0xa8: {  	[sflag:s29] =	ssyncadd.s32 $0xFFFFC000  }
0xa9: {  	[tilespmem:s26], [sflag:$0x1] =	stream.indirect.gather [hbm4b:s1+s25], $0x80, s25, s25, $0xb8;
	v63 =	vld [tilespmem:$0x0]  }
0xaa: {  	_ = 	snop  }
0xab: {  	[spmem:s2] =	stream.indirect.scatter.add.f32 [tilespmem:s30], [sflag:$0x5], $0x80, s13, s25, $0xb8;
	v63 =	vld [tilespmem:$0x0]  }
.Ltmp4:
0xac: {  	_ = 	snop;
	(pc) =	sbr.rel .LBB2_4-.Ltmp4, $4  }
0xad: {  	_ =	swait.ge [sflag:s22], $0x4000  }
0xae: {  	s12 =	sadd.s32 s15, s18;
	[sflag:s22] =	ssyncset.done $0x0  }
0xaf: {  	s15 =	sadd.s32 $0xC0, s15;
	s20 =	sadd.s32 $0x600, s20;
	[sflag:s22] =	ssyncadd.s32 $0xFFFFC000  }
0xb0: {  	[tilespmem:s24], [sflag:$0x4] =	stream.linear.gather [hbm4b:s12+s4], $0x200, $0x38;
	v63 =	vld [tilespmem:$0x0]  }
.LBB2_7:
0xb1: {  	_ =	sfence.sel $0x180000  }
0xb2: {  	[bflag:$0x0] =	sbarrier.arrive $0xFFFF  }
0xb3: {  	_ =	strace $0x90000047  }
0xb4: {  	s0 =	stileid.u32;
	[bflag:$0x2] =	sbarrier.arrive $0xFFFF  }
0xb5: {  	p0 =	sne.s32 s0, $0x0;
	s0 =	rddreg [dreg:$0x3]  }
0xb6: {  	s0 =	sadd.s32 @!p0 $0x100000, s0  }
0xb7: {  	[sflag:s0] =	ssyncadd.tile.s32 @!p0 $0x1;
	_ =	shalt  }
.Lfunc_end2:
_tile_overlayer_lowered:
.L_overlay_start_2:
0xb8: {  	(tag) =	ssettag $0x2  }
0xb9: {  	s0 =	rddreg [dreg:$0x0];
	s2 =	stileid.u32  }
0xba: {  	s1 =	rddreg [dreg:$0x1];
	p0 =	sne.s32 s2, $0x0  }
0xbb: {  	s3 =	rddreg [dreg:$0x2];
	[bflag:$0x3] =	sbarrier.arrive $0xFFFF;
	s2 =	simm.s32 @!p0 $0x1C05  }
0xbc: {  	[timem:s3], [sflag:s2] =	dma.local @!p0 [hbm:s0], s1  }
0xbd: {  	s0 =	simm.s32 @!p0 $0x5  }
0xbe: {  	_ =	swait.ge @!p0 [sflag:s0], s1  }
0xbf: {  	s1 =	ssub.s32 @!p0 $0x0, s1;
	[sflag:s0] =	ssyncset.done @!p0 $0x0  }
0xc0: {  	[sflag:s0] =	ssyncadd.s32 @!p0 s1  }
0xc1: {  	[bflag:$0x3] =	sbarrier.arrive $0xFFFF  }
0xc2: {  	_ =	shalt  }

</sc_bundles>
